<compile_context>
chip_gen: v7x
topology: tpu7x:2x2x1
jax: 0.10.2.dev20260603
libtpu: 0.0.44.dev20260713+nightly
codegen_flags: <defaults>
</compile_context>

<pallas_src>
import functools

import jax
import jax.numpy as jnp
from jax import lax
from jax.experimental import pallas as pl
from jax.experimental.pallas import tpu as pltpu
from jax.experimental.pallas import tpu_sc as plsc

N_NODES = 100000
N_EDGES = 6400000
CHUNK = 2048
IDXR = CHUNK // 128
NCHUNKS = N_EDGES // CHUNK
NGROUPS = 10
TRIPS = (NCHUNKS + NGROUPS - 1) // NGROUPS
N_PAD = 100096
NR = N_PAD // 128


def _sc_scatter_partials(eidx, fpad, zeros):
    mesh = plsc.VectorSubcoreMesh(core_axis_name="c", subcore_axis_name="s")

    @functools.partial(
        pl.kernel,
        out_type=jax.ShapeDtypeStruct((2, 16, N_PAD), jnp.float32),
        mesh=mesh,
        compiler_params=pltpu.CompilerParams(
            use_tc_tiling_on_sc=False, needs_layout_passes=False),
        scratch_types=[
            pltpu.VMEM((N_PAD,), jnp.float32),
            pltpu.VMEM((IDXR, 128), jnp.int32),
            pltpu.VMEM((IDXR, 128), jnp.int32),
            pltpu.VMEM((IDXR, 128), jnp.float32),
            pltpu.VMEM((IDXR, 128), jnp.float32),
            pltpu.SemaphoreType.DMA,
            pltpu.SemaphoreType.DMA,
            pltpu.SemaphoreType.DMA,
            pltpu.SemaphoreType.DMA,
        ],
    )
    def scatter_kernel(idx_hbm, f_hbm, z_hbm, part_hbm,
                       acc, i0, i1, f0, f1, si0, si1, sf0, sf1):
        core = lax.axis_index("c")
        s = lax.axis_index("s")
        group = s // 3
        comp = s % 3
        gid = core * 5 + group
        active = s < 15

        @pl.when(active)
        def _():
            pltpu.sync_copy(z_hbm, acc)

        bufs = ((i0, f0, si0, sf0), (i1, f1, si1, sf1))

        def issue_loads(t, ib, fb, si, sf):
            cid = gid + NGROUPS * t

            @pl.when(active & (cid < NCHUNKS))
            def _():
                pltpu.async_copy(
                    idx_hbm.at[pl.ds(cid * IDXR, IDXR), 0, :], ib, si)
                pltpu.async_copy(
                    f_hbm.at[pl.ds(cid * IDXR, IDXR), comp, :], fb, sf)

        for b in range(2):
            issue_loads(b, *bufs[b])

        def outer(o, _):
            for b in range(2):
                t = 2 * o + b
                ib, fb, si, sf = bufs[b]
                cid = gid + NGROUPS * t

                @pl.when(active & (cid < NCHUNKS))
                def _():
                    pltpu.make_async_copy(
                        idx_hbm.at[pl.ds(cid * IDXR, IDXR), 0, :],
                        ib, si).wait()
                    pltpu.make_async_copy(
                        f_hbm.at[pl.ds(cid * IDXR, IDXR), comp, :],
                        fb, sf).wait()

                    for q2 in range(IDXR):
                        for l in range(8):
                            nidx = ib[q2, pl.ds(l * 16, 16)]
                            vals = fb[q2, pl.ds(l * 16, 16)]
                            plsc.addupdate_scatter(acc, [nidx], vals)

                issue_loads(t + 2, ib, fb, si, sf)
            return 0

        lax.fori_loop(0, (TRIPS + 2) // 2, outer, 0)

        @pl.when(active)
        def _():
            pltpu.sync_copy(acc, part_hbm.at[core, s])

    return scatter_kernel(eidx, fpad, zeros)


def _tc_add_partials(parts):
    def add_body(p_ref, o_ref):
        for comp in range(3):
            rows = [16 * core + 3 * g + comp
                    for core in range(2) for g in range(5)]
            total = p_ref[rows[0]]
            for r in rows[1:]:
                total = total + p_ref[r]
            o_ref[comp, :, :] = total

    return pl.pallas_call(
        add_body,
        out_shape=jax.ShapeDtypeStruct((3, NR, 128), jnp.float32),
    )(parts)


def kernel(edge_index, edge_forces, atom_types):
    del atom_types
    zeros = jnp.zeros((N_PAD,), jnp.float32)
    eidx = edge_index.reshape(2, N_EDGES // 128, 128).transpose(1, 0, 2)
    ep = edge_forces.reshape(N_EDGES // 128, 128, 3).transpose(0, 2, 1)
    fpad = jnp.concatenate(
        [ep, jnp.zeros((N_EDGES // 128, 1, 128), jnp.float32)], axis=1)
    parts = _sc_scatter_partials(eidx, fpad, zeros)
    parts2 = parts.reshape(2 * 16, NR, 128)
    summed = _tc_add_partials(parts2)
    out3n = summed.reshape(3, N_PAD)[:, :N_NODES]
    return out3n.T

# --- scband reference (transcript-rebuilt; emitter-appended) ---
"""Pipeline reference for scband-edgewise-forces-sum-69088843924105 (READ-ONLY COPY).

The authoritative reference and input builder live on the scoring server;
editing this copy changes nothing except your own understanding.
"""

import jax, jax.numpy as jnp
import numpy as np

N_NODES = 100000
N_EDGES = 6400000


def setup_inputs(seed: int = 0) -> dict:
    key = jax.random.key(seed)
    k1, k2, k3 = jax.random.split(key, 3)
    edge_index = jax.random.randint(k1, (2, N_EDGES), 0, N_NODES, dtype=jnp.int32)
    edge_forces = jax.random.normal(k2, (N_EDGES, 3), dtype=jnp.float32)
    atom_types = jax.random.randint(k3, (N_NODES, 1), 0, 32, dtype=jnp.int32)
    return {"edge_index": edge_index, "edge_forces": edge_forces, "atom_types": atom_types}


def reference(edge_index, edge_forces, atom_types):
    # edge_center = data[EDGE_INDEX_KEY][0]
    edge_center = edge_index[0]
    # species = data[ATOM_TYPE_KEY].squeeze(-1); dim_size = len(species)
    species = jnp.squeeze(atom_types, axis=-1)
    dim_size = species.shape[0]
    # atom_f = scatter(edge_f, edge_center, dim=0, dim_size=len(species))  (sum reduction)
    atom_f = jax.ops.segment_sum(edge_forces, edge_center, num_segments=dim_size)
    return atom_f

if __name__ == "__main__":
    import jax
    _d = setup_inputs()
    print(jax.jit(kernel)(*tuple(_d.values())))

</pallas_src>

<mosaic_0001>
#map = affine_map<(d0, d1) -> (0, 0, 0)>
#map1 = affine_map<(d0, d1) -> (0)>
module attributes {stable_mosaic.version = 14 : i64} {
  func.func @scatter_kernel(%arg0: i32, %arg1: i32, %arg2: memref<50000x2x128xi32, #tpu.memory_space<hbm>>, %arg3: memref<50000x4x128xf32, #tpu.memory_space<hbm>>, %arg4: memref<100096xf32, #tpu.memory_space<hbm>>, %arg5: memref<2x16x100096xf32, #tpu.memory_space<hbm>>, %arg6: memref<100096xf32, #tpu.memory_space<vmem>>, %arg7: memref<16x128xi32, #tpu.memory_space<vmem>>, %arg8: memref<16x128xi32, #tpu.memory_space<vmem>>, %arg9: memref<16x128xf32, #tpu.memory_space<vmem>>, %arg10: memref<16x128xf32, #tpu.memory_space<vmem>>, %arg11: memref<!tpu.dma_semaphore, #tpu.memory_space<semaphore_mem>>, %arg12: memref<!tpu.dma_semaphore, #tpu.memory_space<semaphore_mem>>, %arg13: memref<!tpu.dma_semaphore, #tpu.memory_space<semaphore_mem>>, %arg14: memref<!tpu.dma_semaphore, #tpu.memory_space<semaphore_mem>>) attributes {dimension_semantics = [#tpu.dimension_semantics<core_parallel>, #tpu.dimension_semantics<subcore_parallel>], iteration_bounds = array<i64: 2, 16>, scalar_prefetch = 0 : i64, scratch_operands = 9 : i64, tpu.core_type = #tpu.core_type<sc_vector_subcore>, window_params = [{transform_indices = #map}, {transform_indices = #map}, {transform_indices = #map1}, {transform_indices = #map}]} {
    %jit3A = arith.constant 3 : i32
    %div3A = arith.divsi %arg1, %jit3A : i32
    %sign3A = arith.constant 0 : i32
    %sign3A_0 = arith.cmpi sgt, %arg1, %sign3A : i32
    %sign3A_1 = arith.extui %sign3A_0 : i1 to i32
    %sign3A_2 = arith.constant 0 : i32
    %sign3A_3 = arith.cmpi slt, %arg1, %sign3A_2 : i32
    %sign3A_4 = arith.extui %sign3A_3 : i1 to i32
    %sign3A_5 = arith.subi %sign3A_1, %sign3A_4 : i32
    %sign3A_6 = arith.constant 0 : i32
    %sign3A_7 = arith.cmpi sgt, %jit3A, %sign3A_6 : i32
    %sign3A_8 = arith.extui %sign3A_7 : i1 to i32
    %sign3A_9 = arith.constant 0 : i32
    %sign3A_10 = arith.cmpi slt, %jit3A, %sign3A_9 : i32
    %sign3A_11 = arith.extui %sign3A_10 : i1 to i32
    %sign3A_12 = arith.subi %sign3A_8, %sign3A_11 : i32
    %ne3A = arith.cmpi ne, %sign3A_5, %sign3A_12 : i32
    %rem3A = arith.remsi %arg1, %jit3A : i32
    %ne3A_13 = arith.constant 0 : i32
    %ne3A_14 = arith.cmpi ne, %rem3A, %ne3A_13 : i32
    %and3A = arith.andi %ne3A, %ne3A_14 : i1
    %sub3A = arith.constant 1 : i32
    %sub3A_15 = arith.subi %div3A, %sub3A : i32
    %select_n3A = arith.select %and3A, %sub3A_15, %div3A : i32
    %jit3A_16 = arith.constant 3 : i32
    %eq3A = arith.constant 0 : i32
    %eq3A_17 = arith.cmpi eq, %jit3A_16, %eq3A : i32
    %jit3A_18 = arith.constant 1 : i32
    %select_n3A_19 = arith.select %eq3A_17, %jit3A_18, %jit3A_16 : i32
    %rem3A_20 = arith.remsi %arg1, %select_n3A_19 : i32
    %ne3A_21 = arith.constant 0 : i32
    %ne3A_22 = arith.cmpi ne, %rem3A_20, %ne3A_21 : i32
    %lt3A = arith.constant 0 : i32
    %lt3A_23 = arith.cmpi slt, %rem3A_20, %lt3A : i32
    %lt3A_24 = arith.constant 0 : i32
    %lt3A_25 = arith.cmpi slt, %select_n3A_19, %lt3A_24 : i32
    %ne3A_26 = arith.xori %lt3A_23, %lt3A_25 : i1
    %and3A_27 = arith.andi %ne3A_26, %ne3A_22 : i1
    %add3A = arith.addi %rem3A_20, %select_n3A_19 : i32
    %select_n3A_28 = arith.select %and3A_27, %add3A, %rem3A_20 : i32
    %mul3A = arith.constant 5 : i32
    %mul3A_29 = arith.muli %arg0, %mul3A : i32
    %add3A_30 = arith.addi %mul3A_29, %select_n3A : i32
    %lt3A_31 = arith.constant 15 : i32
    %lt3A_32 = arith.cmpi slt, %arg1, %lt3A_31 : i32
    %convert_element_type3A = arith.extui %lt3A_32 : i1 to i32
    %cond3A = arith.constant 0 : i32
    %cond3A_33 = arith.cmpi ne, %convert_element_type3A, %cond3A : i32
    scf.if %cond3A_33 {
      "tpu.region"() ({
        %run_scoped3A = tpu.sem_alloc : memref<!tpu.dma_semaphore, #tpu.memory_space<semaphore_mem>>
        tpu.enqueue_dma source(%arg4 : memref<100096xf32, #tpu.memory_space<hbm>>) target(%arg6 : memref<100096xf32, #tpu.memory_space<vmem>>) target_semaphore(%run_scoped3A : memref<!tpu.dma_semaphore, #tpu.memory_space<semaphore_mem>>)
        tpu.wait_dma2 semaphore(%run_scoped3A : memref<!tpu.dma_semaphore, #tpu.memory_space<semaphore_mem>>) src(%arg4 : memref<100096xf32, #tpu.memory_space<hbm>>) dst(%arg6 : memref<100096xf32, #tpu.memory_space<vmem>>)
        tpu.yield
      }) : () -> ()
    } else {
    }
    %add3A_34 = arith.constant 0 : i32
    %add3A_35 = arith.addi %add3A_30, %add3A_34 : i32
    %lt3A_36 = arith.constant 3125 : i32
    %lt3A_37 = arith.cmpi slt, %add3A_35, %lt3A_36 : i32
    %and3A_38 = arith.andi %lt3A_32, %lt3A_37 : i1
    %convert_element_type3A_39 = arith.extui %and3A_38 : i1 to i32
    %cond3A_40 = arith.constant 0 : i32
    %cond3A_41 = arith.cmpi ne, %convert_element_type3A_39, %cond3A_40 : i32
    scf.if %cond3A_41 {
      %mul3A_59 = arith.constant 16 : i32
      %mul3A_60 = arith.muli %add3A_35, %mul3A_59 : i32
      %dma_start3A = arith.constant 0 : i32
      %dma_start3A_61 = arith.constant 0 : i32
      %dma_start3A_62 = tpu.memref_slice %arg2[%mul3A_60, %dma_start3A, %dma_start3A_61] : memref<50000x2x128xi32, #tpu.memory_space<hbm>> -> memref<16x1x128xi32, #tpu.memory_space<hbm>>
      %dma_start3A_63 = tpu.memref_squeeze %dma_start3A_62 : memref<16x1x128xi32, #tpu.memory_space<hbm>> -> memref<16x128xi32, #tpu.memory_space<hbm>>
      %dma_start3A_64 = arith.constant 0 : i32
      %dma_start3A_65 = tpu.memref_slice %arg2[%mul3A_60, %dma_start3A, %dma_start3A_64] : memref<50000x2x128xi32, #tpu.memory_space<hbm>> -> memref<16x1x128xi32, #tpu.memory_space<hbm>>
      %dma_start3A_66 = tpu.memref_squeeze %dma_start3A_65 : memref<16x1x128xi32, #tpu.memory_space<hbm>> -> memref<16x128xi32, #tpu.memory_space<hbm>>
      tpu.enqueue_dma source(%dma_start3A_66 : memref<16x128xi32, #tpu.memory_space<hbm>>) target(%arg7 : memref<16x128xi32, #tpu.memory_space<vmem>>) target_semaphore(%arg11 : memref<!tpu.dma_semaphore, #tpu.memory_space<semaphore_mem>>)
      %mul3A_67 = arith.constant 16 : i32
      %mul3A_68 = arith.muli %add3A_35, %mul3A_67 : i32
      %dma_start3A_69 = arith.constant 0 : i32
      %dma_start3A_70 = tpu.memref_slice %arg3[%mul3A_68, %select_n3A_28, %dma_start3A_69] : memref<50000x4x128xf32, #tpu.memory_space<hbm>> -> memref<16x1x128xf32, #tpu.memory_space<hbm>>
      %dma_start3A_71 = tpu.memref_squeeze %dma_start3A_70 : memref<16x1x128xf32, #tpu.memory_space<hbm>> -> memref<16x128xf32, #tpu.memory_space<hbm>>
      %dma_start3A_72 = arith.constant 0 : i32
      %dma_start3A_73 = tpu.memref_slice %arg3[%mul3A_68, %select_n3A_28, %dma_start3A_72] : memref<50000x4x128xf32, #tpu.memory_space<hbm>> -> memref<16x1x128xf32, #tpu.memory_space<hbm>>
      %dma_start3A_74 = tpu.memref_squeeze %dma_start3A_73 : memref<16x1x128xf32, #tpu.memory_space<hbm>> -> memref<16x128xf32, #tpu.memory_space<hbm>>
      tpu.enqueue_dma source(%dma_start3A_74 : memref<16x128xf32, #tpu.memory_space<hbm>>) target(%arg9 : memref<16x128xf32, #tpu.memory_space<vmem>>) target_semaphore(%arg13 : memref<!tpu.dma_semaphore, #tpu.memory_space<semaphore_mem>>)
    } else {
    }
    %add3A_42 = arith.constant 10 : i32
    %add3A_43 = arith.addi %add3A_30, %add3A_42 : i32
    %lt3A_44 = arith.constant 3125 : i32
    %lt3A_45 = arith.cmpi slt, %add3A_43, %lt3A_44 : i32
    %and3A_46 = arith.andi %lt3A_32, %lt3A_45 : i1
    %convert_element_type3A_47 = arith.extui %and3A_46 : i1 to i32
    %cond3A_48 = arith.constant 0 : i32
    %cond3A_49 = arith.cmpi ne, %convert_element_type3A_47, %cond3A_48 : i32
    scf.if %cond3A_49 {
      %mul3A_59 = arith.constant 16 : i32
      %mul3A_60 = arith.muli %add3A_43, %mul3A_59 : i32
      %dma_start3A = arith.constant 0 : i32
      %dma_start3A_61 = arith.constant 0 : i32
      %dma_start3A_62 = tpu.memref_slice %arg2[%mul3A_60, %dma_start3A, %dma_start3A_61] : memref<50000x2x128xi32, #tpu.memory_space<hbm>> -> memref<16x1x128xi32, #tpu.memory_space<hbm>>
      %dma_start3A_63 = tpu.memref_squeeze %dma_start3A_62 : memref<16x1x128xi32, #tpu.memory_space<hbm>> -> memref<16x128xi32, #tpu.memory_space<hbm>>
      %dma_start3A_64 = arith.constant 0 : i32
      %dma_start3A_65 = tpu.memref_slice %arg2[%mul3A_60, %dma_start3A, %dma_start3A_64] : memref<50000x2x128xi32, #tpu.memory_space<hbm>> -> memref<16x1x128xi32, #tpu.memory_space<hbm>>
      %dma_start3A_66 = tpu.memref_squeeze %dma_start3A_65 : memref<16x1x128xi32, #tpu.memory_space<hbm>> -> memref<16x128xi32, #tpu.memory_space<hbm>>
      tpu.enqueue_dma source(%dma_start3A_66 : memref<16x128xi32, #tpu.memory_space<hbm>>) target(%arg8 : memref<16x128xi32, #tpu.memory_space<vmem>>) target_semaphore(%arg12 : memref<!tpu.dma_semaphore, #tpu.memory_space<semaphore_mem>>)
      %mul3A_67 = arith.constant 16 : i32
      %mul3A_68 = arith.muli %add3A_43, %mul3A_67 : i32
      %dma_start3A_69 = arith.constant 0 : i32
      %dma_start3A_70 = tpu.memref_slice %arg3[%mul3A_68, %select_n3A_28, %dma_start3A_69] : memref<50000x4x128xf32, #tpu.memory_space<hbm>> -> memref<16x1x128xf32, #tpu.memory_space<hbm>>
      %dma_start3A_71 = tpu.memref_squeeze %dma_start3A_70 : memref<16x1x128xf32, #tpu.memory_space<hbm>> -> memref<16x128xf32, #tpu.memory_space<hbm>>
      %dma_start3A_72 = arith.constant 0 : i32
      %dma_start3A_73 = tpu.memref_slice %arg3[%mul3A_68, %select_n3A_28, %dma_start3A_72] : memref<50000x4x128xf32, #tpu.memory_space<hbm>> -> memref<16x1x128xf32, #tpu.memory_space<hbm>>
      %dma_start3A_74 = tpu.memref_squeeze %dma_start3A_73 : memref<16x1x128xf32, #tpu.memory_space<hbm>> -> memref<16x128xf32, #tpu.memory_space<hbm>>
      tpu.enqueue_dma source(%dma_start3A_74 : memref<16x128xf32, #tpu.memory_space<hbm>>) target(%arg10 : memref<16x128xf32, #tpu.memory_space<vmem>>) target_semaphore(%arg14 : memref<!tpu.dma_semaphore, #tpu.memory_space<semaphore_mem>>)
    } else {
    }
    %scan3A = arith.constant 0 : i32
    %scan3A_50 = arith.constant 0 : i32
    %scan3A_51 = arith.constant 157 : i32
    %scan3A_52 = arith.addi %scan3A_50, %scan3A_51 : i32
    %scan3A_53 = arith.constant 1 : i32
    %scan3A_54 = scf.for %scan3A_59 = %scan3A_50 to %scan3A_52 step %scan3A_53 iter_args(%scan3A_60 = %scan3A) -> (i32)  : i32 {
      %mul3A_61 = arith.constant 2 : i32
      %mul3A_62 = arith.muli %mul3A_61, %scan3A_59 : i32
      %add3A_63 = arith.constant 0 : i32
      %add3A_64 = arith.addi %mul3A_62, %add3A_63 : i32
      %mul3A_65 = arith.constant 10 : i32
      %mul3A_66 = arith.muli %mul3A_65, %add3A_64 : i32
      %add3A_67 = arith.addi %add3A_30, %mul3A_66 : i32
      %lt3A_68 = arith.constant 3125 : i32
      %lt3A_69 = arith.cmpi slt, %add3A_67, %lt3A_68 : i32
      %and3A_70 = arith.andi %lt3A_32, %lt3A_69 : i1
      %convert_element_type3A_71 = arith.extui %and3A_70 : i1 to i32
      %cond3A_72 = arith.constant 0 : i32
      %cond3A_73 = arith.cmpi ne, %convert_element_type3A_71, %cond3A_72 : i32
      scf.if %cond3A_73 {
        %mul3A_110 = arith.constant 16 : i32
        %mul3A_111 = arith.muli %add3A_67, %mul3A_110 : i32
        %dma_wait3A = arith.constant 0 : i32
        %dma_wait3A_112 = arith.constant 0 : i32
        %dma_wait3A_113 = tpu.memref_slice %arg2[%mul3A_111, %dma_wait3A, %dma_wait3A_112] : memref<50000x2x128xi32, #tpu.memory_space<hbm>> -> memref<16x1x128xi32, #tpu.memory_space<hbm>>
        %dma_wait3A_114 = tpu.memref_squeeze %dma_wait3A_113 : memref<16x1x128xi32, #tpu.memory_space<hbm>> -> memref<16x128xi32, #tpu.memory_space<hbm>>
        %dma_wait3A_115 = arith.constant 0 : i32
        %dma_wait3A_116 = tpu.memref_slice %arg2[%mul3A_111, %dma_wait3A, %dma_wait3A_115] : memref<50000x2x128xi32, #tpu.memory_space<hbm>> -> memref<16x1x128xi32, #tpu.memory_space<hbm>>
        %dma_wait3A_117 = tpu.memref_squeeze %dma_wait3A_116 : memref<16x1x128xi32, #tpu.memory_space<hbm>> -> memref<16x128xi32, #tpu.memory_space<hbm>>
        tpu.wait_dma2 semaphore(%arg11 : memref<!tpu.dma_semaphore, #tpu.memory_space<semaphore_mem>>) src(%dma_wait3A_117 : memref<16x128xi32, #tpu.memory_space<hbm>>) dst(%arg7 : memref<16x128xi32, #tpu.memory_space<vmem>>)
        %mul3A_118 = arith.constant 16 : i32
        %mul3A_119 = arith.muli %add3A_67, %mul3A_118 : i32
        %dma_wait3A_120 = arith.constant 0 : i32
        %dma_wait3A_121 = tpu.memref_slice %arg3[%mul3A_119, %select_n3A_28, %dma_wait3A_120] : memref<50000x4x128xf32, #tpu.memory_space<hbm>> -> memref<16x1x128xf32, #tpu.memory_space<hbm>>
        %dma_wait3A_122 = tpu.memref_squeeze %dma_wait3A_121 : memref<16x1x128xf32, #tpu.memory_space<hbm>> -> memref<16x128xf32, #tpu.memory_space<hbm>>
        %dma_wait3A_123 = arith.constant 0 : i32
        %dma_wait3A_124 = tpu.memref_slice %arg3[%mul3A_119, %select_n3A_28, %dma_wait3A_123] : memref<50000x4x128xf32, #tpu.memory_space<hbm>> -> memref<16x1x128xf32, #tpu.memory_space<hbm>>
        %dma_wait3A_125 = tpu.memref_squeeze %dma_wait3A_124 : memref<16x1x128xf32, #tpu.memory_space<hbm>> -> memref<16x128xf32, #tpu.memory_space<hbm>>
        tpu.wait_dma2 semaphore(%arg13 : memref<!tpu.dma_semaphore, #tpu.memory_space<semaphore_mem>>) src(%dma_wait3A_125 : memref<16x128xf32, #tpu.memory_space<hbm>>) dst(%arg9 : memref<16x128xf32, #tpu.memory_space<vmem>>)
        %get3A = arith.constant 0 : i32
        %get3A_126 = arith.index_cast %get3A : i32 to index
        %get3A_127 = arith.constant 0 : index
        %get3A_128 = tpu.vector_load %arg7[%get3A_126, %get3A_127] {strides = array<i32>} : memref<16x128xi32, #tpu.memory_space<vmem>>, vector<16xi32>,
        %get3A_129 = arith.constant 0 : i32
        %get3A_130 = arith.index_cast %get3A_129 : i32 to index
        %get3A_131 = arith.constant 0 : index
        %get3A_132 = tpu.vector_load %arg9[%get3A_130, %get3A_131] {strides = array<i32>} : memref<16x128xf32, #tpu.memory_space<vmem>>, vector<16xf32>,
        tpu.vector_store_idx %arg6[%get3A_128], %get3A_132 {add = true} : memref<100096xf32, #tpu.memory_space<vmem>>[vector<16xi32>], vector<16xf32>,
        %get3A_133 = arith.constant 0 : i32
        %get3A_134 = arith.index_cast %get3A_133 : i32 to index
        %get3A_135 = arith.constant 16 : index
        %get3A_136 = tpu.vector_load %arg7[%get3A_134, %get3A_135] {strides = array<i32>} : memref<16x128xi32, #tpu.memory_space<vmem>>, vector<16xi32>,
        %get3A_137 = arith.constant 0 : i32
        %get3A_138 = arith.index_cast %get3A_137 : i32 to index
        %get3A_139 = arith.constant 16 : index
        %get3A_140 = tpu.vector_load %arg9[%get3A_138, %get3A_139] {strides = array<i32>} : memref<16x128xf32, #tpu.memory_space<vmem>>, vector<16xf32>,
        tpu.vector_store_idx %arg6[%get3A_136], %get3A_140 {add = true} : memref<100096xf32, #tpu.memory_space<vmem>>[vector<16xi32>], vector<16xf32>,
        %get3A_141 = arith.constant 0 : i32
        %get3A_142 = arith.index_cast %get3A_141 : i32 to index
        %get3A_143 = arith.constant 32 : index
        %get3A_144 = tpu.vector_load %arg7[%get3A_142, %get3A_143] {strides = array<i32>} : memref<16x128xi32, #tpu.memory_space<vmem>>, vector<16xi32>,
        %get3A_145 = arith.constant 0 : i32
        %get3A_146 = arith.index_cast %get3A_145 : i32 to index
        %get3A_147 = arith.constant 32 : index
        %get3A_148 = tpu.vector_load %arg9[%get3A_146, %get3A_147] {strides = array<i32>} : memref<16x128xf32, #tpu.memory_space<vmem>>, vector<16xf32>,
        tpu.vector_store_idx %arg6[%get3A_144], %get3A_148 {add = true} : memref<100096xf32, #tpu.memory_space<vmem>>[vector<16xi32>], vector<16xf32>,
        %get3A_149 = arith.constant 0 : i32
        %get3A_150 = arith.index_cast %get3A_149 : i32 to index
        %get3A_151 = arith.constant 48 : index
        %get3A_152 = tpu.vector_load %arg7[%get3A_150, %get3A_151] {strides = array<i32>} : memref<16x128xi32, #tpu.memory_space<vmem>>, vector<16xi32>,
        %get3A_153 = arith.constant 0 : i32
        %get3A_154 = arith.index_cast %get3A_153 : i32 to index
        %get3A_155 = arith.constant 48 : index
        %get3A_156 = tpu.vector_load %arg9[%get3A_154, %get3A_155] {strides = array<i32>} : memref<16x128xf32, #tpu.memory_space<vmem>>, vector<16xf32>,
        tpu.vector_store_idx %arg6[%get3A_152], %get3A_156 {add = true} : memref<100096xf32, #tpu.memory_space<vmem>>[vector<16xi32>], vector<16xf32>,
        %get3A_157 = arith.constant 0 : i32
        %get3A_158 = arith.index_cast %get3A_157 : i32 to index
        %get3A_159 = arith.constant 64 : index
        %get3A_160 = tpu.vector_load %arg7[%get3A_158, %get3A_159] {strides = array<i32>} : memref<16x128xi32, #tpu.memory_space<vmem>>, vector<16xi32>,
        %get3A_161 = arith.constant 0 : i32
        %get3A_162 = arith.index_cast %get3A_161 : i32 to index
        %get3A_163 = arith.constant 64 : index
        %get3A_164 = tpu.vector_load %arg9[%get3A_162, %get3A_163] {strides = array<i32>} : memref<16x128xf32, #tpu.memory_space<vmem>>, vector<16xf32>,
        tpu.vector_store_idx %arg6[%get3A_160], %get3A_164 {add = true} : memref<100096xf32, #tpu.memory_space<vmem>>[vector<16xi32>], vector<16xf32>,
        %get3A_165 = arith.constant 0 : i32
        %get3A_166 = arith.index_cast %get3A_165 : i32 to index
        %get3A_167 = arith.constant 80 : index
        %get3A_168 = tpu.vector_load %arg7[%get3A_166, %get3A_167] {strides = array<i32>} : memref<16x128xi32, #tpu.memory_space<vmem>>, vector<16xi32>,
        %get3A_169 = arith.constant 0 : i32
        %get3A_170 = arith.index_cast %get3A_169 : i32 to index
        %get3A_171 = arith.constant 80 : index
        %get3A_172 = tpu.vector_load %arg9[%get3A_170, %get3A_171] {strides = array<i32>} : memref<16x128xf32, #tpu.memory_space<vmem>>, vector<16xf32>,
        tpu.vector_store_idx %arg6[%get3A_168], %get3A_172 {add = true} : memref<100096xf32, #tpu.memory_space<vmem>>[vector<16xi32>], vector<16xf32>,
        %get3A_173 = arith.constant 0 : i32
        %get3A_174 = arith.index_cast %get3A_173 : i32 to index
        %get3A_175 = arith.constant 96 : index
        %get3A_176 = tpu.vector_load %arg7[%get3A_174, %get3A_175] {strides = array<i32>} : memref<16x128xi32, #tpu.memory_space<vmem>>, vector<16xi32>,
        %get3A_177 = arith.constant 0 : i32
        %get3A_178 = arith.index_cast %get3A_177 : i32 to index
        %get3A_179 = arith.constant 96 : index
        %get3A_180 = tpu.vector_load %arg9[%get3A_178, %get3A_179] {strides = array<i32>} : memref<16x128xf32, #tpu.memory_space<vmem>>, vector<16xf32>,
        tpu.vector_store_idx %arg6[%get3A_176], %get3A_180 {add = true} : memref<100096xf32, #tpu.memory_space<vmem>>[vector<16xi32>], vector<16xf32>,
        %get3A_181 = arith.constant 0 : i32
        %get3A_182 = arith.index_cast %get3A_181 : i32 to index
        %get3A_183 = arith.constant 112 : index
        %get3A_184 = tpu.vector_load %arg7[%get3A_182, %get3A_183] {strides = array<i32>} : memref<16x128xi32, #tpu.memory_space<vmem>>, vector<16xi32>,
        %get3A_185 = arith.constant 0 : i32
        %get3A_186 = arith.index_cast %get3A_185 : i32 to index
        %get3A_187 = arith.constant 112 : index
        %get3A_188 = tpu.vector_load %arg9[%get3A_186, %get3A_187] {strides = array<i32>} : memref<16x128xf32, #tpu.memory_space<vmem>>, vector<16xf32>,
        tpu.vector_store_idx %arg6[%get3A_184], %get3A_188 {add = true} : memref<100096xf32, #tpu.memory_space<vmem>>[vector<16xi32>], vector<16xf32>,
        %get3A_189 = arith.constant 1 : i32
        %get3A_190 = arith.index_cast %get3A_189 : i32 to index
        %get3A_191 = arith.constant 0 : index
        %get3A_192 = tpu.vector_load %arg7[%get3A_190, %get3A_191] {strides = array<i32>} : memref<16x128xi32, #tpu.memory_space<vmem>>, vector<16xi32>,
        %get3A_193 = arith.constant 1 : i32
        %get3A_194 = arith.index_cast %get3A_193 : i32 to index
        %get3A_195 = arith.constant 0 : index
        %get3A_196 = tpu.vector_load %arg9[%get3A_194, %get3A_195] {strides = array<i32>} : memref<16x128xf32, #tpu.memory_space<vmem>>, vector<16xf32>,
        tpu.vector_store_idx %arg6[%get3A_192], %get3A_196 {add = true} : memref<100096xf32, #tpu.memory_space<vmem>>[vector<16xi32>], vector<16xf32>,
        %get3A_197 = arith.constant 1 : i32
        %get3A_198 = arith.index_cast %get3A_197 : i32 to index
        %get3A_199 = arith.constant 16 : index
        %get3A_200 = tpu.vector_load %arg7[%get3A_198, %get3A_199] {strides = array<i32>} : memref<16x128xi32, #tpu.memory_space<vmem>>, vector<16xi32>,
        %get3A_201 = arith.constant 1 : i32
        %get3A_202 = arith.index_cast %get3A_201 : i32 to index
        %get3A_203 = arith.constant 16 : index
        %get3A_204 = tpu.vector_load %arg9[%get3A_202, %get3A_203] {strides = array<i32>} : memref<16x128xf32, #tpu.memory_space<vmem>>, vector<16xf32>,
        tpu.vector_store_idx %arg6[%get3A_200], %get3A_204 {add = true} : memref<100096xf32, #tpu.memory_space<vmem>>[vector<16xi32>], vector<16xf32>,
        %get3A_205 = arith.constant 1 : i32
        %get3A_206 = arith.index_cast %get3A_205 : i32 to index
        %get3A_207 = arith.constant 32 : index
        %get3A_208 = tpu.vector_load %arg7[%get3A_206, %get3A_207] {strides = array<i32>} : memref<16x128xi32, #tpu.memory_space<vmem>>, vector<16xi32>,
        %get3A_209 = arith.constant 1 : i32
        %get3A_210 = arith.index_cast %get3A_209 : i32 to index
        %get3A_211 = arith.constant 32 : index
        %get3A_212 = tpu.vector_load %arg9[%get3A_210, %get3A_211] {strides = array<i32>} : memref<16x128xf32, #tpu.memory_space<vmem>>, vector<16xf32>,
        tpu.vector_store_idx %arg6[%get3A_208], %get3A_212 {add = true} : memref<100096xf32, #tpu.memory_space<vmem>>[vector<16xi32>], vector<16xf32>,
        %get3A_213 = arith.constant 1 : i32
        %get3A_214 = arith.index_cast %get3A_213 : i32 to index
        %get3A_215 = arith.constant 48 : index
        %get3A_216 = tpu.vector_load %arg7[%get3A_214, %get3A_215] {strides = array<i32>} : memref<16x128xi32, #tpu.memory_space<vmem>>, vector<16xi32>,
        %get3A_217 = arith.constant 1 : i32
        %get3A_218 = arith.index_cast %get3A_217 : i32 to index
        %get3A_219 = arith.constant 48 : index
        %get3A_220 = tpu.vector_load %arg9[%get3A_218, %get3A_219] {strides = array<i32>} : memref<16x128xf32, #tpu.memory_space<vmem>>, vector<16xf32>,
        tpu.vector_store_idx %arg6[%get3A_216], %get3A_220 {add = true} : memref<100096xf32, #tpu.memory_space<vmem>>[vector<16xi32>], vector<16xf32>,
        %get3A_221 = arith.constant 1 : i32
        %get3A_222 = arith.index_cast %get3A_221 : i32 to index
        %get3A_223 = arith.constant 64 : index
        %get3A_224 = tpu.vector_load %arg7[%get3A_222, %get3A_223] {strides = array<i32>} : memref<16x128xi32, #tpu.memory_space<vmem>>, vector<16xi32>,
        %get3A_225 = arith.constant 1 : i32
        %get3A_226 = arith.index_cast %get3A_225 : i32 to index
        %get3A_227 = arith.constant 64 : index
        %get3A_228 = tpu.vector_load %arg9[%get3A_226, %get3A_227] {strides = array<i32>} : memref<16x128xf32, #tpu.memory_space<vmem>>, vector<16xf32>,
        tpu.vector_store_idx %arg6[%get3A_224], %get3A_228 {add = true} : memref<100096xf32, #tpu.memory_space<vmem>>[vector<16xi32>], vector<16xf32>,
        %get3A_229 = arith.constant 1 : i32
        %get3A_230 = arith.index_cast %get3A_229 : i32 to index
        %get3A_231 = arith.constant 80 : index
        %get3A_232 = tpu.vector_load %arg7[%get3A_230, %get3A_231] {strides = array<i32>} : memref<16x128xi32, #tpu.memory_space<vmem>>, vector<16xi32>,
        %get3A_233 = arith.constant 1 : i32
        %get3A_234 = arith.index_cast %get3A_233 : i32 to index
        %get3A_235 = arith.constant 80 : index
        %get3A_236 = tpu.vector_load %arg9[%get3A_234, %get3A_235] {strides = array<i32>} : memref<16x128xf32, #tpu.memory_space<vmem>>, vector<16xf32>,
        tpu.vector_store_idx %arg6[%get3A_232], %get3A_236 {add = true} : memref<100096xf32, #tpu.memory_space<vmem>>[vector<16xi32>], vector<16xf32>,
        %get3A_237 = arith.constant 1 : i32
        %get3A_238 = arith.index_cast %get3A_237 : i32 to index
        %get3A_239 = arith.constant 96 : index
        %get3A_240 = tpu.vector_load %arg7[%get3A_238, %get3A_239] {strides = array<i32>} : memref<16x128xi32, #tpu.memory_space<vmem>>, vector<16xi32>,
        %get3A_241 = arith.constant 1 : i32
        %get3A_242 = arith.index_cast %get3A_241 : i32 to index
        %get3A_243 = arith.constant 96 : index
        %get3A_244 = tpu.vector_load %arg9[%get3A_242, %get3A_243] {strides = array<i32>} : memref<16x128xf32, #tpu.memory_space<vmem>>, vector<16xf32>,
        tpu.vector_store_idx %arg6[%get3A_240], %get3A_244 {add = true} : memref<100096xf32, #tpu.memory_space<vmem>>[vector<16xi32>], vector<16xf32>,
        %get3A_245 = arith.constant 1 : i32
        %get3A_246 = arith.index_cast %get3A_245 : i32 to index
        %get3A_247 = arith.constant 112 : index
        %get3A_248 = tpu.vector_load %arg7[%get3A_246, %get3A_247] {strides = array<i32>} : memref<16x128xi32, #tpu.memory_space<vmem>>, vector<16xi32>,
        %get3A_249 = arith.constant 1 : i32
        %get3A_250 = arith.index_cast %get3A_249 : i32 to index
        %get3A_251 = arith.constant 112 : index
        %get3A_252 = tpu.vector_load %arg9[%get3A_250, %get3A_251] {strides = array<i32>} : memref<16x128xf32, #tpu.memory_space<vmem>>, vector<16xf32>,
        tpu.vector_store_idx %arg6[%get3A_248], %get3A_252 {add = true} : memref<100096xf32, #tpu.memory_space<vmem>>[vector<16xi32>], vector<16xf32>,
        %get3A_253 = arith.constant 2 : i32
        %get3A_254 = arith.index_cast %get3A_253 : i32 to index
        %get3A_255 = arith.constant 0 : index
        %get3A_256 = tpu.vector_load %arg7[%get3A_254, %get3A_255] {strides = array<i32>} : memref<16x128xi32, #tpu.memory_space<vmem>>, vector<16xi32>,
        %get3A_257 = arith.constant 2 : i32
        %get3A_258 = arith.index_cast %get3A_257 : i32 to index
        %get3A_259 = arith.constant 0 : index
        %get3A_260 = tpu.vector_load %arg9[%get3A_258, %get3A_259] {strides = array<i32>} : memref<16x128xf32, #tpu.memory_space<vmem>>, vector<16xf32>,
        tpu.vector_store_idx %arg6[%get3A_256], %get3A_260 {add = true} : memref<100096xf32, #tpu.memory_space<vmem>>[vector<16xi32>], vector<16xf32>,
        %get3A_261 = arith.constant 2 : i32
        %get3A_262 = arith.index_cast %get3A_261 : i32 to index
        %get3A_263 = arith.constant 16 : index
        %get3A_264 = tpu.vector_load %arg7[%get3A_262, %get3A_263] {strides = array<i32>} : memref<16x128xi32, #tpu.memory_space<vmem>>, vector<16xi32>,
        %get3A_265 = arith.constant 2 : i32
        %get3A_266 = arith.index_cast %get3A_265 : i32 to index
        %get3A_267 = arith.constant 16 : index
        %get3A_268 = tpu.vector_load %arg9[%get3A_266, %get3A_267] {strides = array<i32>} : memref<16x128xf32, #tpu.memory_space<vmem>>, vector<16xf32>,
        tpu.vector_store_idx %arg6[%get3A_264], %get3A_268 {add = true} : memref<100096xf32, #tpu.memory_space<vmem>>[vector<16xi32>], vector<16xf32>,
        %get3A_269 = arith.constant 2 : i32
        %get3A_270 = arith.index_cast %get3A_269 : i32 to index
        %get3A_271 = arith.constant 32 : index
        %get3A_272 = tpu.vector_load %arg7[%get3A_270, %get3A_271] {strides = array<i32>} : memref<16x128xi32, #tpu.memory_space<vmem>>, vector<16xi32>,
        %get3A_273 = arith.constant 2 : i32
        %get3A_274 = arith.index_cast %get3A_273 : i32 to index
        %get3A_275 = arith.constant 32 : index
        %get3A_276 = tpu.vector_load %arg9[%get3A_274, %get3A_275] {strides = array<i32>} : memref<16x128xf32, #tpu.memory_space<vmem>>, vector<16xf32>,
        tpu.vector_store_idx %arg6[%get3A_272], %get3A_276 {add = true} : memref<100096xf32, #tpu.memory_space<vmem>>[vector<16xi32>], vector<16xf32>,
        %get3A_277 = arith.constant 2 : i32
        %get3A_278 = arith.index_cast %get3A_277 : i32 to index
        %get3A_279 = arith.constant 48 : index
        %get3A_280 = tpu.vector_load %arg7[%get3A_278, %get3A_279] {strides = array<i32>} : memref<16x128xi32, #tpu.memory_space<vmem>>, vector<16xi32>,
        %get3A_281 = arith.constant 2 : i32
        %get3A_282 = arith.index_cast %get3A_281 : i32 to index
        %get3A_283 = arith.constant 48 : index
        %get3A_284 = tpu.vector_load %arg9[%get3A_282, %get3A_283] {strides = array<i32>} : memref<16x128xf32, #tpu.memory_space<vmem>>, vector<16xf32>,
        tpu.vector_store_idx %arg6[%get3A_280], %get3A_284 {add = true} : memref<100096xf32, #tpu.memory_space<vmem>>[vector<16xi32>], vector<16xf32>,
        %get3A_285 = arith.constant 2 : i32
        %get3A_286 = arith.index_cast %get3A_285 : i32 to index
        %get3A_287 = arith.constant 64 : index
        %get3A_288 = tpu.vector_load %arg7[%get3A_286, %get3A_287] {strides = array<i32>} : memref<16x128xi32, #tpu.memory_space<vmem>>, vector<16xi32>,
        %get3A_289 = arith.constant 2 : i32
        %get3A_290 = arith.index_cast %get3A_289 : i32 to index
        %get3A_291 = arith.constant 64 : index
        %get3A_292 = tpu.vector_load %arg9[%get3A_290, %get3A_291] {strides = array<i32>} : memref<16x128xf32, #tpu.memory_space<vmem>>, vector<16xf32>,
        tpu.vector_store_idx %arg6[%get3A_288], %get3A_292 {add = true} : memref<100096xf32, #tpu.memory_space<vmem>>[vector<16xi32>], vector<16xf32>,
        %get3A_293 = arith.constant 2 : i32
        %get3A_294 = arith.index_cast %get3A_293 : i32 to index
        %get3A_295 = arith.constant 80 : index
        %get3A_296 = tpu.vector_load %arg7[%get3A_294, %get3A_295] {strides = array<i32>} : memref<16x128xi32, #tpu.memory_space<vmem>>, vector<16xi32>,
        %get3A_297 = arith.constant 2 : i32
        %get3A_298 = arith.index_cast %get3A_297 : i32 to index
        %get3A_299 = arith.constant 80 : index
        %get3A_300 = tpu.vector_load %arg9[%get3A_298, %get3A_299] {strides = array<i32>} : memref<16x128xf32, #tpu.memory_space<vmem>>, vector<16xf32>,
        tpu.vector_store_idx %arg6[%get3A_296], %get3A_300 {add = true} : memref<100096xf32, #tpu.memory_space<vmem>>[vector<16xi32>], vector<16xf32>,
        %get3A_301 = arith.constant 2 : i32
        %get3A_302 = arith.index_cast %get3A_301 : i32 to index
        %get3A_303 = arith.constant 96 : index
        %get3A_304 = tpu.vector_load %arg7[%get3A_302, %get3A_303] {strides = array<i32>} : memref<16x128xi32, #tpu.memory_space<vmem>>, vector<16xi32>,
        %get3A_305 = arith.constant 2 : i32
        %get3A_306 = arith.index_cast %get3A_305 : i32 to index
        %get3A_307 = arith.constant 96 : index
        %get3A_308 = tpu.vector_load %arg9[%get3A_306, %get3A_307] {strides = array<i32>} : memref<16x128xf32, #tpu.memory_space<vmem>>, vector<16xf32>,
        tpu.vector_store_idx %arg6[%get3A_304], %get3A_308 {add = true} : memref<100096xf32, #tpu.memory_space<vmem>>[vector<16xi32>], vector<16xf32>,
        %get3A_309 = arith.constant 2 : i32
        %get3A_310 = arith.index_cast %get3A_309 : i32 to index
        %get3A_311 = arith.constant 112 : index
        %get3A_312 = tpu.vector_load %arg7[%get3A_310, %get3A_311] {strides = array<i32>} : memref<16x128xi32, #tpu.memory_space<vmem>>, vector<16xi32>,
        %get3A_313 = arith.constant 2 : i32
        %get3A_314 = arith.index_cast %get3A_313 : i32 to index
        %get3A_315 = arith.constant 112 : index
        %get3A_316 = tpu.vector_load %arg9[%get3A_314, %get3A_315] {strides = array<i32>} : memref<16x128xf32, #tpu.memory_space<vmem>>, vector<16xf32>,
        tpu.vector_store_idx %arg6[%get3A_312], %get3A_316 {add = true} : memref<100096xf32, #tpu.memory_space<vmem>>[vector<16xi32>], vector<16xf32>,
        %get3A_317 = arith.constant 3 : i32
        %get3A_318 = arith.index_cast %get3A_317 : i32 to index
        %get3A_319 = arith.constant 0 : index
        %get3A_320 = tpu.vector_load %arg7[%get3A_318, %get3A_319] {strides = array<i32>} : memref<16x128xi32, #tpu.memory_space<vmem>>, vector<16xi32>,
        %get3A_321 = arith.constant 3 : i32
        %get3A_322 = arith.index_cast %get3A_321 : i32 to index
        %get3A_323 = arith.constant 0 : index
        %get3A_324 = tpu.vector_load %arg9[%get3A_322, %get3A_323] {strides = array<i32>} : memref<16x128xf32, #tpu.memory_space<vmem>>, vector<16xf32>,
        tpu.vector_store_idx %arg6[%get3A_320], %get3A_324 {add = true} : memref<100096xf32, #tpu.memory_space<vmem>>[vector<16xi32>], vector<16xf32>,
        %get3A_325 = arith.constant 3 : i32
        %get3A_326 = arith.index_cast %get3A_325 : i32 to index
        %get3A_327 = arith.constant 16 : index
        %get3A_328 = tpu.vector_load %arg7[%get3A_326, %get3A_327] {strides = array<i32>} : memref<16x128xi32, #tpu.memory_space<vmem>>, vector<16xi32>,
        %get3A_329 = arith.constant 3 : i32
        %get3A_330 = arith.index_cast %get3A_329 : i32 to index
        %get3A_331 = arith.constant 16 : index
        %get3A_332 = tpu.vector_load %arg9[%get3A_330, %get3A_331] {strides = array<i32>} : memref<16x128xf32, #tpu.memory_space<vmem>>, vector<16xf32>,
        tpu.vector_store_idx %arg6[%get3A_328], %get3A_332 {add = true} : memref<100096xf32, #tpu.memory_space<vmem>>[vector<16xi32>], vector<16xf32>,
        %get3A_333 = arith.constant 3 : i32
        %get3A_334 = arith.index_cast %get3A_333 : i32 to index
        %get3A_335 = arith.constant 32 : index
        %get3A_336 = tpu.vector_load %arg7[%get3A_334, %get3A_335] {strides = array<i32>} : memref<16x128xi32, #tpu.memory_space<vmem>>, vector<16xi32>,
        %get3A_337 = arith.constant 3 : i32
        %get3A_338 = arith.index_cast %get3A_337 : i32 to index
        %get3A_339 = arith.constant 32 : index
        %get3A_340 = tpu.vector_load %arg9[%get3A_338, %get3A_339] {strides = array<i32>} : memref<16x128xf32, #tpu.memory_space<vmem>>, vector<16xf32>,
        tpu.vector_store_idx %arg6[%get3A_336], %get3A_340 {add = true} : memref<100096xf32, #tpu.memory_space<vmem>>[vector<16xi32>], vector<16xf32>,
        %get3A_341 = arith.constant 3 : i32
        %get3A_342 = arith.index_cast %get3A_341 : i32 to index
        %get3A_343 = arith.constant 48 : index
        %get3A_344 = tpu.vector_load %arg7[%get3A_342, %get3A_343] {strides = array<i32>} : memref<16x128xi32, #tpu.memory_space<vmem>>, vector<16xi32>,
        %get3A_345 = arith.constant 3 : i32
        %get3A_346 = arith.index_cast %get3A_345 : i32 to index
        %get3A_347 = arith.constant 48 : index
        %get3A_348 = tpu.vector_load %arg9[%get3A_346, %get3A_347] {strides = array<i32>} : memref<16x128xf32, #tpu.memory_space<vmem>>, vector<16xf32>,
        tpu.vector_store_idx %arg6[%get3A_344], %get3A_348 {add = true} : memref<100096xf32, #tpu.memory_space<vmem>>[vector<16xi32>], vector<16xf32>,
        %get3A_349 = arith.constant 3 : i32
        %get3A_350 = arith.index_cast %get3A_349 : i32 to index
        %get3A_351 = arith.constant 64 : index
        %get3A_352 = tpu.vector_load %arg7[%get3A_350, %get3A_351] {strides = array<i32>} : memref<16x128xi32, #tpu.memory_space<vmem>>, vector<16xi32>,
        %get3A_353 = arith.constant 3 : i32
        %get3A_354 = arith.index_cast %get3A_353 : i32 to index
        %get3A_355 = arith.constant 64 : index
        %get3A_356 = tpu.vector_load %arg9[%get3A_354, %get3A_355] {strides = array<i32>} : memref<16x128xf32, #tpu.memory_space<vmem>>, vector<16xf32>,
        tpu.vector_store_idx %arg6[%get3A_352], %get3A_356 {add = true} : memref<100096xf32, #tpu.memory_space<vmem>>[vector<16xi32>], vector<16xf32>,
        %get3A_357 = arith.constant 3 : i32
        %get3A_358 = arith.index_cast %get3A_357 : i32 to index
        %get3A_359 = arith.constant 80 : index
        %get3A_360 = tpu.vector_load %arg7[%get3A_358, %get3A_359] {strides = array<i32>} : memref<16x128xi32, #tpu.memory_space<vmem>>, vector<16xi32>,
        %get3A_361 = arith.constant 3 : i32
        %get3A_362 = arith.index_cast %get3A_361 : i32 to index
        %get3A_363 = arith.constant 80 : index
        %get3A_364 = tpu.vector_load %arg9[%get3A_362, %get3A_363] {strides = array<i32>} : memref<16x128xf32, #tpu.memory_space<vmem>>, vector<16xf32>,
        tpu.vector_store_idx %arg6[%get3A_360], %get3A_364 {add = true} : memref<100096xf32, #tpu.memory_space<vmem>>[vector<16xi32>], vector<16xf32>,
        %get3A_365 = arith.constant 3 : i32
        %get3A_366 = arith.index_cast %get3A_365 : i32 to index
        %get3A_367 = arith.constant 96 : index
        %get3A_368 = tpu.vector_load %arg7[%get3A_366, %get3A_367] {strides = array<i32>} : memref<16x128xi32, #tpu.memory_space<vmem>>, vector<16xi32>,
        %get3A_369 = arith.constant 3 : i32
        %get3A_370 = arith.index_cast %get3A_369 : i32 to index
        %get3A_371 = arith.constant 96 : index
        %get3A_372 = tpu.vector_load %arg9[%get3A_370, %get3A_371] {strides = array<i32>} : memref<16x128xf32, #tpu.memory_space<vmem>>, vector<16xf32>,
        tpu.vector_store_idx %arg6[%get3A_368], %get3A_372 {add = true} : memref<100096xf32, #tpu.memory_space<vmem>>[vector<16xi32>], vector<16xf32>,
        %get3A_373 = arith.constant 3 : i32
        %get3A_374 = arith.index_cast %get3A_373 : i32 to index
        %get3A_375 = arith.constant 112 : index
        %get3A_376 = tpu.vector_load %arg7[%get3A_374, %get3A_375] {strides = array<i32>} : memref<16x128xi32, #tpu.memory_space<vmem>>, vector<16xi32>,
        %get3A_377 = arith.constant 3 : i32
        %get3A_378 = arith.index_cast %get3A_377 : i32 to index
        %get3A_379 = arith.constant 112 : index
        %get3A_380 = tpu.vector_load %arg9[%get3A_378, %get3A_379] {strides = array<i32>} : memref<16x128xf32, #tpu.memory_space<vmem>>, vector<16xf32>,
        tpu.vector_store_idx %arg6[%get3A_376], %get3A_380 {add = true} : memref<100096xf32, #tpu.memory_space<vmem>>[vector<16xi32>], vector<16xf32>,
        %get3A_381 = arith.constant 4 : i32
        %get3A_382 = arith.index_cast %get3A_381 : i32 to index
        %get3A_383 = arith.constant 0 : index
        %get3A_384 = tpu.vector_load %arg7[%get3A_382, %get3A_383] {strides = array<i32>} : memref<16x128xi32, #tpu.memory_space<vmem>>, vector<16xi32>,
        %get3A_385 = arith.constant 4 : i32
        %get3A_386 = arith.index_cast %get3A_385 : i32 to index
        %get3A_387 = arith.constant 0 : index
        %get3A_388 = tpu.vector_load %arg9[%get3A_386, %get3A_387] {strides = array<i32>} : memref<16x128xf32, #tpu.memory_space<vmem>>, vector<16xf32>,
        tpu.vector_store_idx %arg6[%get3A_384], %get3A_388 {add = true} : memref<100096xf32, #tpu.memory_space<vmem>>[vector<16xi32>], vector<16xf32>,
        %get3A_389 = arith.constant 4 : i32
        %get3A_390 = arith.index_cast %get3A_389 : i32 to index
        %get3A_391 = arith.constant 16 : index
        %get3A_392 = tpu.vector_load %arg7[%get3A_390, %get3A_391] {strides = array<i32>} : memref<16x128xi32, #tpu.memory_space<vmem>>, vector<16xi32>,
        %get3A_393 = arith.constant 4 : i32
        %get3A_394 = arith.index_cast %get3A_393 : i32 to index
        %get3A_395 = arith.constant 16 : index
        %get3A_396 = tpu.vector_load %arg9[%get3A_394, %get3A_395] {strides = array<i32>} : memref<16x128xf32, #tpu.memory_space<vmem>>, vector<16xf32>,
        tpu.vector_store_idx %arg6[%get3A_392], %get3A_396 {add = true} : memref<100096xf32, #tpu.memory_space<vmem>>[vector<16xi32>], vector<16xf32>,
        %get3A_397 = arith.constant 4 : i32
        %get3A_398 = arith.index_cast %get3A_397 : i32 to index
        %get3A_399 = arith.constant 32 : index
        %get3A_400 = tpu.vector_load %arg7[%get3A_398, %get3A_399] {strides = array<i32>} : memref<16x128xi32, #tpu.memory_space<vmem>>, vector<16xi32>,
        %get3A_401 = arith.constant 4 : i32
        %get3A_402 = arith.index_cast %get3A_401 : i32 to index
        %get3A_403 = arith.constant 32 : index
        %get3A_404 = tpu.vector_load %arg9[%get3A_402, %get3A_403] {strides = array<i32>} : memref<16x128xf32, #tpu.memory_space<vmem>>, vector<16xf32>,
        tpu.vector_store_idx %arg6[%get3A_400], %get3A_404 {add = true} : memref<100096xf32, #tpu.memory_space<vmem>>[vector<16xi32>], vector<16xf32>,
        %get3A_405 = arith.constant 4 : i32
        %get3A_406 = arith.index_cast %get3A_405 : i32 to index
        %get3A_407 = arith.constant 48 : index
        %get3A_408 = tpu.vector_load %arg7[%get3A_406, %get3A_407] {strides = array<i32>} : memref<16x128xi32, #tpu.memory_space<vmem>>, vector<16xi32>,
        %get3A_409 = arith.constant 4 : i32
        %get3A_410 = arith.index_cast %get3A_409 : i32 to index
        %get3A_411 = arith.constant 48 : index
        %get3A_412 = tpu.vector_load %arg9[%get3A_410, %get3A_411] {strides = array<i32>} : memref<16x128xf32, #tpu.memory_space<vmem>>, vector<16xf32>,
        tpu.vector_store_idx %arg6[%get3A_408], %get3A_412 {add = true} : memref<100096xf32, #tpu.memory_space<vmem>>[vector<16xi32>], vector<16xf32>,
        %get3A_413 = arith.constant 4 : i32
        %get3A_414 = arith.index_cast %get3A_413 : i32 to index
        %get3A_415 = arith.constant 64 : index
        %get3A_416 = tpu.vector_load %arg7[%get3A_414, %get3A_415] {strides = array<i32>} : memref<16x128xi32, #tpu.memory_space<vmem>>, vector<16xi32>,
        %get3A_417 = arith.constant 4 : i32
        %get3A_418 = arith.index_cast %get3A_417 : i32 to index
        %get3A_419 = arith.constant 64 : index
        %get3A_420 = tpu.vector_load %arg9[%get3A_418, %get3A_419] {strides = array<i32>} : memref<16x128xf32, #tpu.memory_space<vmem>>, vector<16xf32>,
        tpu.vector_store_idx %arg6[%get3A_416], %get3A_420 {add = true} : memref<100096xf32, #tpu.memory_space<vmem>>[vector<16xi32>], vector<16xf32>,
        %get3A_421 = arith.constant 4 : i32
        %get3A_422 = arith.index_cast %get3A_421 : i32 to index
        %get3A_423 = arith.constant 80 : index
        %get3A_424 = tpu.vector_load %arg7[%get3A_422, %get3A_423] {strides = array<i32>} : memref<16x128xi32, #tpu.memory_space<vmem>>, vector<16xi32>,
        %get3A_425 = arith.constant 4 : i32
        %get3A_426 = arith.index_cast %get3A_425 : i32 to index
        %get3A_427 = arith.constant 80 : index
        %get3A_428 = tpu.vector_load %arg9[%get3A_426, %get3A_427] {strides = array<i32>} : memref<16x128xf32, #tpu.memory_space<vmem>>, vector<16xf32>,
        tpu.vector_store_idx %arg6[%get3A_424], %get3A_428 {add = true} : memref<100096xf32, #tpu.memory_space<vmem>>[vector<16xi32>], vector<16xf32>,
        %get3A_429 = arith.constant 4 : i32
        %get3A_430 = arith.index_cast %get3A_429 : i32 to index
        %get3A_431 = arith.constant 96 : index
        %get3A_432 = tpu.vector_load %arg7[%get3A_430, %get3A_431] {strides = array<i32>} : memref<16x128xi32, #tpu.memory_space<vmem>>, vector<16xi32>,
        %get3A_433 = arith.constant 4 : i32
        %get3A_434 = arith.index_cast %get3A_433 : i32 to index
        %get3A_435 = arith.constant 96 : index
        %get3A_436 = tpu.vector_load %arg9[%get3A_434, %get3A_435] {strides = array<i32>} : memref<16x128xf32, #tpu.memory_space<vmem>>, vector<16xf32>,
        tpu.vector_store_idx %arg6[%get3A_432], %get3A_436 {add = true} : memref<100096xf32, #tpu.memory_space<vmem>>[vector<16xi32>], vector<16xf32>,
        %get3A_437 = arith.constant 4 : i32
        %get3A_438 = arith.index_cast %get3A_437 : i32 to index
        %get3A_439 = arith.constant 112 : index
        %get3A_440 = tpu.vector_load %arg7[%get3A_438, %get3A_439] {strides = array<i32>} : memref<16x128xi32, #tpu.memory_space<vmem>>, vector<16xi32>,
        %get3A_441 = arith.constant 4 : i32
        %get3A_442 = arith.index_cast %get3A_441 : i32 to index
        %get3A_443 = arith.constant 112 : index
        %get3A_444 = tpu.vector_load %arg9[%get3A_442, %get3A_443] {strides = array<i32>} : memref<16x128xf32, #tpu.memory_space<vmem>>, vector<16xf32>,
        tpu.vector_store_idx %arg6[%get3A_440], %get3A_444 {add = true} : memref<100096xf32, #tpu.memory_space<vmem>>[vector<16xi32>], vector<16xf32>,
        %get3A_445 = arith.constant 5 : i32
        %get3A_446 = arith.index_cast %get3A_445 : i32 to index
        %get3A_447 = arith.constant 0 : index
        %get3A_448 = tpu.vector_load %arg7[%get3A_446, %get3A_447] {strides = array<i32>} : memref<16x128xi32, #tpu.memory_space<vmem>>, vector<16xi32>,
        %get3A_449 = arith.constant 5 : i32
        %get3A_450 = arith.index_cast %get3A_449 : i32 to index
        %get3A_451 = arith.constant 0 : index
        %get3A_452 = tpu.vector_load %arg9[%get3A_450, %get3A_451] {strides = array<i32>} : memref<16x128xf32, #tpu.memory_space<vmem>>, vector<16xf32>,
        tpu.vector_store_idx %arg6[%get3A_448], %get3A_452 {add = true} : memref<100096xf32, #tpu.memory_space<vmem>>[vector<16xi32>], vector<16xf32>,
        %get3A_453 = arith.constant 5 : i32
        %get3A_454 = arith.index_cast %get3A_453 : i32 to index
        %get3A_455 = arith.constant 16 : index
        %get3A_456 = tpu.vector_load %arg7[%get3A_454, %get3A_455] {strides = array<i32>} : memref<16x128xi32, #tpu.memory_space<vmem>>, vector<16xi32>,
        %get3A_457 = arith.constant 5 : i32
        %get3A_458 = arith.index_cast %get3A_457 : i32 to index
        %get3A_459 = arith.constant 16 : index
        %get3A_460 = tpu.vector_load %arg9[%get3A_458, %get3A_459] {strides = array<i32>} : memref<16x128xf32, #tpu.memory_space<vmem>>, vector<16xf32>,
        tpu.vector_store_idx %arg6[%get3A_456], %get3A_460 {add = true} : memref<100096xf32, #tpu.memory_space<vmem>>[vector<16xi32>], vector<16xf32>,
        %get3A_461 = arith.constant 5 : i32
        %get3A_462 = arith.index_cast %get3A_461 : i32 to index
        %get3A_463 = arith.constant 32 : index
        %get3A_464 = tpu.vector_load %arg7[%get3A_462, %get3A_463] {strides = array<i32>} : memref<16x128xi32, #tpu.memory_space<vmem>>, vector<16xi32>,
        %get3A_465 = arith.constant 5 : i32
        %get3A_466 = arith.index_cast %get3A_465 : i32 to index
        %get3A_467 = arith.constant 32 : index
        %get3A_468 = tpu.vector_load %arg9[%get3A_466, %get3A_467] {strides = array<i32>} : memref<16x128xf32, #tpu.memory_space<vmem>>, vector<16xf32>,
        tpu.vector_store_idx %arg6[%get3A_464], %get3A_468 {add = true} : memref<100096xf32, #tpu.memory_space<vmem>>[vector<16xi32>], vector<16xf32>,
        %get3A_469 = arith.constant 5 : i32
        %get3A_470 = arith.index_cast %get3A_469 : i32 to index
        %get3A_471 = arith.constant 48 : index
        %get3A_472 = tpu.vector_load %arg7[%get3A_470, %get3A_471] {strides = array<i32>} : memref<16x128xi32, #tpu.memory_space<vmem>>, vector<16xi32>,
        %get3A_473 = arith.constant 5 : i32
        %get3A_474 = arith.index_cast %get3A_473 : i32 to index
        %get3A_475 = arith.constant 48 : index
        %get3A_476 = tpu.vector_load %arg9[%get3A_474, %get3A_475] {strides = array<i32>} : memref<16x128xf32, #tpu.memory_space<vmem>>, vector<16xf32>,
        tpu.vector_store_idx %arg6[%get3A_472], %get3A_476 {add = true} : memref<100096xf32, #tpu.memory_space<vmem>>[vector<16xi32>], vector<16xf32>,
        %get3A_477 = arith.constant 5 : i32
        %get3A_478 = arith.index_cast %get3A_477 : i32 to index
        %get3A_479 = arith.constant 64 : index
        %get3A_480 = tpu.vector_load %arg7[%get3A_478, %get3A_479] {strides = array<i32>} : memref<16x128xi32, #tpu.memory_space<vmem>>, vector<16xi32>,
        %get3A_481 = arith.constant 5 : i32
        %get3A_482 = arith.index_cast %get3A_481 : i32 to index
        %get3A_483 = arith.constant 64 : index
        %get3A_484 = tpu.vector_load %arg9[%get3A_482, %get3A_483] {strides = array<i32>} : memref<16x128xf32, #tpu.memory_space<vmem>>, vector<16xf32>,
        tpu.vector_store_idx %arg6[%get3A_480], %get3A_484 {add = true} : memref<100096xf32, #tpu.memory_space<vmem>>[vector<16xi32>], vector<16xf32>,
        %get3A_485 = arith.constant 5 : i32
        %get3A_486 = arith.index_cast %get3A_485 : i32 to index
        %get3A_487 = arith.constant 80 : index
        %get3A_488 = tpu.vector_load %arg7[%get3A_486, %get3A_487] {strides = array<i32>} : memref<16x128xi32, #tpu.memory_space<vmem>>, vector<16xi32>,
        %get3A_489 = arith.constant 5 : i32
        %get3A_490 = arith.index_cast %get3A_489 : i32 to index
        %get3A_491 = arith.constant 80 : index
        %get3A_492 = tpu.vector_load %arg9[%get3A_490, %get3A_491] {strides = array<i32>} : memref<16x128xf32, #tpu.memory_space<vmem>>, vector<16xf32>,
        tpu.vector_store_idx %arg6[%get3A_488], %get3A_492 {add = true} : memref<100096xf32, #tpu.memory_space<vmem>>[vector<16xi32>], vector<16xf32>,
        %get3A_493 = arith.constant 5 : i32
        %get3A_494 = arith.index_cast %get3A_493 : i32 to index
        %get3A_495 = arith.constant 96 : index
        %get3A_496 = tpu.vector_load %arg7[%get3A_494, %get3A_495] {strides = array<i32>} : memref<16x128xi32, #tpu.memory_space<vmem>>, vector<16xi32>,
        %get3A_497 = arith.constant 5 : i32
        %get3A_498 = arith.index_cast %get3A_497 : i32 to index
        %get3A_499 = arith.constant 96 : index
        %get3A_500 = tpu.vector_load %arg9[%get3A_498, %get3A_499] {strides = array<i32>} : memref<16x128xf32, #tpu.memory_space<vmem>>, vector<16xf32>,
        tpu.vector_store_idx %arg6[%get3A_496], %get3A_500 {add = true} : memref<100096xf32, #tpu.memory_space<vmem>>[vector<16xi32>], vector<16xf32>,
        %get3A_501 = arith.constant 5 : i32
        %get3A_502 = arith.index_cast %get3A_501 : i32 to index
        %get3A_503 = arith.constant 112 : index
        %get3A_504 = tpu.vector_load %arg7[%get3A_502, %get3A_503] {strides = array<i32>} : memref<16x128xi32, #tpu.memory_space<vmem>>, vector<16xi32>,
        %get3A_505 = arith.constant 5 : i32
        %get3A_506 = arith.index_cast %get3A_505 : i32 to index
        %get3A_507 = arith.constant 112 : index
        %get3A_508 = tpu.vector_load %arg9[%get3A_506, %get3A_507] {strides = array<i32>} : memref<16x128xf32, #tpu.memory_space<vmem>>, vector<16xf32>,
        tpu.vector_store_idx %arg6[%get3A_504], %get3A_508 {add = true} : memref<100096xf32, #tpu.memory_space<vmem>>[vector<16xi32>], vector<16xf32>,
        %get3A_509 = arith.constant 6 : i32
        %get3A_510 = arith.index_cast %get3A_509 : i32 to index
        %get3A_511 = arith.constant 0 : index
        %get3A_512 = tpu.vector_load %arg7[%get3A_510, %get3A_511] {strides = array<i32>} : memref<16x128xi32, #tpu.memory_space<vmem>>, vector<16xi32>,
        %get3A_513 = arith.constant 6 : i32
        %get3A_514 = arith.index_cast %get3A_513 : i32 to index
        %get3A_515 = arith.constant 0 : index
        %get3A_516 = tpu.vector_load %arg9[%get3A_514, %get3A_515] {strides = array<i32>} : memref<16x128xf32, #tpu.memory_space<vmem>>, vector<16xf32>,
        tpu.vector_store_idx %arg6[%get3A_512], %get3A_516 {add = true} : memref<100096xf32, #tpu.memory_space<vmem>>[vector<16xi32>], vector<16xf32>,
        %get3A_517 = arith.constant 6 : i32
        %get3A_518 = arith.index_cast %get3A_517 : i32 to index
        %get3A_519 = arith.constant 16 : index
        %get3A_520 = tpu.vector_load %arg7[%get3A_518, %get3A_519] {strides = array<i32>} : memref<16x128xi32, #tpu.memory_space<vmem>>, vector<16xi32>,
        %get3A_521 = arith.constant 6 : i32
        %get3A_522 = arith.index_cast %get3A_521 : i32 to index
        %get3A_523 = arith.constant 16 : index
        %get3A_524 = tpu.vector_load %arg9[%get3A_522, %get3A_523] {strides = array<i32>} : memref<16x128xf32, #tpu.memory_space<vmem>>, vector<16xf32>,
        tpu.vector_store_idx %arg6[%get3A_520], %get3A_524 {add = true} : memref<100096xf32, #tpu.memory_space<vmem>>[vector<16xi32>], vector<16xf32>,
        %get3A_525 = arith.constant 6 : i32
        %get3A_526 = arith.index_cast %get3A_525 : i32 to index
        %get3A_527 = arith.constant 32 : index
        %get3A_528 = tpu.vector_load %arg7[%get3A_526, %get3A_527] {strides = array<i32>} : memref<16x128xi32, #tpu.memory_space<vmem>>, vector<16xi32>,
        %get3A_529 = arith.constant 6 : i32
        %get3A_530 = arith.index_cast %get3A_529 : i32 to index
        %get3A_531 = arith.constant 32 : index
        %get3A_532 = tpu.vector_load %arg9[%get3A_530, %get3A_531] {strides = array<i32>} : memref<16x128xf32, #tpu.memory_space<vmem>>, vector<16xf32>,
        tpu.vector_store_idx %arg6[%get3A_528], %get3A_532 {add = true} : memref<100096xf32, #tpu.memory_space<vmem>>[vector<16xi32>], vector<16xf32>,
        %get3A_533 = arith.constant 6 : i32
        %get3A_534 = arith.index_cast %get3A_533 : i32 to index
        %get3A_535 = arith.constant 48 : index
        %get3A_536 = tpu.vector_load %arg7[%get3A_534, %get3A_535] {strides = array<i32>} : memref<16x128xi32, #tpu.memory_space<vmem>>, vector<16xi32>,
        %get3A_537 = arith.constant 6 : i32
        %get3A_538 = arith.index_cast %get3A_537 : i32 to index
        %get3A_539 = arith.constant 48 : index
        %get3A_540 = tpu.vector_load %arg9[%get3A_538, %get3A_539] {strides = array<i32>} : memref<16x128xf32, #tpu.memory_space<vmem>>, vector<16xf32>,
        tpu.vector_store_idx %arg6[%get3A_536], %get3A_540 {add = true} : memref<100096xf32, #tpu.memory_space<vmem>>[vector<16xi32>], vector<16xf32>,
        %get3A_541 = arith.constant 6 : i32
        %get3A_542 = arith.index_cast %get3A_541 : i32 to index
        %get3A_543 = arith.constant 64 : index
        %get3A_544 = tpu.vector_load %arg7[%get3A_542, %get3A_543] {strides = array<i32>} : memref<16x128xi32, #tpu.memory_space<vmem>>, vector<16xi32>,
        %get3A_545 = arith.constant 6 : i32
        %get3A_546 = arith.index_cast %get3A_545 : i32 to index
        %get3A_547 = arith.constant 64 : index
        %get3A_548 = tpu.vector_load %arg9[%get3A_546, %get3A_547] {strides = array<i32>} : memref<16x128xf32, #tpu.memory_space<vmem>>, vector<16xf32>,
        tpu.vector_store_idx %arg6[%get3A_544], %get3A_548 {add = true} : memref<100096xf32, #tpu.memory_space<vmem>>[vector<16xi32>], vector<16xf32>,
        %get3A_549 = arith.constant 6 : i32
        %get3A_550 = arith.index_cast %get3A_549 : i32 to index
        %get3A_551 = arith.constant 80 : index
        %get3A_552 = tpu.vector_load %arg7[%get3A_550, %get3A_551] {strides = array<i32>} : memref<16x128xi32, #tpu.memory_space<vmem>>, vector<16xi32>,
        %get3A_553 = arith.constant 6 : i32
        %get3A_554 = arith.index_cast %get3A_553 : i32 to index
        %get3A_555 = arith.constant 80 : index
        %get3A_556 = tpu.vector_load %arg9[%get3A_554, %get3A_555] {strides = array<i32>} : memref<16x128xf32, #tpu.memory_space<vmem>>, vector<16xf32>,
        tpu.vector_store_idx %arg6[%get3A_552], %get3A_556 {add = true} : memref<100096xf32, #tpu.memory_space<vmem>>[vector<16xi32>], vector<16xf32>,
        %get3A_557 = arith.constant 6 : i32
        %get3A_558 = arith.index_cast %get3A_557 : i32 to index
        %get3A_559 = arith.constant 96 : index
        %get3A_560 = tpu.vector_load %arg7[%get3A_558, %get3A_559] {strides = array<i32>} : memref<16x128xi32, #tpu.memory_space<vmem>>, vector<16xi32>,
        %get3A_561 = arith.constant 6 : i32
        %get3A_562 = arith.index_cast %get3A_561 : i32 to index
        %get3A_563 = arith.constant 96 : index
        %get3A_564 = tpu.vector_load %arg9[%get3A_562, %get3A_563] {strides = array<i32>} : memref<16x128xf32, #tpu.memory_space<vmem>>, vector<16xf32>,
        tpu.vector_store_idx %arg6[%get3A_560], %get3A_564 {add = true} : memref<100096xf32, #tpu.memory_space<vmem>>[vector<16xi32>], vector<16xf32>,
        %get3A_565 = arith.constant 6 : i32
        %get3A_566 = arith.index_cast %get3A_565 : i32 to index
        %get3A_567 = arith.constant 112 : index
        %get3A_568 = tpu.vector_load %arg7[%get3A_566, %get3A_567] {strides = array<i32>} : memref<16x128xi32, #tpu.memory_space<vmem>>, vector<16xi32>,
        %get3A_569 = arith.constant 6 : i32
        %get3A_570 = arith.index_cast %get3A_569 : i32 to index
        %get3A_571 = arith.constant 112 : index
        %get3A_572 = tpu.vector_load %arg9[%get3A_570, %get3A_571] {strides = array<i32>} : memref<16x128xf32, #tpu.memory_space<vmem>>, vector<16xf32>,
        tpu.vector_store_idx %arg6[%get3A_568], %get3A_572 {add = true} : memref<100096xf32, #tpu.memory_space<vmem>>[vector<16xi32>], vector<16xf32>,
        %get3A_573 = arith.constant 7 : i32
        %get3A_574 = arith.index_cast %get3A_573 : i32 to index
        %get3A_575 = arith.constant 0 : index
        %get3A_576 = tpu.vector_load %arg7[%get3A_574, %get3A_575] {strides = array<i32>} : memref<16x128xi32, #tpu.memory_space<vmem>>, vector<16xi32>,
        %get3A_577 = arith.constant 7 : i32
        %get3A_578 = arith.index_cast %get3A_577 : i32 to index
        %get3A_579 = arith.constant 0 : index
        %get3A_580 = tpu.vector_load %arg9[%get3A_578, %get3A_579] {strides = array<i32>} : memref<16x128xf32, #tpu.memory_space<vmem>>, vector<16xf32>,
        tpu.vector_store_idx %arg6[%get3A_576], %get3A_580 {add = true} : memref<100096xf32, #tpu.memory_space<vmem>>[vector<16xi32>], vector<16xf32>,
        %get3A_581 = arith.constant 7 : i32
        %get3A_582 = arith.index_cast %get3A_581 : i32 to index
        %get3A_583 = arith.constant 16 : index
        %get3A_584 = tpu.vector_load %arg7[%get3A_582, %get3A_583] {strides = array<i32>} : memref<16x128xi32, #tpu.memory_space<vmem>>, vector<16xi32>,
        %get3A_585 = arith.constant 7 : i32
        %get3A_586 = arith.index_cast %get3A_585 : i32 to index
        %get3A_587 = arith.constant 16 : index
        %get3A_588 = tpu.vector_load %arg9[%get3A_586, %get3A_587] {strides = array<i32>} : memref<16x128xf32, #tpu.memory_space<vmem>>, vector<16xf32>,
        tpu.vector_store_idx %arg6[%get3A_584], %get3A_588 {add = true} : memref<100096xf32, #tpu.memory_space<vmem>>[vector<16xi32>], vector<16xf32>,
        %get3A_589 = arith.constant 7 : i32
        %get3A_590 = arith.index_cast %get3A_589 : i32 to index
        %get3A_591 = arith.constant 32 : index
        %get3A_592 = tpu.vector_load %arg7[%get3A_590, %get3A_591] {strides = array<i32>} : memref<16x128xi32, #tpu.memory_space<vmem>>, vector<16xi32>,
        %get3A_593 = arith.constant 7 : i32
        %get3A_594 = arith.index_cast %get3A_593 : i32 to index
        %get3A_595 = arith.constant 32 : index
        %get3A_596 = tpu.vector_load %arg9[%get3A_594, %get3A_595] {strides = array<i32>} : memref<16x128xf32, #tpu.memory_space<vmem>>, vector<16xf32>,
        tpu.vector_store_idx %arg6[%get3A_592], %get3A_596 {add = true} : memref<100096xf32, #tpu.memory_space<vmem>>[vector<16xi32>], vector<16xf32>,
        %get3A_597 = arith.constant 7 : i32
        %get3A_598 = arith.index_cast %get3A_597 : i32 to index
        %get3A_599 = arith.constant 48 : index
        %get3A_600 = tpu.vector_load %arg7[%get3A_598, %get3A_599] {strides = array<i32>} : memref<16x128xi32, #tpu.memory_space<vmem>>, vector<16xi32>,
        %get3A_601 = arith.constant 7 : i32
        %get3A_602 = arith.index_cast %get3A_601 : i32 to index
        %get3A_603 = arith.constant 48 : index
        %get3A_604 = tpu.vector_load %arg9[%get3A_602, %get3A_603] {strides = array<i32>} : memref<16x128xf32, #tpu.memory_space<vmem>>, vector<16xf32>,
        tpu.vector_store_idx %arg6[%get3A_600], %get3A_604 {add = true} : memref<100096xf32, #tpu.memory_space<vmem>>[vector<16xi32>], vector<16xf32>,
        %get3A_605 = arith.constant 7 : i32
        %get3A_606 = arith.index_cast %get3A_605 : i32 to index
        %get3A_607 = arith.constant 64 : index
        %get3A_608 = tpu.vector_load %arg7[%get3A_606, %get3A_607] {strides = array<i32>} : memref<16x128xi32, #tpu.memory_space<vmem>>, vector<16xi32>,
        %get3A_609 = arith.constant 7 : i32
        %get3A_610 = arith.index_cast %get3A_609 : i32 to index
        %get3A_611 = arith.constant 64 : index
        %get3A_612 = tpu.vector_load %arg9[%get3A_610, %get3A_611] {strides = array<i32>} : memref<16x128xf32, #tpu.memory_space<vmem>>, vector<16xf32>,
        tpu.vector_store_idx %arg6[%get3A_608], %get3A_612 {add = true} : memref<100096xf32, #tpu.memory_space<vmem>>[vector<16xi32>], vector<16xf32>,
        %get3A_613 = arith.constant 7 : i32
        %get3A_614 = arith.index_cast %get3A_613 : i32 to index
        %get3A_615 = arith.constant 80 : index
        %get3A_616 = tpu.vector_load %arg7[%get3A_614, %get3A_615] {strides = array<i32>} : memref<16x128xi32, #tpu.memory_space<vmem>>, vector<16xi32>,
        %get3A_617 = arith.constant 7 : i32
        %get3A_618 = arith.index_cast %get3A_617 : i32 to index
        %get3A_619 = arith.constant 80 : index
        %get3A_620 = tpu.vector_load %arg9[%get3A_618, %get3A_619] {strides = array<i32>} : memref<16x128xf32, #tpu.memory_space<vmem>>, vector<16xf32>,
        tpu.vector_store_idx %arg6[%get3A_616], %get3A_620 {add = true} : memref<100096xf32, #tpu.memory_space<vmem>>[vector<16xi32>], vector<16xf32>,
        %get3A_621 = arith.constant 7 : i32
        %get3A_622 = arith.index_cast %get3A_621 : i32 to index
        %get3A_623 = arith.constant 96 : index
        %get3A_624 = tpu.vector_load %arg7[%get3A_622, %get3A_623] {strides = array<i32>} : memref<16x128xi32, #tpu.memory_space<vmem>>, vector<16xi32>,
        %get3A_625 = arith.constant 7 : i32
        %get3A_626 = arith.index_cast %get3A_625 : i32 to index
        %get3A_627 = arith.constant 96 : index
        %get3A_628 = tpu.vector_load %arg9[%get3A_626, %get3A_627] {strides = array<i32>} : memref<16x128xf32, #tpu.memory_space<vmem>>, vector<16xf32>,
        tpu.vector_store_idx %arg6[%get3A_624], %get3A_628 {add = true} : memref<100096xf32, #tpu.memory_space<vmem>>[vector<16xi32>], vector<16xf32>,
        %get3A_629 = arith.constant 7 : i32
        %get3A_630 = arith.index_cast %get3A_629 : i32 to index
        %get3A_631 = arith.constant 112 : index
        %get3A_632 = tpu.vector_load %arg7[%get3A_630, %get3A_631] {strides = array<i32>} : memref<16x128xi32, #tpu.memory_space<vmem>>, vector<16xi32>,
        %get3A_633 = arith.constant 7 : i32
        %get3A_634 = arith.index_cast %get3A_633 : i32 to index
        %get3A_635 = arith.constant 112 : index
        %get3A_636 = tpu.vector_load %arg9[%get3A_634, %get3A_635] {strides = array<i32>} : memref<16x128xf32, #tpu.memory_space<vmem>>, vector<16xf32>,
        tpu.vector_store_idx %arg6[%get3A_632], %get3A_636 {add = true} : memref<100096xf32, #tpu.memory_space<vmem>>[vector<16xi32>], vector<16xf32>,
        %get3A_637 = arith.constant 8 : i32
        %get3A_638 = arith.index_cast %get3A_637 : i32 to index
        %get3A_639 = arith.constant 0 : index
        %get3A_640 = tpu.vector_load %arg7[%get3A_638, %get3A_639] {strides = array<i32>} : memref<16x128xi32, #tpu.memory_space<vmem>>, vector<16xi32>,
        %get3A_641 = arith.constant 8 : i32
        %get3A_642 = arith.index_cast %get3A_641 : i32 to index
        %get3A_643 = arith.constant 0 : index
        %get3A_644 = tpu.vector_load %arg9[%get3A_642, %get3A_643] {strides = array<i32>} : memref<16x128xf32, #tpu.memory_space<vmem>>, vector<16xf32>,
        tpu.vector_store_idx %arg6[%get3A_640], %get3A_644 {add = true} : memref<100096xf32, #tpu.memory_space<vmem>>[vector<16xi32>], vector<16xf32>,
        %get3A_645 = arith.constant 8 : i32
        %get3A_646 = arith.index_cast %get3A_645 : i32 to index
        %get3A_647 = arith.constant 16 : index
        %get3A_648 = tpu.vector_load %arg7[%get3A_646, %get3A_647] {strides = array<i32>} : memref<16x128xi32, #tpu.memory_space<vmem>>, vector<16xi32>,
        %get3A_649 = arith.constant 8 : i32
        %get3A_650 = arith.index_cast %get3A_649 : i32 to index
        %get3A_651 = arith.constant 16 : index
        %get3A_652 = tpu.vector_load %arg9[%get3A_650, %get3A_651] {strides = array<i32>} : memref<16x128xf32, #tpu.memory_space<vmem>>, vector<16xf32>,
        tpu.vector_store_idx %arg6[%get3A_648], %get3A_652 {add = true} : memref<100096xf32, #tpu.memory_space<vmem>>[vector<16xi32>], vector<16xf32>,
        %get3A_653 = arith.constant 8 : i32
        %get3A_654 = arith.index_cast %get3A_653 : i32 to index
        %get3A_655 = arith.constant 32 : index
        %get3A_656 = tpu.vector_load %arg7[%get3A_654, %get3A_655] {strides = array<i32>} : memref<16x128xi32, #tpu.memory_space<vmem>>, vector<16xi32>,
        %get3A_657 = arith.constant 8 : i32
        %get3A_658 = arith.index_cast %get3A_657 : i32 to index
        %get3A_659 = arith.constant 32 : index
        %get3A_660 = tpu.vector_load %arg9[%get3A_658, %get3A_659] {strides = array<i32>} : memref<16x128xf32, #tpu.memory_space<vmem>>, vector<16xf32>,
        tpu.vector_store_idx %arg6[%get3A_656], %get3A_660 {add = true} : memref<100096xf32, #tpu.memory_space<vmem>>[vector<16xi32>], vector<16xf32>,
        %get3A_661 = arith.constant 8 : i32
        %get3A_662 = arith.index_cast %get3A_661 : i32 to index
        %get3A_663 = arith.constant 48 : index
        %get3A_664 = tpu.vector_load %arg7[%get3A_662, %get3A_663] {strides = array<i32>} : memref<16x128xi32, #tpu.memory_space<vmem>>, vector<16xi32>,
        %get3A_665 = arith.constant 8 : i32
        %get3A_666 = arith.index_cast %get3A_665 : i32 to index
        %get3A_667 = arith.constant 48 : index
        %get3A_668 = tpu.vector_load %arg9[%get3A_666, %get3A_667] {strides = array<i32>} : memref<16x128xf32, #tpu.memory_space<vmem>>, vector<16xf32>,
        tpu.vector_store_idx %arg6[%get3A_664], %get3A_668 {add = true} : memref<100096xf32, #tpu.memory_space<vmem>>[vector<16xi32>], vector<16xf32>,
        %get3A_669 = arith.constant 8 : i32
        %get3A_670 = arith.index_cast %get3A_669 : i32 to index
        %get3A_671 = arith.constant 64 : index
        %get3A_672 = tpu.vector_load %arg7[%get3A_670, %get3A_671] {strides = array<i32>} : memref<16x128xi32, #tpu.memory_space<vmem>>, vector<16xi32>,
        %get3A_673 = arith.constant 8 : i32
        %get3A_674 = arith.index_cast %get3A_673 : i32 to index
        %get3A_675 = arith.constant 64 : index
        %get3A_676 = tpu.vector_load %arg9[%get3A_674, %get3A_675] {strides = array<i32>} : memref<16x128xf32, #tpu.memory_space<vmem>>, vector<16xf32>,
        tpu.vector_store_idx %arg6[%get3A_672], %get3A_676 {add = true} : memref<100096xf32, #tpu.memory_space<vmem>>[vector<16xi32>], vector<16xf32>,
        %get3A_677 = arith.constant 8 : i32
        %get3A_678 = arith.index_cast %get3A_677 : i32 to index
        %get3A_679 = arith.constant 80 : index
        %get3A_680 = tpu.vector_load %arg7[%get3A_678, %get3A_679] {strides = array<i32>} : memref<16x128xi32, #tpu.memory_space<vmem>>, vector<16xi32>,
        %get3A_681 = arith.constant 8 : i32
        %get3A_682 = arith.index_cast %get3A_681 : i32 to index
        %get3A_683 = arith.constant 80 : index
        %get3A_684 = tpu.vector_load %arg9[%get3A_682, %get3A_683] {strides = array<i32>} : memref<16x128xf32, #tpu.memory_space<vmem>>, vector<16xf32>,
        tpu.vector_store_idx %arg6[%get3A_680], %get3A_684 {add = true} : memref<100096xf32, #tpu.memory_space<vmem>>[vector<16xi32>], vector<16xf32>,
        %get3A_685 = arith.constant 8 : i32
        %get3A_686 = arith.index_cast %get3A_685 : i32 to index
        %get3A_687 = arith.constant 96 : index
        %get3A_688 = tpu.vector_load %arg7[%get3A_686, %get3A_687] {strides = array<i32>} : memref<16x128xi32, #tpu.memory_space<vmem>>, vector<16xi32>,
        %get3A_689 = arith.constant 8 : i32
        %get3A_690 = arith.index_cast %get3A_689 : i32 to index
        %get3A_691 = arith.constant 96 : index
        %get3A_692 = tpu.vector_load %arg9[%get3A_690, %get3A_691] {strides = array<i32>} : memref<16x128xf32, #tpu.memory_space<vmem>>, vector<16xf32>,
        tpu.vector_store_idx %arg6[%get3A_688], %get3A_692 {add = true} : memref<100096xf32, #tpu.memory_space<vmem>>[vector<16xi32>], vector<16xf32>,
        %get3A_693 = arith.constant 8 : i32
        %get3A_694 = arith.index_cast %get3A_693 : i32 to index
        %get3A_695 = arith.constant 112 : index
        %get3A_696 = tpu.vector_load %arg7[%get3A_694, %get3A_695] {strides = array<i32>} : memref<16x128xi32, #tpu.memory_space<vmem>>, vector<16xi32>,
        %get3A_697 = arith.constant 8 : i32
        %get3A_698 = arith.index_cast %get3A_697 : i32 to index
        %get3A_699 = arith.constant 112 : index
        %get3A_700 = tpu.vector_load %arg9[%get3A_698, %get3A_699] {strides = array<i32>} : memref<16x128xf32, #tpu.memory_space<vmem>>, vector<16xf32>,
        tpu.vector_store_idx %arg6[%get3A_696], %get3A_700 {add = true} : memref<100096xf32, #tpu.memory_space<vmem>>[vector<16xi32>], vector<16xf32>,
        %get3A_701 = arith.constant 9 : i32
        %get3A_702 = arith.index_cast %get3A_701 : i32 to index
        %get3A_703 = arith.constant 0 : index
        %get3A_704 = tpu.vector_load %arg7[%get3A_702, %get3A_703] {strides = array<i32>} : memref<16x128xi32, #tpu.memory_space<vmem>>, vector<16xi32>,
        %get3A_705 = arith.constant 9 : i32
        %get3A_706 = arith.index_cast %get3A_705 : i32 to index
        %get3A_707 = arith.constant 0 : index
        %get3A_708 = tpu.vector_load %arg9[%get3A_706, %get3A_707] {strides = array<i32>} : memref<16x128xf32, #tpu.memory_space<vmem>>, vector<16xf32>,
        tpu.vector_store_idx %arg6[%get3A_704], %get3A_708 {add = true} : memref<100096xf32, #tpu.memory_space<vmem>>[vector<16xi32>], vector<16xf32>,
        %get3A_709 = arith.constant 9 : i32
        %get3A_710 = arith.index_cast %get3A_709 : i32 to index
        %get3A_711 = arith.constant 16 : index
        %get3A_712 = tpu.vector_load %arg7[%get3A_710, %get3A_711] {strides = array<i32>} : memref<16x128xi32, #tpu.memory_space<vmem>>, vector<16xi32>,
        %get3A_713 = arith.constant 9 : i32
        %get3A_714 = arith.index_cast %get3A_713 : i32 to index
        %get3A_715 = arith.constant 16 : index
        %get3A_716 = tpu.vector_load %arg9[%get3A_714, %get3A_715] {strides = array<i32>} : memref<16x128xf32, #tpu.memory_space<vmem>>, vector<16xf32>,
        tpu.vector_store_idx %arg6[%get3A_712], %get3A_716 {add = true} : memref<100096xf32, #tpu.memory_space<vmem>>[vector<16xi32>], vector<16xf32>,
        %get3A_717 = arith.constant 9 : i32
        %get3A_718 = arith.index_cast %get3A_717 : i32 to index
        %get3A_719 = arith.constant 32 : index
        %get3A_720 = tpu.vector_load %arg7[%get3A_718, %get3A_719] {strides = array<i32>} : memref<16x128xi32, #tpu.memory_space<vmem>>, vector<16xi32>,
        %get3A_721 = arith.constant 9 : i32
        %get3A_722 = arith.index_cast %get3A_721 : i32 to index
        %get3A_723 = arith.constant 32 : index
        %get3A_724 = tpu.vector_load %arg9[%get3A_722, %get3A_723] {strides = array<i32>} : memref<16x128xf32, #tpu.memory_space<vmem>>, vector<16xf32>,
        tpu.vector_store_idx %arg6[%get3A_720], %get3A_724 {add = true} : memref<100096xf32, #tpu.memory_space<vmem>>[vector<16xi32>], vector<16xf32>,
        %get3A_725 = arith.constant 9 : i32
        %get3A_726 = arith.index_cast %get3A_725 : i32 to index
        %get3A_727 = arith.constant 48 : index
        %get3A_728 = tpu.vector_load %arg7[%get3A_726, %get3A_727] {strides = array<i32>} : memref<16x128xi32, #tpu.memory_space<vmem>>, vector<16xi32>,
        %get3A_729 = arith.constant 9 : i32
        %get3A_730 = arith.index_cast %get3A_729 : i32 to index
        %get3A_731 = arith.constant 48 : index
        %get3A_732 = tpu.vector_load %arg9[%get3A_730, %get3A_731] {strides = array<i32>} : memref<16x128xf32, #tpu.memory_space<vmem>>, vector<16xf32>,
        tpu.vector_store_idx %arg6[%get3A_728], %get3A_732 {add = true} : memref<100096xf32, #tpu.memory_space<vmem>>[vector<16xi32>], vector<16xf32>,
        %get3A_733 = arith.constant 9 : i32
        %get3A_734 = arith.index_cast %get3A_733 : i32 to index
        %get3A_735 = arith.constant 64 : index
        %get3A_736 = tpu.vector_load %arg7[%get3A_734, %get3A_735] {strides = array<i32>} : memref<16x128xi32, #tpu.memory_space<vmem>>, vector<16xi32>,
        %get3A_737 = arith.constant 9 : i32
        %get3A_738 = arith.index_cast %get3A_737 : i32 to index
        %get3A_739 = arith.constant 64 : index
        %get3A_740 = tpu.vector_load %arg9[%get3A_738, %get3A_739] {strides = array<i32>} : memref<16x128xf32, #tpu.memory_space<vmem>>, vector<16xf32>,
        tpu.vector_store_idx %arg6[%get3A_736], %get3A_740 {add = true} : memref<100096xf32, #tpu.memory_space<vmem>>[vector<16xi32>], vector<16xf32>,
        %get3A_741 = arith.constant 9 : i32
        %get3A_742 = arith.index_cast %get3A_741 : i32 to index
        %get3A_743 = arith.constant 80 : index
        %get3A_744 = tpu.vector_load %arg7[%get3A_742, %get3A_743] {strides = array<i32>} : memref<16x128xi32, #tpu.memory_space<vmem>>, vector<16xi32>,
        %get3A_745 = arith.constant 9 : i32
        %get3A_746 = arith.index_cast %get3A_745 : i32 to index
        %get3A_747 = arith.constant 80 : index
        %get3A_748 = tpu.vector_load %arg9[%get3A_746, %get3A_747] {strides = array<i32>} : memref<16x128xf32, #tpu.memory_space<vmem>>, vector<16xf32>,
        tpu.vector_store_idx %arg6[%get3A_744], %get3A_748 {add = true} : memref<100096xf32, #tpu.memory_space<vmem>>[vector<16xi32>], vector<16xf32>,
        %get3A_749 = arith.constant 9 : i32
        %get3A_750 = arith.index_cast %get3A_749 : i32 to index
        %get3A_751 = arith.constant 96 : index
        %get3A_752 = tpu.vector_load %arg7[%get3A_750, %get3A_751] {strides = array<i32>} : memref<16x128xi32, #tpu.memory_space<vmem>>, vector<16xi32>,
        %get3A_753 = arith.constant 9 : i32
        %get3A_754 = arith.index_cast %get3A_753 : i32 to index
        %get3A_755 = arith.constant 96 : index
        %get3A_756 = tpu.vector_load %arg9[%get3A_754, %get3A_755] {strides = array<i32>} : memref<16x128xf32, #tpu.memory_space<vmem>>, vector<16xf32>,
        tpu.vector_store_idx %arg6[%get3A_752], %get3A_756 {add = true} : memref<100096xf32, #tpu.memory_space<vmem>>[vector<16xi32>], vector<16xf32>,
        %get3A_757 = arith.constant 9 : i32
        %get3A_758 = arith.index_cast %get3A_757 : i32 to index
        %get3A_759 = arith.constant 112 : index
        %get3A_760 = tpu.vector_load %arg7[%get3A_758, %get3A_759] {strides = array<i32>} : memref<16x128xi32, #tpu.memory_space<vmem>>, vector<16xi32>,
        %get3A_761 = arith.constant 9 : i32
        %get3A_762 = arith.index_cast %get3A_761 : i32 to index
        %get3A_763 = arith.constant 112 : index
        %get3A_764 = tpu.vector_load %arg9[%get3A_762, %get3A_763] {strides = array<i32>} : memref<16x128xf32, #tpu.memory_space<vmem>>, vector<16xf32>,
        tpu.vector_store_idx %arg6[%get3A_760], %get3A_764 {add = true} : memref<100096xf32, #tpu.memory_space<vmem>>[vector<16xi32>], vector<16xf32>,
        %get3A_765 = arith.constant 10 : i32
        %get3A_766 = arith.index_cast %get3A_765 : i32 to index
        %get3A_767 = arith.constant 0 : index
        %get3A_768 = tpu.vector_load %arg7[%get3A_766, %get3A_767] {strides = array<i32>} : memref<16x128xi32, #tpu.memory_space<vmem>>, vector<16xi32>,
        %get3A_769 = arith.constant 10 : i32
        %get3A_770 = arith.index_cast %get3A_769 : i32 to index
        %get3A_771 = arith.constant 0 : index
        %get3A_772 = tpu.vector_load %arg9[%get3A_770, %get3A_771] {strides = array<i32>} : memref<16x128xf32, #tpu.memory_space<vmem>>, vector<16xf32>,
        tpu.vector_store_idx %arg6[%get3A_768], %get3A_772 {add = true} : memref<100096xf32, #tpu.memory_space<vmem>>[vector<16xi32>], vector<16xf32>,
        %get3A_773 = arith.constant 10 : i32
        %get3A_774 = arith.index_cast %get3A_773 : i32 to index
        %get3A_775 = arith.constant 16 : index
        %get3A_776 = tpu.vector_load %arg7[%get3A_774, %get3A_775] {strides = array<i32>} : memref<16x128xi32, #tpu.memory_space<vmem>>, vector<16xi32>,
        %get3A_777 = arith.constant 10 : i32
        %get3A_778 = arith.index_cast %get3A_777 : i32 to index
        %get3A_779 = arith.constant 16 : index
        %get3A_780 = tpu.vector_load %arg9[%get3A_778, %get3A_779] {strides = array<i32>} : memref<16x128xf32, #tpu.memory_space<vmem>>, vector<16xf32>,
        tpu.vector_store_idx %arg6[%get3A_776], %get3A_780 {add = true} : memref<100096xf32, #tpu.memory_space<vmem>>[vector<16xi32>], vector<16xf32>,
        %get3A_781 = arith.constant 10 : i32
        %get3A_782 = arith.index_cast %get3A_781 : i32 to index
        %get3A_783 = arith.constant 32 : index
        %get3A_784 = tpu.vector_load %arg7[%get3A_782, %get3A_783] {strides = array<i32>} : memref<16x128xi32, #tpu.memory_space<vmem>>, vector<16xi32>,
        %get3A_785 = arith.constant 10 : i32
        %get3A_786 = arith.index_cast %get3A_785 : i32 to index
        %get3A_787 = arith.constant 32 : index
        %get3A_788 = tpu.vector_load %arg9[%get3A_786, %get3A_787] {strides = array<i32>} : memref<16x128xf32, #tpu.memory_space<vmem>>, vector<16xf32>,
        tpu.vector_store_idx %arg6[%get3A_784], %get3A_788 {add = true} : memref<100096xf32, #tpu.memory_space<vmem>>[vector<16xi32>], vector<16xf32>,
        %get3A_789 = arith.constant 10 : i32
        %get3A_790 = arith.index_cast %get3A_789 : i32 to index
        %get3A_791 = arith.constant 48 : index
        %get3A_792 = tpu.vector_load %arg7[%get3A_790, %get3A_791] {strides = array<i32>} : memref<16x128xi32, #tpu.memory_space<vmem>>, vector<16xi32>,
        %get3A_793 = arith.constant 10 : i32
        %get3A_794 = arith.index_cast %get3A_793 : i32 to index
        %get3A_795 = arith.constant 48 : index
        %get3A_796 = tpu.vector_load %arg9[%get3A_794, %get3A_795] {strides = array<i32>} : memref<16x128xf32, #tpu.memory_space<vmem>>, vector<16xf32>,
        tpu.vector_store_idx %arg6[%get3A_792], %get3A_796 {add = true} : memref<100096xf32, #tpu.memory_space<vmem>>[vector<16xi32>], vector<16xf32>,
        %get3A_797 = arith.constant 10 : i32
        %get3A_798 = arith.index_cast %get3A_797 : i32 to index
        %get3A_799 = arith.constant 64 : index
        %get3A_800 = tpu.vector_load %arg7[%get3A_798, %get3A_799] {strides = array<i32>} : memref<16x128xi32, #tpu.memory_space<vmem>>, vector<16xi32>,
        %get3A_801 = arith.constant 10 : i32
        %get3A_802 = arith.index_cast %get3A_801 : i32 to index
        %get3A_803 = arith.constant 64 : index
        %get3A_804 = tpu.vector_load %arg9[%get3A_802, %get3A_803] {strides = array<i32>} : memref<16x128xf32, #tpu.memory_space<vmem>>, vector<16xf32>,
        tpu.vector_store_idx %arg6[%get3A_800], %get3A_804 {add = true} : memref<100096xf32, #tpu.memory_space<vmem>>[vector<16xi32>], vector<16xf32>,
        %get3A_805 = arith.constant 10 : i32
        %get3A_806 = arith.index_cast %get3A_805 : i32 to index
        %get3A_807 = arith.constant 80 : index
        %get3A_808 = tpu.vector_load %arg7[%get3A_806, %get3A_807] {strides = array<i32>} : memref<16x128xi32, #tpu.memory_space<vmem>>, vector<16xi32>,
        %get3A_809 = arith.constant 10 : i32
        %get3A_810 = arith.index_cast %get3A_809 : i32 to index
        %get3A_811 = arith.constant 80 : index
        %get3A_812 = tpu.vector_load %arg9[%get3A_810, %get3A_811] {strides = array<i32>} : memref<16x128xf32, #tpu.memory_space<vmem>>, vector<16xf32>,
        tpu.vector_store_idx %arg6[%get3A_808], %get3A_812 {add = true} : memref<100096xf32, #tpu.memory_space<vmem>>[vector<16xi32>], vector<16xf32>,
        %get3A_813 = arith.constant 10 : i32
        %get3A_814 = arith.index_cast %get3A_813 : i32 to index
        %get3A_815 = arith.constant 96 : index
        %get3A_816 = tpu.vector_load %arg7[%get3A_814, %get3A_815] {strides = array<i32>} : memref<16x128xi32, #tpu.memory_space<vmem>>, vector<16xi32>,
        %get3A_817 = arith.constant 10 : i32
        %get3A_818 = arith.index_cast %get3A_817 : i32 to index
        %get3A_819 = arith.constant 96 : index
        %get3A_820 = tpu.vector_load %arg9[%get3A_818, %get3A_819] {strides = array<i32>} : memref<16x128xf32, #tpu.memory_space<vmem>>, vector<16xf32>,
        tpu.vector_store_idx %arg6[%get3A_816], %get3A_820 {add = true} : memref<100096xf32, #tpu.memory_space<vmem>>[vector<16xi32>], vector<16xf32>,
        %get3A_821 = arith.constant 10 : i32
        %get3A_822 = arith.index_cast %get3A_821 : i32 to index
        %get3A_823 = arith.constant 112 : index
        %get3A_824 = tpu.vector_load %arg7[%get3A_822, %get3A_823] {strides = array<i32>} : memref<16x128xi32, #tpu.memory_space<vmem>>, vector<16xi32>,
        %get3A_825 = arith.constant 10 : i32
        %get3A_826 = arith.index_cast %get3A_825 : i32 to index
        %get3A_827 = arith.constant 112 : index
        %get3A_828 = tpu.vector_load %arg9[%get3A_826, %get3A_827] {strides = array<i32>} : memref<16x128xf32, #tpu.memory_space<vmem>>, vector<16xf32>,
        tpu.vector_store_idx %arg6[%get3A_824], %get3A_828 {add = true} : memref<100096xf32, #tpu.memory_space<vmem>>[vector<16xi32>], vector<16xf32>,
        %get3A_829 = arith.constant 11 : i32
        %get3A_830 = arith.index_cast %get3A_829 : i32 to index
        %get3A_831 = arith.constant 0 : index
        %get3A_832 = tpu.vector_load %arg7[%get3A_830, %get3A_831] {strides = array<i32>} : memref<16x128xi32, #tpu.memory_space<vmem>>, vector<16xi32>,
        %get3A_833 = arith.constant 11 : i32
        %get3A_834 = arith.index_cast %get3A_833 : i32 to index
        %get3A_835 = arith.constant 0 : index
        %get3A_836 = tpu.vector_load %arg9[%get3A_834, %get3A_835] {strides = array<i32>} : memref<16x128xf32, #tpu.memory_space<vmem>>, vector<16xf32>,
        tpu.vector_store_idx %arg6[%get3A_832], %get3A_836 {add = true} : memref<100096xf32, #tpu.memory_space<vmem>>[vector<16xi32>], vector<16xf32>,
        %get3A_837 = arith.constant 11 : i32
        %get3A_838 = arith.index_cast %get3A_837 : i32 to index
        %get3A_839 = arith.constant 16 : index
        %get3A_840 = tpu.vector_load %arg7[%get3A_838, %get3A_839] {strides = array<i32>} : memref<16x128xi32, #tpu.memory_space<vmem>>, vector<16xi32>,
        %get3A_841 = arith.constant 11 : i32
        %get3A_842 = arith.index_cast %get3A_841 : i32 to index
        %get3A_843 = arith.constant 16 : index
        %get3A_844 = tpu.vector_load %arg9[%get3A_842, %get3A_843] {strides = array<i32>} : memref<16x128xf32, #tpu.memory_space<vmem>>, vector<16xf32>,
        tpu.vector_store_idx %arg6[%get3A_840], %get3A_844 {add = true} : memref<100096xf32, #tpu.memory_space<vmem>>[vector<16xi32>], vector<16xf32>,
        %get3A_845 = arith.constant 11 : i32
        %get3A_846 = arith.index_cast %get3A_845 : i32 to index
        %get3A_847 = arith.constant 32 : index
        %get3A_848 = tpu.vector_load %arg7[%get3A_846, %get3A_847] {strides = array<i32>} : memref<16x128xi32, #tpu.memory_space<vmem>>, vector<16xi32>,
        %get3A_849 = arith.constant 11 : i32
        %get3A_850 = arith.index_cast %get3A_849 : i32 to index
        %get3A_851 = arith.constant 32 : index
        %get3A_852 = tpu.vector_load %arg9[%get3A_850, %get3A_851] {strides = array<i32>} : memref<16x128xf32, #tpu.memory_space<vmem>>, vector<16xf32>,
        tpu.vector_store_idx %arg6[%get3A_848], %get3A_852 {add = true} : memref<100096xf32, #tpu.memory_space<vmem>>[vector<16xi32>], vector<16xf32>,
        %get3A_853 = arith.constant 11 : i32
        %get3A_854 = arith.index_cast %get3A_853 : i32 to index
        %get3A_855 = arith.constant 48 : index
        %get3A_856 = tpu.vector_load %arg7[%get3A_854, %get3A_855] {strides = array<i32>} : memref<16x128xi32, #tpu.memory_space<vmem>>, vector<16xi32>,
        %get3A_857 = arith.constant 11 : i32
        %get3A_858 = arith.index_cast %get3A_857 : i32 to index
        %get3A_859 = arith.constant 48 : index
        %get3A_860 = tpu.vector_load %arg9[%get3A_858, %get3A_859] {strides = array<i32>} : memref<16x128xf32, #tpu.memory_space<vmem>>, vector<16xf32>,
        tpu.vector_store_idx %arg6[%get3A_856], %get3A_860 {add = true} : memref<100096xf32, #tpu.memory_space<vmem>>[vector<16xi32>], vector<16xf32>,
        %get3A_861 = arith.constant 11 : i32
        %get3A_862 = arith.index_cast %get3A_861 : i32 to index
        %get3A_863 = arith.constant 64 : index
        %get3A_864 = tpu.vector_load %arg7[%get3A_862, %get3A_863] {strides = array<i32>} : memref<16x128xi32, #tpu.memory_space<vmem>>, vector<16xi32>,
        %get3A_865 = arith.constant 11 : i32
        %get3A_866 = arith.index_cast %get3A_865 : i32 to index
        %get3A_867 = arith.constant 64 : index
        %get3A_868 = tpu.vector_load %arg9[%get3A_866, %get3A_867] {strides = array<i32>} : memref<16x128xf32, #tpu.memory_space<vmem>>, vector<16xf32>,
        tpu.vector_store_idx %arg6[%get3A_864], %get3A_868 {add = true} : memref<100096xf32, #tpu.memory_space<vmem>>[vector<16xi32>], vector<16xf32>,
        %get3A_869 = arith.constant 11 : i32
        %get3A_870 = arith.index_cast %get3A_869 : i32 to index
        %get3A_871 = arith.constant 80 : index
        %get3A_872 = tpu.vector_load %arg7[%get3A_870, %get3A_871] {strides = array<i32>} : memref<16x128xi32, #tpu.memory_space<vmem>>, vector<16xi32>,
        %get3A_873 = arith.constant 11 : i32
        %get3A_874 = arith.index_cast %get3A_873 : i32 to index
        %get3A_875 = arith.constant 80 : index
        %get3A_876 = tpu.vector_load %arg9[%get3A_874, %get3A_875] {strides = array<i32>} : memref<16x128xf32, #tpu.memory_space<vmem>>, vector<16xf32>,
        tpu.vector_store_idx %arg6[%get3A_872], %get3A_876 {add = true} : memref<100096xf32, #tpu.memory_space<vmem>>[vector<16xi32>], vector<16xf32>,
        %get3A_877 = arith.constant 11 : i32
        %get3A_878 = arith.index_cast %get3A_877 : i32 to index
        %get3A_879 = arith.constant 96 : index
        %get3A_880 = tpu.vector_load %arg7[%get3A_878, %get3A_879] {strides = array<i32>} : memref<16x128xi32, #tpu.memory_space<vmem>>, vector<16xi32>,
        %get3A_881 = arith.constant 11 : i32
        %get3A_882 = arith.index_cast %get3A_881 : i32 to index
        %get3A_883 = arith.constant 96 : index
        %get3A_884 = tpu.vector_load %arg9[%get3A_882, %get3A_883] {strides = array<i32>} : memref<16x128xf32, #tpu.memory_space<vmem>>, vector<16xf32>,
        tpu.vector_store_idx %arg6[%get3A_880], %get3A_884 {add = true} : memref<100096xf32, #tpu.memory_space<vmem>>[vector<16xi32>], vector<16xf32>,
        %get3A_885 = arith.constant 11 : i32
        %get3A_886 = arith.index_cast %get3A_885 : i32 to index
        %get3A_887 = arith.constant 112 : index
        %get3A_888 = tpu.vector_load %arg7[%get3A_886, %get3A_887] {strides = array<i32>} : memref<16x128xi32, #tpu.memory_space<vmem>>, vector<16xi32>,
        %get3A_889 = arith.constant 11 : i32
        %get3A_890 = arith.index_cast %get3A_889 : i32 to index
        %get3A_891 = arith.constant 112 : index
        %get3A_892 = tpu.vector_load %arg9[%get3A_890, %get3A_891] {strides = array<i32>} : memref<16x128xf32, #tpu.memory_space<vmem>>, vector<16xf32>,
        tpu.vector_store_idx %arg6[%get3A_888], %get3A_892 {add = true} : memref<100096xf32, #tpu.memory_space<vmem>>[vector<16xi32>], vector<16xf32>,
        %get3A_893 = arith.constant 12 : i32
        %get3A_894 = arith.index_cast %get3A_893 : i32 to index
        %get3A_895 = arith.constant 0 : index
        %get3A_896 = tpu.vector_load %arg7[%get3A_894, %get3A_895] {strides = array<i32>} : memref<16x128xi32, #tpu.memory_space<vmem>>, vector<16xi32>,
        %get3A_897 = arith.constant 12 : i32
        %get3A_898 = arith.index_cast %get3A_897 : i32 to index
        %get3A_899 = arith.constant 0 : index
        %get3A_900 = tpu.vector_load %arg9[%get3A_898, %get3A_899] {strides = array<i32>} : memref<16x128xf32, #tpu.memory_space<vmem>>, vector<16xf32>,
        tpu.vector_store_idx %arg6[%get3A_896], %get3A_900 {add = true} : memref<100096xf32, #tpu.memory_space<vmem>>[vector<16xi32>], vector<16xf32>,
        %get3A_901 = arith.constant 12 : i32
        %get3A_902 = arith.index_cast %get3A_901 : i32 to index
        %get3A_903 = arith.constant 16 : index
        %get3A_904 = tpu.vector_load %arg7[%get3A_902, %get3A_903] {strides = array<i32>} : memref<16x128xi32, #tpu.memory_space<vmem>>, vector<16xi32>,
        %get3A_905 = arith.constant 12 : i32
        %get3A_906 = arith.index_cast %get3A_905 : i32 to index
        %get3A_907 = arith.constant 16 : index
        %get3A_908 = tpu.vector_load %arg9[%get3A_906, %get3A_907] {strides = array<i32>} : memref<16x128xf32, #tpu.memory_space<vmem>>, vector<16xf32>,
        tpu.vector_store_idx %arg6[%get3A_904], %get3A_908 {add = true} : memref<100096xf32, #tpu.memory_space<vmem>>[vector<16xi32>], vector<16xf32>,
        %get3A_909 = arith.constant 12 : i32
        %get3A_910 = arith.index_cast %get3A_909 : i32 to index
        %get3A_911 = arith.constant 32 : index
        %get3A_912 = tpu.vector_load %arg7[%get3A_910, %get3A_911] {strides = array<i32>} : memref<16x128xi32, #tpu.memory_space<vmem>>, vector<16xi32>,
        %get3A_913 = arith.constant 12 : i32
        %get3A_914 = arith.index_cast %get3A_913 : i32 to index
        %get3A_915 = arith.constant 32 : index
        %get3A_916 = tpu.vector_load %arg9[%get3A_914, %get3A_915] {strides = array<i32>} : memref<16x128xf32, #tpu.memory_space<vmem>>, vector<16xf32>,
        tpu.vector_store_idx %arg6[%get3A_912], %get3A_916 {add = true} : memref<100096xf32, #tpu.memory_space<vmem>>[vector<16xi32>], vector<16xf32>,
        %get3A_917 = arith.constant 12 : i32
        %get3A_918 = arith.index_cast %get3A_917 : i32 to index
        %get3A_919 = arith.constant 48 : index
        %get3A_920 = tpu.vector_load %arg7[%get3A_918, %get3A_919] {strides = array<i32>} : memref<16x128xi32, #tpu.memory_space<vmem>>, vector<16xi32>,
        %get3A_921 = arith.constant 12 : i32
        %get3A_922 = arith.index_cast %get3A_921 : i32 to index
        %get3A_923 = arith.constant 48 : index
        %get3A_924 = tpu.vector_load %arg9[%get3A_922, %get3A_923] {strides = array<i32>} : memref<16x128xf32, #tpu.memory_space<vmem>>, vector<16xf32>,
        tpu.vector_store_idx %arg6[%get3A_920], %get3A_924 {add = true} : memref<100096xf32, #tpu.memory_space<vmem>>[vector<16xi32>], vector<16xf32>,
        %get3A_925 = arith.constant 12 : i32
        %get3A_926 = arith.index_cast %get3A_925 : i32 to index
        %get3A_927 = arith.constant 64 : index
        %get3A_928 = tpu.vector_load %arg7[%get3A_926, %get3A_927] {strides = array<i32>} : memref<16x128xi32, #tpu.memory_space<vmem>>, vector<16xi32>,
        %get3A_929 = arith.constant 12 : i32
        %get3A_930 = arith.index_cast %get3A_929 : i32 to index
        %get3A_931 = arith.constant 64 : index
        %get3A_932 = tpu.vector_load %arg9[%get3A_930, %get3A_931] {strides = array<i32>} : memref<16x128xf32, #tpu.memory_space<vmem>>, vector<16xf32>,
        tpu.vector_store_idx %arg6[%get3A_928], %get3A_932 {add = true} : memref<100096xf32, #tpu.memory_space<vmem>>[vector<16xi32>], vector<16xf32>,
        %get3A_933 = arith.constant 12 : i32
        %get3A_934 = arith.index_cast %get3A_933 : i32 to index
        %get3A_935 = arith.constant 80 : index
        %get3A_936 = tpu.vector_load %arg7[%get3A_934, %get3A_935] {strides = array<i32>} : memref<16x128xi32, #tpu.memory_space<vmem>>, vector<16xi32>,
        %get3A_937 = arith.constant 12 : i32
        %get3A_938 = arith.index_cast %get3A_937 : i32 to index
        %get3A_939 = arith.constant 80 : index
        %get3A_940 = tpu.vector_load %arg9[%get3A_938, %get3A_939] {strides = array<i32>} : memref<16x128xf32, #tpu.memory_space<vmem>>, vector<16xf32>,
        tpu.vector_store_idx %arg6[%get3A_936], %get3A_940 {add = true} : memref<100096xf32, #tpu.memory_space<vmem>>[vector<16xi32>], vector<16xf32>,
        %get3A_941 = arith.constant 12 : i32
        %get3A_942 = arith.index_cast %get3A_941 : i32 to index
        %get3A_943 = arith.constant 96 : index
        %get3A_944 = tpu.vector_load %arg7[%get3A_942, %get3A_943] {strides = array<i32>} : memref<16x128xi32, #tpu.memory_space<vmem>>, vector<16xi32>,
        %get3A_945 = arith.constant 12 : i32
        %get3A_946 = arith.index_cast %get3A_945 : i32 to index
        %get3A_947 = arith.constant 96 : index
        %get3A_948 = tpu.vector_load %arg9[%get3A_946, %get3A_947] {strides = array<i32>} : memref<16x128xf32, #tpu.memory_space<vmem>>, vector<16xf32>,
        tpu.vector_store_idx %arg6[%get3A_944], %get3A_948 {add = true} : memref<100096xf32, #tpu.memory_space<vmem>>[vector<16xi32>], vector<16xf32>,
        %get3A_949 = arith.constant 12 : i32
        %get3A_950 = arith.index_cast %get3A_949 : i32 to index
        %get3A_951 = arith.constant 112 : index
        %get3A_952 = tpu.vector_load %arg7[%get3A_950, %get3A_951] {strides = array<i32>} : memref<16x128xi32, #tpu.memory_space<vmem>>, vector<16xi32>,
        %get3A_953 = arith.constant 12 : i32
        %get3A_954 = arith.index_cast %get3A_953 : i32 to index
        %get3A_955 = arith.constant 112 : index
        %get3A_956 = tpu.vector_load %arg9[%get3A_954, %get3A_955] {strides = array<i32>} : memref<16x128xf32, #tpu.memory_space<vmem>>, vector<16xf32>,
        tpu.vector_store_idx %arg6[%get3A_952], %get3A_956 {add = true} : memref<100096xf32, #tpu.memory_space<vmem>>[vector<16xi32>], vector<16xf32>,
        %get3A_957 = arith.constant 13 : i32
        %get3A_958 = arith.index_cast %get3A_957 : i32 to index
        %get3A_959 = arith.constant 0 : index
        %get3A_960 = tpu.vector_load %arg7[%get3A_958, %get3A_959] {strides = array<i32>} : memref<16x128xi32, #tpu.memory_space<vmem>>, vector<16xi32>,
        %get3A_961 = arith.constant 13 : i32
        %get3A_962 = arith.index_cast %get3A_961 : i32 to index
        %get3A_963 = arith.constant 0 : index
        %get3A_964 = tpu.vector_load %arg9[%get3A_962, %get3A_963] {strides = array<i32>} : memref<16x128xf32, #tpu.memory_space<vmem>>, vector<16xf32>,
        tpu.vector_store_idx %arg6[%get3A_960], %get3A_964 {add = true} : memref<100096xf32, #tpu.memory_space<vmem>>[vector<16xi32>], vector<16xf32>,
        %get3A_965 = arith.constant 13 : i32
        %get3A_966 = arith.index_cast %get3A_965 : i32 to index
        %get3A_967 = arith.constant 16 : index
        %get3A_968 = tpu.vector_load %arg7[%get3A_966, %get3A_967] {strides = array<i32>} : memref<16x128xi32, #tpu.memory_space<vmem>>, vector<16xi32>,
        %get3A_969 = arith.constant 13 : i32
        %get3A_970 = arith.index_cast %get3A_969 : i32 to index
        %get3A_971 = arith.constant 16 : index
        %get3A_972 = tpu.vector_load %arg9[%get3A_970, %get3A_971] {strides = array<i32>} : memref<16x128xf32, #tpu.memory_space<vmem>>, vector<16xf32>,
        tpu.vector_store_idx %arg6[%get3A_968], %get3A_972 {add = true} : memref<100096xf32, #tpu.memory_space<vmem>>[vector<16xi32>], vector<16xf32>,
        %get3A_973 = arith.constant 13 : i32
        %get3A_974 = arith.index_cast %get3A_973 : i32 to index
        %get3A_975 = arith.constant 32 : index
        %get3A_976 = tpu.vector_load %arg7[%get3A_974, %get3A_975] {strides = array<i32>} : memref<16x128xi32, #tpu.memory_space<vmem>>, vector<16xi32>,
        %get3A_977 = arith.constant 13 : i32
        %get3A_978 = arith.index_cast %get3A_977 : i32 to index
        %get3A_979 = arith.constant 32 : index
        %get3A_980 = tpu.vector_load %arg9[%get3A_978, %get3A_979] {strides = array<i32>} : memref<16x128xf32, #tpu.memory_space<vmem>>, vector<16xf32>,
        tpu.vector_store_idx %arg6[%get3A_976], %get3A_980 {add = true} : memref<100096xf32, #tpu.memory_space<vmem>>[vector<16xi32>], vector<16xf32>,
        %get3A_981 = arith.constant 13 : i32
        %get3A_982 = arith.index_cast %get3A_981 : i32 to index
        %get3A_983 = arith.constant 48 : index
        %get3A_984 = tpu.vector_load %arg7[%get3A_982, %get3A_983] {strides = array<i32>} : memref<16x128xi32, #tpu.memory_space<vmem>>, vector<16xi32>,
        %get3A_985 = arith.constant 13 : i32
        %get3A_986 = arith.index_cast %get3A_985 : i32 to index
        %get3A_987 = arith.constant 48 : index
        %get3A_988 = tpu.vector_load %arg9[%get3A_986, %get3A_987] {strides = array<i32>} : memref<16x128xf32, #tpu.memory_space<vmem>>, vector<16xf32>,
        tpu.vector_store_idx %arg6[%get3A_984], %get3A_988 {add = true} : memref<100096xf32, #tpu.memory_space<vmem>>[vector<16xi32>], vector<16xf32>,
        %get3A_989 = arith.constant 13 : i32
        %get3A_990 = arith.index_cast %get3A_989 : i32 to index
        %get3A_991 = arith.constant 64 : index
        %get3A_992 = tpu.vector_load %arg7[%get3A_990, %get3A_991] {strides = array<i32>} : memref<16x128xi32, #tpu.memory_space<vmem>>, vector<16xi32>,
        %get3A_993 = arith.constant 13 : i32
        %get3A_994 = arith.index_cast %get3A_993 : i32 to index
        %get3A_995 = arith.constant 64 : index
        %get3A_996 = tpu.vector_load %arg9[%get3A_994, %get3A_995] {strides = array<i32>} : memref<16x128xf32, #tpu.memory_space<vmem>>, vector<16xf32>,
        tpu.vector_store_idx %arg6[%get3A_992], %get3A_996 {add = true} : memref<100096xf32, #tpu.memory_space<vmem>>[vector<16xi32>], vector<16xf32>,
        %get3A_997 = arith.constant 13 : i32
        %get3A_998 = arith.index_cast %get3A_997 : i32 to index
        %get3A_999 = arith.constant 80 : index
        %get3A_1000 = tpu.vector_load %arg7[%get3A_998, %get3A_999] {strides = array<i32>} : memref<16x128xi32, #tpu.memory_space<vmem>>, vector<16xi32>,
        %get3A_1001 = arith.constant 13 : i32
        %get3A_1002 = arith.index_cast %get3A_1001 : i32 to index
        %get3A_1003 = arith.constant 80 : index
        %get3A_1004 = tpu.vector_load %arg9[%get3A_1002, %get3A_1003] {strides = array<i32>} : memref<16x128xf32, #tpu.memory_space<vmem>>, vector<16xf32>,
        tpu.vector_store_idx %arg6[%get3A_1000], %get3A_1004 {add = true} : memref<100096xf32, #tpu.memory_space<vmem>>[vector<16xi32>], vector<16xf32>,
        %get3A_1005 = arith.constant 13 : i32
        %get3A_1006 = arith.index_cast %get3A_1005 : i32 to index
        %get3A_1007 = arith.constant 96 : index
        %get3A_1008 = tpu.vector_load %arg7[%get3A_1006, %get3A_1007] {strides = array<i32>} : memref<16x128xi32, #tpu.memory_space<vmem>>, vector<16xi32>,
        %get3A_1009 = arith.constant 13 : i32
        %get3A_1010 = arith.index_cast %get3A_1009 : i32 to index
        %get3A_1011 = arith.constant 96 : index
        %get3A_1012 = tpu.vector_load %arg9[%get3A_1010, %get3A_1011] {strides = array<i32>} : memref<16x128xf32, #tpu.memory_space<vmem>>, vector<16xf32>,
        tpu.vector_store_idx %arg6[%get3A_1008], %get3A_1012 {add = true} : memref<100096xf32, #tpu.memory_space<vmem>>[vector<16xi32>], vector<16xf32>,
        %get3A_1013 = arith.constant 13 : i32
        %get3A_1014 = arith.index_cast %get3A_1013 : i32 to index
        %get3A_1015 = arith.constant 112 : index
        %get3A_1016 = tpu.vector_load %arg7[%get3A_1014, %get3A_1015] {strides = array<i32>} : memref<16x128xi32, #tpu.memory_space<vmem>>, vector<16xi32>,
        %get3A_1017 = arith.constant 13 : i32
        %get3A_1018 = arith.index_cast %get3A_1017 : i32 to index
        %get3A_1019 = arith.constant 112 : index
        %get3A_1020 = tpu.vector_load %arg9[%get3A_1018, %get3A_1019] {strides = array<i32>} : memref<16x128xf32, #tpu.memory_space<vmem>>, vector<16xf32>,
        tpu.vector_store_idx %arg6[%get3A_1016], %get3A_1020 {add = true} : memref<100096xf32, #tpu.memory_space<vmem>>[vector<16xi32>], vector<16xf32>,
        %get3A_1021 = arith.constant 14 : i32
        %get3A_1022 = arith.index_cast %get3A_1021 : i32 to index
        %get3A_1023 = arith.constant 0 : index
        %get3A_1024 = tpu.vector_load %arg7[%get3A_1022, %get3A_1023] {strides = array<i32>} : memref<16x128xi32, #tpu.memory_space<vmem>>, vector<16xi32>,
        %get3A_1025 = arith.constant 14 : i32
        %get3A_1026 = arith.index_cast %get3A_1025 : i32 to index
        %get3A_1027 = arith.constant 0 : index
        %get3A_1028 = tpu.vector_load %arg9[%get3A_1026, %get3A_1027] {strides = array<i32>} : memref<16x128xf32, #tpu.memory_space<vmem>>, vector<16xf32>,
        tpu.vector_store_idx %arg6[%get3A_1024], %get3A_1028 {add = true} : memref<100096xf32, #tpu.memory_space<vmem>>[vector<16xi32>], vector<16xf32>,
        %get3A_1029 = arith.constant 14 : i32
        %get3A_1030 = arith.index_cast %get3A_1029 : i32 to index
        %get3A_1031 = arith.constant 16 : index
        %get3A_1032 = tpu.vector_load %arg7[%get3A_1030, %get3A_1031] {strides = array<i32>} : memref<16x128xi32, #tpu.memory_space<vmem>>, vector<16xi32>,
        %get3A_1033 = arith.constant 14 : i32
        %get3A_1034 = arith.index_cast %get3A_1033 : i32 to index
        %get3A_1035 = arith.constant 16 : index
        %get3A_1036 = tpu.vector_load %arg9[%get3A_1034, %get3A_1035] {strides = array<i32>} : memref<16x128xf32, #tpu.memory_space<vmem>>, vector<16xf32>,
        tpu.vector_store_idx %arg6[%get3A_1032], %get3A_1036 {add = true} : memref<100096xf32, #tpu.memory_space<vmem>>[vector<16xi32>], vector<16xf32>,
        %get3A_1037 = arith.constant 14 : i32
        %get3A_1038 = arith.index_cast %get3A_1037 : i32 to index
        %get3A_1039 = arith.constant 32 : index
        %get3A_1040 = tpu.vector_load %arg7[%get3A_1038, %get3A_1039] {strides = array<i32>} : memref<16x128xi32, #tpu.memory_space<vmem>>, vector<16xi32>,
        %get3A_1041 = arith.constant 14 : i32
        %get3A_1042 = arith.index_cast %get3A_1041 : i32 to index
        %get3A_1043 = arith.constant 32 : index
        %get3A_1044 = tpu.vector_load %arg9[%get3A_1042, %get3A_1043] {strides = array<i32>} : memref<16x128xf32, #tpu.memory_space<vmem>>, vector<16xf32>,
        tpu.vector_store_idx %arg6[%get3A_1040], %get3A_1044 {add = true} : memref<100096xf32, #tpu.memory_space<vmem>>[vector<16xi32>], vector<16xf32>,
        %get3A_1045 = arith.constant 14 : i32
        %get3A_1046 = arith.index_cast %get3A_1045 : i32 to index
        %get3A_1047 = arith.constant 48 : index
        %get3A_1048 = tpu.vector_load %arg7[%get3A_1046, %get3A_1047] {strides = array<i32>} : memref<16x128xi32, #tpu.memory_space<vmem>>, vector<16xi32>,
        %get3A_1049 = arith.constant 14 : i32
        %get3A_1050 = arith.index_cast %get3A_1049 : i32 to index
        %get3A_1051 = arith.constant 48 : index
        %get3A_1052 = tpu.vector_load %arg9[%get3A_1050, %get3A_1051] {strides = array<i32>} : memref<16x128xf32, #tpu.memory_space<vmem>>, vector<16xf32>,
        tpu.vector_store_idx %arg6[%get3A_1048], %get3A_1052 {add = true} : memref<100096xf32, #tpu.memory_space<vmem>>[vector<16xi32>], vector<16xf32>,
        %get3A_1053 = arith.constant 14 : i32
        %get3A_1054 = arith.index_cast %get3A_1053 : i32 to index
        %get3A_1055 = arith.constant 64 : index
        %get3A_1056 = tpu.vector_load %arg7[%get3A_1054, %get3A_1055] {strides = array<i32>} : memref<16x128xi32, #tpu.memory_space<vmem>>, vector<16xi32>,
        %get3A_1057 = arith.constant 14 : i32
        %get3A_1058 = arith.index_cast %get3A_1057 : i32 to index
        %get3A_1059 = arith.constant 64 : index
        %get3A_1060 = tpu.vector_load %arg9[%get3A_1058, %get3A_1059] {strides = array<i32>} : memref<16x128xf32, #tpu.memory_space<vmem>>, vector<16xf32>,
        tpu.vector_store_idx %arg6[%get3A_1056], %get3A_1060 {add = true} : memref<100096xf32, #tpu.memory_space<vmem>>[vector<16xi32>], vector<16xf32>,
        %get3A_1061 = arith.constant 14 : i32
        %get3A_1062 = arith.index_cast %get3A_1061 : i32 to index
        %get3A_1063 = arith.constant 80 : index
        %get3A_1064 = tpu.vector_load %arg7[%get3A_1062, %get3A_1063] {strides = array<i32>} : memref<16x128xi32, #tpu.memory_space<vmem>>, vector<16xi32>,
        %get3A_1065 = arith.constant 14 : i32
        %get3A_1066 = arith.index_cast %get3A_1065 : i32 to index
        %get3A_1067 = arith.constant 80 : index
        %get3A_1068 = tpu.vector_load %arg9[%get3A_1066, %get3A_1067] {strides = array<i32>} : memref<16x128xf32, #tpu.memory_space<vmem>>, vector<16xf32>,
        tpu.vector_store_idx %arg6[%get3A_1064], %get3A_1068 {add = true} : memref<100096xf32, #tpu.memory_space<vmem>>[vector<16xi32>], vector<16xf32>,
        %get3A_1069 = arith.constant 14 : i32
        %get3A_1070 = arith.index_cast %get3A_1069 : i32 to index
        %get3A_1071 = arith.constant 96 : index
        %get3A_1072 = tpu.vector_load %arg7[%get3A_1070, %get3A_1071] {strides = array<i32>} : memref<16x128xi32, #tpu.memory_space<vmem>>, vector<16xi32>,
        %get3A_1073 = arith.constant 14 : i32
        %get3A_1074 = arith.index_cast %get3A_1073 : i32 to index
        %get3A_1075 = arith.constant 96 : index
        %get3A_1076 = tpu.vector_load %arg9[%get3A_1074, %get3A_1075] {strides = array<i32>} : memref<16x128xf32, #tpu.memory_space<vmem>>, vector<16xf32>,
        tpu.vector_store_idx %arg6[%get3A_1072], %get3A_1076 {add = true} : memref<100096xf32, #tpu.memory_space<vmem>>[vector<16xi32>], vector<16xf32>,
        %get3A_1077 = arith.constant 14 : i32
        %get3A_1078 = arith.index_cast %get3A_1077 : i32 to index
        %get3A_1079 = arith.constant 112 : index
        %get3A_1080 = tpu.vector_load %arg7[%get3A_1078, %get3A_1079] {strides = array<i32>} : memref<16x128xi32, #tpu.memory_space<vmem>>, vector<16xi32>,
        %get3A_1081 = arith.constant 14 : i32
        %get3A_1082 = arith.index_cast %get3A_1081 : i32 to index
        %get3A_1083 = arith.constant 112 : index
        %get3A_1084 = tpu.vector_load %arg9[%get3A_1082, %get3A_1083] {strides = array<i32>} : memref<16x128xf32, #tpu.memory_space<vmem>>, vector<16xf32>,
        tpu.vector_store_idx %arg6[%get3A_1080], %get3A_1084 {add = true} : memref<100096xf32, #tpu.memory_space<vmem>>[vector<16xi32>], vector<16xf32>,
        %get3A_1085 = arith.constant 15 : i32
        %get3A_1086 = arith.index_cast %get3A_1085 : i32 to index
        %get3A_1087 = arith.constant 0 : index
        %get3A_1088 = tpu.vector_load %arg7[%get3A_1086, %get3A_1087] {strides = array<i32>} : memref<16x128xi32, #tpu.memory_space<vmem>>, vector<16xi32>,
        %get3A_1089 = arith.constant 15 : i32
        %get3A_1090 = arith.index_cast %get3A_1089 : i32 to index
        %get3A_1091 = arith.constant 0 : index
        %get3A_1092 = tpu.vector_load %arg9[%get3A_1090, %get3A_1091] {strides = array<i32>} : memref<16x128xf32, #tpu.memory_space<vmem>>, vector<16xf32>,
        tpu.vector_store_idx %arg6[%get3A_1088], %get3A_1092 {add = true} : memref<100096xf32, #tpu.memory_space<vmem>>[vector<16xi32>], vector<16xf32>,
        %get3A_1093 = arith.constant 15 : i32
        %get3A_1094 = arith.index_cast %get3A_1093 : i32 to index
        %get3A_1095 = arith.constant 16 : index
        %get3A_1096 = tpu.vector_load %arg7[%get3A_1094, %get3A_1095] {strides = array<i32>} : memref<16x128xi32, #tpu.memory_space<vmem>>, vector<16xi32>,
        %get3A_1097 = arith.constant 15 : i32
        %get3A_1098 = arith.index_cast %get3A_1097 : i32 to index
        %get3A_1099 = arith.constant 16 : index
        %get3A_1100 = tpu.vector_load %arg9[%get3A_1098, %get3A_1099] {strides = array<i32>} : memref<16x128xf32, #tpu.memory_space<vmem>>, vector<16xf32>,
        tpu.vector_store_idx %arg6[%get3A_1096], %get3A_1100 {add = true} : memref<100096xf32, #tpu.memory_space<vmem>>[vector<16xi32>], vector<16xf32>,
        %get3A_1101 = arith.constant 15 : i32
        %get3A_1102 = arith.index_cast %get3A_1101 : i32 to index
        %get3A_1103 = arith.constant 32 : index
        %get3A_1104 = tpu.vector_load %arg7[%get3A_1102, %get3A_1103] {strides = array<i32>} : memref<16x128xi32, #tpu.memory_space<vmem>>, vector<16xi32>,
        %get3A_1105 = arith.constant 15 : i32
        %get3A_1106 = arith.index_cast %get3A_1105 : i32 to index
        %get3A_1107 = arith.constant 32 : index
        %get3A_1108 = tpu.vector_load %arg9[%get3A_1106, %get3A_1107] {strides = array<i32>} : memref<16x128xf32, #tpu.memory_space<vmem>>, vector<16xf32>,
        tpu.vector_store_idx %arg6[%get3A_1104], %get3A_1108 {add = true} : memref<100096xf32, #tpu.memory_space<vmem>>[vector<16xi32>], vector<16xf32>,
        %get3A_1109 = arith.constant 15 : i32
        %get3A_1110 = arith.index_cast %get3A_1109 : i32 to index
        %get3A_1111 = arith.constant 48 : index
        %get3A_1112 = tpu.vector_load %arg7[%get3A_1110, %get3A_1111] {strides = array<i32>} : memref<16x128xi32, #tpu.memory_space<vmem>>, vector<16xi32>,
        %get3A_1113 = arith.constant 15 : i32
        %get3A_1114 = arith.index_cast %get3A_1113 : i32 to index
        %get3A_1115 = arith.constant 48 : index
        %get3A_1116 = tpu.vector_load %arg9[%get3A_1114, %get3A_1115] {strides = array<i32>} : memref<16x128xf32, #tpu.memory_space<vmem>>, vector<16xf32>,
        tpu.vector_store_idx %arg6[%get3A_1112], %get3A_1116 {add = true} : memref<100096xf32, #tpu.memory_space<vmem>>[vector<16xi32>], vector<16xf32>,
        %get3A_1117 = arith.constant 15 : i32
        %get3A_1118 = arith.index_cast %get3A_1117 : i32 to index
        %get3A_1119 = arith.constant 64 : index
        %get3A_1120 = tpu.vector_load %arg7[%get3A_1118, %get3A_1119] {strides = array<i32>} : memref<16x128xi32, #tpu.memory_space<vmem>>, vector<16xi32>,
        %get3A_1121 = arith.constant 15 : i32
        %get3A_1122 = arith.index_cast %get3A_1121 : i32 to index
        %get3A_1123 = arith.constant 64 : index
        %get3A_1124 = tpu.vector_load %arg9[%get3A_1122, %get3A_1123] {strides = array<i32>} : memref<16x128xf32, #tpu.memory_space<vmem>>, vector<16xf32>,
        tpu.vector_store_idx %arg6[%get3A_1120], %get3A_1124 {add = true} : memref<100096xf32, #tpu.memory_space<vmem>>[vector<16xi32>], vector<16xf32>,
        %get3A_1125 = arith.constant 15 : i32
        %get3A_1126 = arith.index_cast %get3A_1125 : i32 to index
        %get3A_1127 = arith.constant 80 : index
        %get3A_1128 = tpu.vector_load %arg7[%get3A_1126, %get3A_1127] {strides = array<i32>} : memref<16x128xi32, #tpu.memory_space<vmem>>, vector<16xi32>,
        %get3A_1129 = arith.constant 15 : i32
        %get3A_1130 = arith.index_cast %get3A_1129 : i32 to index
        %get3A_1131 = arith.constant 80 : index
        %get3A_1132 = tpu.vector_load %arg9[%get3A_1130, %get3A_1131] {strides = array<i32>} : memref<16x128xf32, #tpu.memory_space<vmem>>, vector<16xf32>,
        tpu.vector_store_idx %arg6[%get3A_1128], %get3A_1132 {add = true} : memref<100096xf32, #tpu.memory_space<vmem>>[vector<16xi32>], vector<16xf32>,
        %get3A_1133 = arith.constant 15 : i32
        %get3A_1134 = arith.index_cast %get3A_1133 : i32 to index
        %get3A_1135 = arith.constant 96 : index
        %get3A_1136 = tpu.vector_load %arg7[%get3A_1134, %get3A_1135] {strides = array<i32>} : memref<16x128xi32, #tpu.memory_space<vmem>>, vector<16xi32>,
        %get3A_1137 = arith.constant 15 : i32
        %get3A_1138 = arith.index_cast %get3A_1137 : i32 to index
        %get3A_1139 = arith.constant 96 : index
        %get3A_1140 = tpu.vector_load %arg9[%get3A_1138, %get3A_1139] {strides = array<i32>} : memref<16x128xf32, #tpu.memory_space<vmem>>, vector<16xf32>,
        tpu.vector_store_idx %arg6[%get3A_1136], %get3A_1140 {add = true} : memref<100096xf32, #tpu.memory_space<vmem>>[vector<16xi32>], vector<16xf32>,
        %get3A_1141 = arith.constant 15 : i32
        %get3A_1142 = arith.index_cast %get3A_1141 : i32 to index
        %get3A_1143 = arith.constant 112 : index
        %get3A_1144 = tpu.vector_load %arg7[%get3A_1142, %get3A_1143] {strides = array<i32>} : memref<16x128xi32, #tpu.memory_space<vmem>>, vector<16xi32>,
        %get3A_1145 = arith.constant 15 : i32
        %get3A_1146 = arith.index_cast %get3A_1145 : i32 to index
        %get3A_1147 = arith.constant 112 : index
        %get3A_1148 = tpu.vector_load %arg9[%get3A_1146, %get3A_1147] {strides = array<i32>} : memref<16x128xf32, #tpu.memory_space<vmem>>, vector<16xf32>,
        tpu.vector_store_idx %arg6[%get3A_1144], %get3A_1148 {add = true} : memref<100096xf32, #tpu.memory_space<vmem>>[vector<16xi32>], vector<16xf32>,
      } else {
      }
      %add3A_74 = arith.constant 2 : i32
      %add3A_75 = arith.addi %add3A_64, %add3A_74 : i32
      %mul3A_76 = arith.constant 10 : i32
      %mul3A_77 = arith.muli %mul3A_76, %add3A_75 : i32
      %add3A_78 = arith.addi %add3A_30, %mul3A_77 : i32
      %lt3A_79 = arith.constant 3125 : i32
      %lt3A_80 = arith.cmpi slt, %add3A_78, %lt3A_79 : i32
      %and3A_81 = arith.andi %lt3A_32, %lt3A_80 : i1
      %convert_element_type3A_82 = arith.extui %and3A_81 : i1 to i32
      %cond3A_83 = arith.constant 0 : i32
      %cond3A_84 = arith.cmpi ne, %convert_element_type3A_82, %cond3A_83 : i32
      scf.if %cond3A_84 {
        %mul3A_110 = arith.constant 16 : i32
        %mul3A_111 = arith.muli %add3A_78, %mul3A_110 : i32
        %dma_start3A = arith.constant 0 : i32
        %dma_start3A_112 = arith.constant 0 : i32
        %dma_start3A_113 = tpu.memref_slice %arg2[%mul3A_111, %dma_start3A, %dma_start3A_112] : memref<50000x2x128xi32, #tpu.memory_space<hbm>> -> memref<16x1x128xi32, #tpu.memory_space<hbm>>
        %dma_start3A_114 = tpu.memref_squeeze %dma_start3A_113 : memref<16x1x128xi32, #tpu.memory_space<hbm>> -> memref<16x128xi32, #tpu.memory_space<hbm>>
        %dma_start3A_115 = arith.constant 0 : i32
        %dma_start3A_116 = tpu.memref_slice %arg2[%mul3A_111, %dma_start3A, %dma_start3A_115] : memref<50000x2x128xi32, #tpu.memory_space<hbm>> -> memref<16x1x128xi32, #tpu.memory_space<hbm>>
        %dma_start3A_117 = tpu.memref_squeeze %dma_start3A_116 : memref<16x1x128xi32, #tpu.memory_space<hbm>> -> memref<16x128xi32, #tpu.memory_space<hbm>>
        tpu.enqueue_dma source(%dma_start3A_117 : memref<16x128xi32, #tpu.memory_space<hbm>>) target(%arg7 : memref<16x128xi32, #tpu.memory_space<vmem>>) target_semaphore(%arg11 : memref<!tpu.dma_semaphore, #tpu.memory_space<semaphore_mem>>)
        %mul3A_118 = arith.constant 16 : i32
        %mul3A_119 = arith.muli %add3A_78, %mul3A_118 : i32
        %dma_start3A_120 = arith.constant 0 : i32
        %dma_start3A_121 = tpu.memref_slice %arg3[%mul3A_119, %select_n3A_28, %dma_start3A_120] : memref<50000x4x128xf32, #tpu.memory_space<hbm>> -> memref<16x1x128xf32, #tpu.memory_space<hbm>>
        %dma_start3A_122 = tpu.memref_squeeze %dma_start3A_121 : memref<16x1x128xf32, #tpu.memory_space<hbm>> -> memref<16x128xf32, #tpu.memory_space<hbm>>
        %dma_start3A_123 = arith.constant 0 : i32
        %dma_start3A_124 = tpu.memref_slice %arg3[%mul3A_119, %select_n3A_28, %dma_start3A_123] : memref<50000x4x128xf32, #tpu.memory_space<hbm>> -> memref<16x1x128xf32, #tpu.memory_space<hbm>>
        %dma_start3A_125 = tpu.memref_squeeze %dma_start3A_124 : memref<16x1x128xf32, #tpu.memory_space<hbm>> -> memref<16x128xf32, #tpu.memory_space<hbm>>
        tpu.enqueue_dma source(%dma_start3A_125 : memref<16x128xf32, #tpu.memory_space<hbm>>) target(%arg9 : memref<16x128xf32, #tpu.memory_space<vmem>>) target_semaphore(%arg13 : memref<!tpu.dma_semaphore, #tpu.memory_space<semaphore_mem>>)
      } else {
      }
      %mul3A_85 = arith.constant 2 : i32
      %mul3A_86 = arith.muli %mul3A_85, %scan3A_59 : i32
      %add3A_87 = arith.constant 1 : i32
      %add3A_88 = arith.addi %mul3A_86, %add3A_87 : i32
      %mul3A_89 = arith.constant 10 : i32
      %mul3A_90 = arith.muli %mul3A_89, %add3A_88 : i32
      %add3A_91 = arith.addi %add3A_30, %mul3A_90 : i32
      %lt3A_92 = arith.constant 3125 : i32
      %lt3A_93 = arith.cmpi slt, %add3A_91, %lt3A_92 : i32
      %and3A_94 = arith.andi %lt3A_32, %lt3A_93 : i1
      %convert_element_type3A_95 = arith.extui %and3A_94 : i1 to i32
      %cond3A_96 = arith.constant 0 : i32
      %cond3A_97 = arith.cmpi ne, %convert_element_type3A_95, %cond3A_96 : i32
      scf.if %cond3A_97 {
        %mul3A_110 = arith.constant 16 : i32
        %mul3A_111 = arith.muli %add3A_91, %mul3A_110 : i32
        %dma_wait3A = arith.constant 0 : i32
        %dma_wait3A_112 = arith.constant 0 : i32
        %dma_wait3A_113 = tpu.memref_slice %arg2[%mul3A_111, %dma_wait3A, %dma_wait3A_112] : memref<50000x2x128xi32, #tpu.memory_space<hbm>> -> memref<16x1x128xi32, #tpu.memory_space<hbm>>
        %dma_wait3A_114 = tpu.memref_squeeze %dma_wait3A_113 : memref<16x1x128xi32, #tpu.memory_space<hbm>> -> memref<16x128xi32, #tpu.memory_space<hbm>>
        %dma_wait3A_115 = arith.constant 0 : i32
        %dma_wait3A_116 = tpu.memref_slice %arg2[%mul3A_111, %dma_wait3A, %dma_wait3A_115] : memref<50000x2x128xi32, #tpu.memory_space<hbm>> -> memref<16x1x128xi32, #tpu.memory_space<hbm>>
        %dma_wait3A_117 = tpu.memref_squeeze %dma_wait3A_116 : memref<16x1x128xi32, #tpu.memory_space<hbm>> -> memref<16x128xi32, #tpu.memory_space<hbm>>
        tpu.wait_dma2 semaphore(%arg12 : memref<!tpu.dma_semaphore, #tpu.memory_space<semaphore_mem>>) src(%dma_wait3A_117 : memref<16x128xi32, #tpu.memory_space<hbm>>) dst(%arg8 : memref<16x128xi32, #tpu.memory_space<vmem>>)
        %mul3A_118 = arith.constant 16 : i32
        %mul3A_119 = arith.muli %add3A_91, %mul3A_118 : i32
        %dma_wait3A_120 = arith.constant 0 : i32
        %dma_wait3A_121 = tpu.memref_slice %arg3[%mul3A_119, %select_n3A_28, %dma_wait3A_120] : memref<50000x4x128xf32, #tpu.memory_space<hbm>> -> memref<16x1x128xf32, #tpu.memory_space<hbm>>
        %dma_wait3A_122 = tpu.memref_squeeze %dma_wait3A_121 : memref<16x1x128xf32, #tpu.memory_space<hbm>> -> memref<16x128xf32, #tpu.memory_space<hbm>>
        %dma_wait3A_123 = arith.constant 0 : i32
        %dma_wait3A_124 = tpu.memref_slice %arg3[%mul3A_119, %select_n3A_28, %dma_wait3A_123] : memref<50000x4x128xf32, #tpu.memory_space<hbm>> -> memref<16x1x128xf32, #tpu.memory_space<hbm>>
        %dma_wait3A_125 = tpu.memref_squeeze %dma_wait3A_124 : memref<16x1x128xf32, #tpu.memory_space<hbm>> -> memref<16x128xf32, #tpu.memory_space<hbm>>
        tpu.wait_dma2 semaphore(%arg14 : memref<!tpu.dma_semaphore, #tpu.memory_space<semaphore_mem>>) src(%dma_wait3A_125 : memref<16x128xf32, #tpu.memory_space<hbm>>) dst(%arg10 : memref<16x128xf32, #tpu.memory_space<vmem>>)
        %get3A = arith.constant 0 : i32
        %get3A_126 = arith.index_cast %get3A : i32 to index
        %get3A_127 = arith.constant 0 : index
        %get3A_128 = tpu.vector_load %arg8[%get3A_126, %get3A_127] {strides = array<i32>} : memref<16x128xi32, #tpu.memory_space<vmem>>, vector<16xi32>,
        %get3A_129 = arith.constant 0 : i32
        %get3A_130 = arith.index_cast %get3A_129 : i32 to index
        %get3A_131 = arith.constant 0 : index
        %get3A_132 = tpu.vector_load %arg10[%get3A_130, %get3A_131] {strides = array<i32>} : memref<16x128xf32, #tpu.memory_space<vmem>>, vector<16xf32>,
        tpu.vector_store_idx %arg6[%get3A_128], %get3A_132 {add = true} : memref<100096xf32, #tpu.memory_space<vmem>>[vector<16xi32>], vector<16xf32>,
        %get3A_133 = arith.constant 0 : i32
        %get3A_134 = arith.index_cast %get3A_133 : i32 to index
        %get3A_135 = arith.constant 16 : index
        %get3A_136 = tpu.vector_load %arg8[%get3A_134, %get3A_135] {strides = array<i32>} : memref<16x128xi32, #tpu.memory_space<vmem>>, vector<16xi32>,
        %get3A_137 = arith.constant 0 : i32
        %get3A_138 = arith.index_cast %get3A_137 : i32 to index
        %get3A_139 = arith.constant 16 : index
        %get3A_140 = tpu.vector_load %arg10[%get3A_138, %get3A_139] {strides = array<i32>} : memref<16x128xf32, #tpu.memory_space<vmem>>, vector<16xf32>,
        tpu.vector_store_idx %arg6[%get3A_136], %get3A_140 {add = true} : memref<100096xf32, #tpu.memory_space<vmem>>[vector<16xi32>], vector<16xf32>,
        %get3A_141 = arith.constant 0 : i32
        %get3A_142 = arith.index_cast %get3A_141 : i32 to index
        %get3A_143 = arith.constant 32 : index
        %get3A_144 = tpu.vector_load %arg8[%get3A_142, %get3A_143] {strides = array<i32>} : memref<16x128xi32, #tpu.memory_space<vmem>>, vector<16xi32>,
        %get3A_145 = arith.constant 0 : i32
        %get3A_146 = arith.index_cast %get3A_145 : i32 to index
        %get3A_147 = arith.constant 32 : index
        %get3A_148 = tpu.vector_load %arg10[%get3A_146, %get3A_147] {strides = array<i32>} : memref<16x128xf32, #tpu.memory_space<vmem>>, vector<16xf32>,
        tpu.vector_store_idx %arg6[%get3A_144], %get3A_148 {add = true} : memref<100096xf32, #tpu.memory_space<vmem>>[vector<16xi32>], vector<16xf32>,
        %get3A_149 = arith.constant 0 : i32
        %get3A_150 = arith.index_cast %get3A_149 : i32 to index
        %get3A_151 = arith.constant 48 : index
        %get3A_152 = tpu.vector_load %arg8[%get3A_150, %get3A_151] {strides = array<i32>} : memref<16x128xi32, #tpu.memory_space<vmem>>, vector<16xi32>,
        %get3A_153 = arith.constant 0 : i32
        %get3A_154 = arith.index_cast %get3A_153 : i32 to index
        %get3A_155 = arith.constant 48 : index
        %get3A_156 = tpu.vector_load %arg10[%get3A_154, %get3A_155] {strides = array<i32>} : memref<16x128xf32, #tpu.memory_space<vmem>>, vector<16xf32>,
        tpu.vector_store_idx %arg6[%get3A_152], %get3A_156 {add = true} : memref<100096xf32, #tpu.memory_space<vmem>>[vector<16xi32>], vector<16xf32>,
        %get3A_157 = arith.constant 0 : i32
        %get3A_158 = arith.index_cast %get3A_157 : i32 to index
        %get3A_159 = arith.constant 64 : index
        %get3A_160 = tpu.vector_load %arg8[%get3A_158, %get3A_159] {strides = array<i32>} : memref<16x128xi32, #tpu.memory_space<vmem>>, vector<16xi32>,
        %get3A_161 = arith.constant 0 : i32
        %get3A_162 = arith.index_cast %get3A_161 : i32 to index
        %get3A_163 = arith.constant 64 : index
        %get3A_164 = tpu.vector_load %arg10[%get3A_162, %get3A_163] {strides = array<i32>} : memref<16x128xf32, #tpu.memory_space<vmem>>, vector<16xf32>,
        tpu.vector_store_idx %arg6[%get3A_160], %get3A_164 {add = true} : memref<100096xf32, #tpu.memory_space<vmem>>[vector<16xi32>], vector<16xf32>,
        %get3A_165 = arith.constant 0 : i32
        %get3A_166 = arith.index_cast %get3A_165 : i32 to index
        %get3A_167 = arith.constant 80 : index
        %get3A_168 = tpu.vector_load %arg8[%get3A_166, %get3A_167] {strides = array<i32>} : memref<16x128xi32, #tpu.memory_space<vmem>>, vector<16xi32>,
        %get3A_169 = arith.constant 0 : i32
        %get3A_170 = arith.index_cast %get3A_169 : i32 to index
        %get3A_171 = arith.constant 80 : index
        %get3A_172 = tpu.vector_load %arg10[%get3A_170, %get3A_171] {strides = array<i32>} : memref<16x128xf32, #tpu.memory_space<vmem>>, vector<16xf32>,
        tpu.vector_store_idx %arg6[%get3A_168], %get3A_172 {add = true} : memref<100096xf32, #tpu.memory_space<vmem>>[vector<16xi32>], vector<16xf32>,
        %get3A_173 = arith.constant 0 : i32
        %get3A_174 = arith.index_cast %get3A_173 : i32 to index
        %get3A_175 = arith.constant 96 : index
        %get3A_176 = tpu.vector_load %arg8[%get3A_174, %get3A_175] {strides = array<i32>} : memref<16x128xi32, #tpu.memory_space<vmem>>, vector<16xi32>,
        %get3A_177 = arith.constant 0 : i32
        %get3A_178 = arith.index_cast %get3A_177 : i32 to index
        %get3A_179 = arith.constant 96 : index
        %get3A_180 = tpu.vector_load %arg10[%get3A_178, %get3A_179] {strides = array<i32>} : memref<16x128xf32, #tpu.memory_space<vmem>>, vector<16xf32>,
        tpu.vector_store_idx %arg6[%get3A_176], %get3A_180 {add = true} : memref<100096xf32, #tpu.memory_space<vmem>>[vector<16xi32>], vector<16xf32>,
        %get3A_181 = arith.constant 0 : i32
        %get3A_182 = arith.index_cast %get3A_181 : i32 to index
        %get3A_183 = arith.constant 112 : index
        %get3A_184 = tpu.vector_load %arg8[%get3A_182, %get3A_183] {strides = array<i32>} : memref<16x128xi32, #tpu.memory_space<vmem>>, vector<16xi32>,
        %get3A_185 = arith.constant 0 : i32
        %get3A_186 = arith.index_cast %get3A_185 : i32 to index
        %get3A_187 = arith.constant 112 : index
        %get3A_188 = tpu.vector_load %arg10[%get3A_186, %get3A_187] {strides = array<i32>} : memref<16x128xf32, #tpu.memory_space<vmem>>, vector<16xf32>,
        tpu.vector_store_idx %arg6[%get3A_184], %get3A_188 {add = true} : memref<100096xf32, #tpu.memory_space<vmem>>[vector<16xi32>], vector<16xf32>,
        %get3A_189 = arith.constant 1 : i32
        %get3A_190 = arith.index_cast %get3A_189 : i32 to index
        %get3A_191 = arith.constant 0 : index
        %get3A_192 = tpu.vector_load %arg8[%get3A_190, %get3A_191] {strides = array<i32>} : memref<16x128xi32, #tpu.memory_space<vmem>>, vector<16xi32>,
        %get3A_193 = arith.constant 1 : i32
        %get3A_194 = arith.index_cast %get3A_193 : i32 to index
        %get3A_195 = arith.constant 0 : index
        %get3A_196 = tpu.vector_load %arg10[%get3A_194, %get3A_195] {strides = array<i32>} : memref<16x128xf32, #tpu.memory_space<vmem>>, vector<16xf32>,
        tpu.vector_store_idx %arg6[%get3A_192], %get3A_196 {add = true} : memref<100096xf32, #tpu.memory_space<vmem>>[vector<16xi32>], vector<16xf32>,
        %get3A_197 = arith.constant 1 : i32
        %get3A_198 = arith.index_cast %get3A_197 : i32 to index
        %get3A_199 = arith.constant 16 : index
        %get3A_200 = tpu.vector_load %arg8[%get3A_198, %get3A_199] {strides = array<i32>} : memref<16x128xi32, #tpu.memory_space<vmem>>, vector<16xi32>,
        %get3A_201 = arith.constant 1 : i32
        %get3A_202 = arith.index_cast %get3A_201 : i32 to index
        %get3A_203 = arith.constant 16 : index
        %get3A_204 = tpu.vector_load %arg10[%get3A_202, %get3A_203] {strides = array<i32>} : memref<16x128xf32, #tpu.memory_space<vmem>>, vector<16xf32>,
        tpu.vector_store_idx %arg6[%get3A_200], %get3A_204 {add = true} : memref<100096xf32, #tpu.memory_space<vmem>>[vector<16xi32>], vector<16xf32>,
        %get3A_205 = arith.constant 1 : i32
        %get3A_206 = arith.index_cast %get3A_205 : i32 to index
        %get3A_207 = arith.constant 32 : index
        %get3A_208 = tpu.vector_load %arg8[%get3A_206, %get3A_207] {strides = array<i32>} : memref<16x128xi32, #tpu.memory_space<vmem>>, vector<16xi32>,
        %get3A_209 = arith.constant 1 : i32
        %get3A_210 = arith.index_cast %get3A_209 : i32 to index
        %get3A_211 = arith.constant 32 : index
        %get3A_212 = tpu.vector_load %arg10[%get3A_210, %get3A_211] {strides = array<i32>} : memref<16x128xf32, #tpu.memory_space<vmem>>, vector<16xf32>,
        tpu.vector_store_idx %arg6[%get3A_208], %get3A_212 {add = true} : memref<100096xf32, #tpu.memory_space<vmem>>[vector<16xi32>], vector<16xf32>,
        %get3A_213 = arith.constant 1 : i32
        %get3A_214 = arith.index_cast %get3A_213 : i32 to index
        %get3A_215 = arith.constant 48 : index
        %get3A_216 = tpu.vector_load %arg8[%get3A_214, %get3A_215] {strides = array<i32>} : memref<16x128xi32, #tpu.memory_space<vmem>>, vector<16xi32>,
        %get3A_217 = arith.constant 1 : i32
        %get3A_218 = arith.index_cast %get3A_217 : i32 to index
        %get3A_219 = arith.constant 48 : index
        %get3A_220 = tpu.vector_load %arg10[%get3A_218, %get3A_219] {strides = array<i32>} : memref<16x128xf32, #tpu.memory_space<vmem>>, vector<16xf32>,
        tpu.vector_store_idx %arg6[%get3A_216], %get3A_220 {add = true} : memref<100096xf32, #tpu.memory_space<vmem>>[vector<16xi32>], vector<16xf32>,
        %get3A_221 = arith.constant 1 : i32
        %get3A_222 = arith.index_cast %get3A_221 : i32 to index
        %get3A_223 = arith.constant 64 : index
        %get3A_224 = tpu.vector_load %arg8[%get3A_222, %get3A_223] {strides = array<i32>} : memref<16x128xi32, #tpu.memory_space<vmem>>, vector<16xi32>,
        %get3A_225 = arith.constant 1 : i32
        %get3A_226 = arith.index_cast %get3A_225 : i32 to index
        %get3A_227 = arith.constant 64 : index
        %get3A_228 = tpu.vector_load %arg10[%get3A_226, %get3A_227] {strides = array<i32>} : memref<16x128xf32, #tpu.memory_space<vmem>>, vector<16xf32>,
        tpu.vector_store_idx %arg6[%get3A_224], %get3A_228 {add = true} : memref<100096xf32, #tpu.memory_space<vmem>>[vector<16xi32>], vector<16xf32>,
        %get3A_229 = arith.constant 1 : i32
        %get3A_230 = arith.index_cast %get3A_229 : i32 to index
        %get3A_231 = arith.constant 80 : index
        %get3A_232 = tpu.vector_load %arg8[%get3A_230, %get3A_231] {strides = array<i32>} : memref<16x128xi32, #tpu.memory_space<vmem>>, vector<16xi32>,
        %get3A_233 = arith.constant 1 : i32
        %get3A_234 = arith.index_cast %get3A_233 : i32 to index
        %get3A_235 = arith.constant 80 : index
        %get3A_236 = tpu.vector_load %arg10[%get3A_234, %get3A_235] {strides = array<i32>} : memref<16x128xf32, #tpu.memory_space<vmem>>, vector<16xf32>,
        tpu.vector_store_idx %arg6[%get3A_232], %get3A_236 {add = true} : memref<100096xf32, #tpu.memory_space<vmem>>[vector<16xi32>], vector<16xf32>,
        %get3A_237 = arith.constant 1 : i32
        %get3A_238 = arith.index_cast %get3A_237 : i32 to index
        %get3A_239 = arith.constant 96 : index
        %get3A_240 = tpu.vector_load %arg8[%get3A_238, %get3A_239] {strides = array<i32>} : memref<16x128xi32, #tpu.memory_space<vmem>>, vector<16xi32>,
        %get3A_241 = arith.constant 1 : i32
        %get3A_242 = arith.index_cast %get3A_241 : i32 to index
        %get3A_243 = arith.constant 96 : index
        %get3A_244 = tpu.vector_load %arg10[%get3A_242, %get3A_243] {strides = array<i32>} : memref<16x128xf32, #tpu.memory_space<vmem>>, vector<16xf32>,
        tpu.vector_store_idx %arg6[%get3A_240], %get3A_244 {add = true} : memref<100096xf32, #tpu.memory_space<vmem>>[vector<16xi32>], vector<16xf32>,
        %get3A_245 = arith.constant 1 : i32
        %get3A_246 = arith.index_cast %get3A_245 : i32 to index
        %get3A_247 = arith.constant 112 : index
        %get3A_248 = tpu.vector_load %arg8[%get3A_246, %get3A_247] {strides = array<i32>} : memref<16x128xi32, #tpu.memory_space<vmem>>, vector<16xi32>,
        %get3A_249 = arith.constant 1 : i32
        %get3A_250 = arith.index_cast %get3A_249 : i32 to index
        %get3A_251 = arith.constant 112 : index
        %get3A_252 = tpu.vector_load %arg10[%get3A_250, %get3A_251] {strides = array<i32>} : memref<16x128xf32, #tpu.memory_space<vmem>>, vector<16xf32>,
        tpu.vector_store_idx %arg6[%get3A_248], %get3A_252 {add = true} : memref<100096xf32, #tpu.memory_space<vmem>>[vector<16xi32>], vector<16xf32>,
        %get3A_253 = arith.constant 2 : i32
        %get3A_254 = arith.index_cast %get3A_253 : i32 to index
        %get3A_255 = arith.constant 0 : index
        %get3A_256 = tpu.vector_load %arg8[%get3A_254, %get3A_255] {strides = array<i32>} : memref<16x128xi32, #tpu.memory_space<vmem>>, vector<16xi32>,
        %get3A_257 = arith.constant 2 : i32
        %get3A_258 = arith.index_cast %get3A_257 : i32 to index
        %get3A_259 = arith.constant 0 : index
        %get3A_260 = tpu.vector_load %arg10[%get3A_258, %get3A_259] {strides = array<i32>} : memref<16x128xf32, #tpu.memory_space<vmem>>, vector<16xf32>,
        tpu.vector_store_idx %arg6[%get3A_256], %get3A_260 {add = true} : memref<100096xf32, #tpu.memory_space<vmem>>[vector<16xi32>], vector<16xf32>,
        %get3A_261 = arith.constant 2 : i32
        %get3A_262 = arith.index_cast %get3A_261 : i32 to index
        %get3A_263 = arith.constant 16 : index
        %get3A_264 = tpu.vector_load %arg8[%get3A_262, %get3A_263] {strides = array<i32>} : memref<16x128xi32, #tpu.memory_space<vmem>>, vector<16xi32>,
        %get3A_265 = arith.constant 2 : i32
        %get3A_266 = arith.index_cast %get3A_265 : i32 to index
        %get3A_267 = arith.constant 16 : index
        %get3A_268 = tpu.vector_load %arg10[%get3A_266, %get3A_267] {strides = array<i32>} : memref<16x128xf32, #tpu.memory_space<vmem>>, vector<16xf32>,
        tpu.vector_store_idx %arg6[%get3A_264], %get3A_268 {add = true} : memref<100096xf32, #tpu.memory_space<vmem>>[vector<16xi32>], vector<16xf32>,
        %get3A_269 = arith.constant 2 : i32
        %get3A_270 = arith.index_cast %get3A_269 : i32 to index
        %get3A_271 = arith.constant 32 : index
        %get3A_272 = tpu.vector_load %arg8[%get3A_270, %get3A_271] {strides = array<i32>} : memref<16x128xi32, #tpu.memory_space<vmem>>, vector<16xi32>,
        %get3A_273 = arith.constant 2 : i32
        %get3A_274 = arith.index_cast %get3A_273 : i32 to index
        %get3A_275 = arith.constant 32 : index
        %get3A_276 = tpu.vector_load %arg10[%get3A_274, %get3A_275] {strides = array<i32>} : memref<16x128xf32, #tpu.memory_space<vmem>>, vector<16xf32>,
        tpu.vector_store_idx %arg6[%get3A_272], %get3A_276 {add = true} : memref<100096xf32, #tpu.memory_space<vmem>>[vector<16xi32>], vector<16xf32>,
        %get3A_277 = arith.constant 2 : i32
        %get3A_278 = arith.index_cast %get3A_277 : i32 to index
        %get3A_279 = arith.constant 48 : index
        %get3A_280 = tpu.vector_load %arg8[%get3A_278, %get3A_279] {strides = array<i32>} : memref<16x128xi32, #tpu.memory_space<vmem>>, vector<16xi32>,
        %get3A_281 = arith.constant 2 : i32
        %get3A_282 = arith.index_cast %get3A_281 : i32 to index
        %get3A_283 = arith.constant 48 : index
        %get3A_284 = tpu.vector_load %arg10[%get3A_282, %get3A_283] {strides = array<i32>} : memref<16x128xf32, #tpu.memory_space<vmem>>, vector<16xf32>,
        tpu.vector_store_idx %arg6[%get3A_280], %get3A_284 {add = true} : memref<100096xf32, #tpu.memory_space<vmem>>[vector<16xi32>], vector<16xf32>,
        %get3A_285 = arith.constant 2 : i32
        %get3A_286 = arith.index_cast %get3A_285 : i32 to index
        %get3A_287 = arith.constant 64 : index
        %get3A_288 = tpu.vector_load %arg8[%get3A_286, %get3A_287] {strides = array<i32>} : memref<16x128xi32, #tpu.memory_space<vmem>>, vector<16xi32>,
        %get3A_289 = arith.constant 2 : i32
        %get3A_290 = arith.index_cast %get3A_289 : i32 to index
        %get3A_291 = arith.constant 64 : index
        %get3A_292 = tpu.vector_load %arg10[%get3A_290, %get3A_291] {strides = array<i32>} : memref<16x128xf32, #tpu.memory_space<vmem>>, vector<16xf32>,
        tpu.vector_store_idx %arg6[%get3A_288], %get3A_292 {add = true} : memref<100096xf32, #tpu.memory_space<vmem>>[vector<16xi32>], vector<16xf32>,
        %get3A_293 = arith.constant 2 : i32
        %get3A_294 = arith.index_cast %get3A_293 : i32 to index
        %get3A_295 = arith.constant 80 : index
        %get3A_296 = tpu.vector_load %arg8[%get3A_294, %get3A_295] {strides = array<i32>} : memref<16x128xi32, #tpu.memory_space<vmem>>, vector<16xi32>,
        %get3A_297 = arith.constant 2 : i32
        %get3A_298 = arith.index_cast %get3A_297 : i32 to index
        %get3A_299 = arith.constant 80 : index
        %get3A_300 = tpu.vector_load %arg10[%get3A_298, %get3A_299] {strides = array<i32>} : memref<16x128xf32, #tpu.memory_space<vmem>>, vector<16xf32>,
        tpu.vector_store_idx %arg6[%get3A_296], %get3A_300 {add = true} : memref<100096xf32, #tpu.memory_space<vmem>>[vector<16xi32>], vector<16xf32>,
        %get3A_301 = arith.constant 2 : i32
        %get3A_302 = arith.index_cast %get3A_301 : i32 to index
        %get3A_303 = arith.constant 96 : index
        %get3A_304 = tpu.vector_load %arg8[%get3A_302, %get3A_303] {strides = array<i32>} : memref<16x128xi32, #tpu.memory_space<vmem>>, vector<16xi32>,
        %get3A_305 = arith.constant 2 : i32
        %get3A_306 = arith.index_cast %get3A_305 : i32 to index
        %get3A_307 = arith.constant 96 : index
        %get3A_308 = tpu.vector_load %arg10[%get3A_306, %get3A_307] {strides = array<i32>} : memref<16x128xf32, #tpu.memory_space<vmem>>, vector<16xf32>,
        tpu.vector_store_idx %arg6[%get3A_304], %get3A_308 {add = true} : memref<100096xf32, #tpu.memory_space<vmem>>[vector<16xi32>], vector<16xf32>,
        %get3A_309 = arith.constant 2 : i32
        %get3A_310 = arith.index_cast %get3A_309 : i32 to index
        %get3A_311 = arith.constant 112 : index
        %get3A_312 = tpu.vector_load %arg8[%get3A_310, %get3A_311] {strides = array<i32>} : memref<16x128xi32, #tpu.memory_space<vmem>>, vector<16xi32>,
        %get3A_313 = arith.constant 2 : i32
        %get3A_314 = arith.index_cast %get3A_313 : i32 to index
        %get3A_315 = arith.constant 112 : index
        %get3A_316 = tpu.vector_load %arg10[%get3A_314, %get3A_315] {strides = array<i32>} : memref<16x128xf32, #tpu.memory_space<vmem>>, vector<16xf32>,
        tpu.vector_store_idx %arg6[%get3A_312], %get3A_316 {add = true} : memref<100096xf32, #tpu.memory_space<vmem>>[vector<16xi32>], vector<16xf32>,
        %get3A_317 = arith.constant 3 : i32
        %get3A_318 = arith.index_cast %get3A_317 : i32 to index
        %get3A_319 = arith.constant 0 : index
        %get3A_320 = tpu.vector_load %arg8[%get3A_318, %get3A_319] {strides = array<i32>} : memref<16x128xi32, #tpu.memory_space<vmem>>, vector<16xi32>,
        %get3A_321 = arith.constant 3 : i32
        %get3A_322 = arith.index_cast %get3A_321 : i32 to index
        %get3A_323 = arith.constant 0 : index
        %get3A_324 = tpu.vector_load %arg10[%get3A_322, %get3A_323] {strides = array<i32>} : memref<16x128xf32, #tpu.memory_space<vmem>>, vector<16xf32>,
        tpu.vector_store_idx %arg6[%get3A_320], %get3A_324 {add = true} : memref<100096xf32, #tpu.memory_space<vmem>>[vector<16xi32>], vector<16xf32>,
        %get3A_325 = arith.constant 3 : i32
        %get3A_326 = arith.index_cast %get3A_325 : i32 to index
        %get3A_327 = arith.constant 16 : index
        %get3A_328 = tpu.vector_load %arg8[%get3A_326, %get3A_327] {strides = array<i32>} : memref<16x128xi32, #tpu.memory_space<vmem>>, vector<16xi32>,
        %get3A_329 = arith.constant 3 : i32
        %get3A_330 = arith.index_cast %get3A_329 : i32 to index
        %get3A_331 = arith.constant 16 : index
        %get3A_332 = tpu.vector_load %arg10[%get3A_330, %get3A_331] {strides = array<i32>} : memref<16x128xf32, #tpu.memory_space<vmem>>, vector<16xf32>,
        tpu.vector_store_idx %arg6[%get3A_328], %get3A_332 {add = true} : memref<100096xf32, #tpu.memory_space<vmem>>[vector<16xi32>], vector<16xf32>,
        %get3A_333 = arith.constant 3 : i32
        %get3A_334 = arith.index_cast %get3A_333 : i32 to index
        %get3A_335 = arith.constant 32 : index
        %get3A_336 = tpu.vector_load %arg8[%get3A_334, %get3A_335] {strides = array<i32>} : memref<16x128xi32, #tpu.memory_space<vmem>>, vector<16xi32>,
        %get3A_337 = arith.constant 3 : i32
        %get3A_338 = arith.index_cast %get3A_337 : i32 to index
        %get3A_339 = arith.constant 32 : index
        %get3A_340 = tpu.vector_load %arg10[%get3A_338, %get3A_339] {strides = array<i32>} : memref<16x128xf32, #tpu.memory_space<vmem>>, vector<16xf32>,
        tpu.vector_store_idx %arg6[%get3A_336], %get3A_340 {add = true} : memref<100096xf32, #tpu.memory_space<vmem>>[vector<16xi32>], vector<16xf32>,
        %get3A_341 = arith.constant 3 : i32
        %get3A_342 = arith.index_cast %get3A_341 : i32 to index
        %get3A_343 = arith.constant 48 : index
        %get3A_344 = tpu.vector_load %arg8[%get3A_342, %get3A_343] {strides = array<i32>} : memref<16x128xi32, #tpu.memory_space<vmem>>, vector<16xi32>,
        %get3A_345 = arith.constant 3 : i32
        %get3A_346 = arith.index_cast %get3A_345 : i32 to index
        %get3A_347 = arith.constant 48 : index
        %get3A_348 = tpu.vector_load %arg10[%get3A_346, %get3A_347] {strides = array<i32>} : memref<16x128xf32, #tpu.memory_space<vmem>>, vector<16xf32>,
        tpu.vector_store_idx %arg6[%get3A_344], %get3A_348 {add = true} : memref<100096xf32, #tpu.memory_space<vmem>>[vector<16xi32>], vector<16xf32>,
        %get3A_349 = arith.constant 3 : i32
        %get3A_350 = arith.index_cast %get3A_349 : i32 to index
        %get3A_351 = arith.constant 64 : index
        %get3A_352 = tpu.vector_load %arg8[%get3A_350, %get3A_351] {strides = array<i32>} : memref<16x128xi32, #tpu.memory_space<vmem>>, vector<16xi32>,
        %get3A_353 = arith.constant 3 : i32
        %get3A_354 = arith.index_cast %get3A_353 : i32 to index
        %get3A_355 = arith.constant 64 : index
        %get3A_356 = tpu.vector_load %arg10[%get3A_354, %get3A_355] {strides = array<i32>} : memref<16x128xf32, #tpu.memory_space<vmem>>, vector<16xf32>,
        tpu.vector_store_idx %arg6[%get3A_352], %get3A_356 {add = true} : memref<100096xf32, #tpu.memory_space<vmem>>[vector<16xi32>], vector<16xf32>,
        %get3A_357 = arith.constant 3 : i32
        %get3A_358 = arith.index_cast %get3A_357 : i32 to index
        %get3A_359 = arith.constant 80 : index
        %get3A_360 = tpu.vector_load %arg8[%get3A_358, %get3A_359] {strides = array<i32>} : memref<16x128xi32, #tpu.memory_space<vmem>>, vector<16xi32>,
        %get3A_361 = arith.constant 3 : i32
        %get3A_362 = arith.index_cast %get3A_361 : i32 to index
        %get3A_363 = arith.constant 80 : index
        %get3A_364 = tpu.vector_load %arg10[%get3A_362, %get3A_363] {strides = array<i32>} : memref<16x128xf32, #tpu.memory_space<vmem>>, vector<16xf32>,
        tpu.vector_store_idx %arg6[%get3A_360], %get3A_364 {add = true} : memref<100096xf32, #tpu.memory_space<vmem>>[vector<16xi32>], vector<16xf32>,
        %get3A_365 = arith.constant 3 : i32
        %get3A_366 = arith.index_cast %get3A_365 : i32 to index
        %get3A_367 = arith.constant 96 : index
        %get3A_368 = tpu.vector_load %arg8[%get3A_366, %get3A_367] {strides = array<i32>} : memref<16x128xi32, #tpu.memory_space<vmem>>, vector<16xi32>,
        %get3A_369 = arith.constant 3 : i32
        %get3A_370 = arith.index_cast %get3A_369 : i32 to index
        %get3A_371 = arith.constant 96 : index
        %get3A_372 = tpu.vector_load %arg10[%get3A_370, %get3A_371] {strides = array<i32>} : memref<16x128xf32, #tpu.memory_space<vmem>>, vector<16xf32>,
        tpu.vector_store_idx %arg6[%get3A_368], %get3A_372 {add = true} : memref<100096xf32, #tpu.memory_space<vmem>>[vector<16xi32>], vector<16xf32>,
        %get3A_373 = arith.constant 3 : i32
        %get3A_374 = arith.index_cast %get3A_373 : i32 to index
        %get3A_375 = arith.constant 112 : index
        %get3A_376 = tpu.vector_load %arg8[%get3A_374, %get3A_375] {strides = array<i32>} : memref<16x128xi32, #tpu.memory_space<vmem>>, vector<16xi32>,
        %get3A_377 = arith.constant 3 : i32
        %get3A_378 = arith.index_cast %get3A_377 : i32 to index
        %get3A_379 = arith.constant 112 : index
        %get3A_380 = tpu.vector_load %arg10[%get3A_378, %get3A_379] {strides = array<i32>} : memref<16x128xf32, #tpu.memory_space<vmem>>, vector<16xf32>,
        tpu.vector_store_idx %arg6[%get3A_376], %get3A_380 {add = true} : memref<100096xf32, #tpu.memory_space<vmem>>[vector<16xi32>], vector<16xf32>,
        %get3A_381 = arith.constant 4 : i32
        %get3A_382 = arith.index_cast %get3A_381 : i32 to index
        %get3A_383 = arith.constant 0 : index
        %get3A_384 = tpu.vector_load %arg8[%get3A_382, %get3A_383] {strides = array<i32>} : memref<16x128xi32, #tpu.memory_space<vmem>>, vector<16xi32>,
        %get3A_385 = arith.constant 4 : i32
        %get3A_386 = arith.index_cast %get3A_385 : i32 to index
        %get3A_387 = arith.constant 0 : index
        %get3A_388 = tpu.vector_load %arg10[%get3A_386, %get3A_387] {strides = array<i32>} : memref<16x128xf32, #tpu.memory_space<vmem>>, vector<16xf32>,
        tpu.vector_store_idx %arg6[%get3A_384], %get3A_388 {add = true} : memref<100096xf32, #tpu.memory_space<vmem>>[vector<16xi32>], vector<16xf32>,
        %get3A_389 = arith.constant 4 : i32
        %get3A_390 = arith.index_cast %get3A_389 : i32 to index
        %get3A_391 = arith.constant 16 : index
        %get3A_392 = tpu.vector_load %arg8[%get3A_390, %get3A_391] {strides = array<i32>} : memref<16x128xi32, #tpu.memory_space<vmem>>, vector<16xi32>,
        %get3A_393 = arith.constant 4 : i32
        %get3A_394 = arith.index_cast %get3A_393 : i32 to index
        %get3A_395 = arith.constant 16 : index
        %get3A_396 = tpu.vector_load %arg10[%get3A_394, %get3A_395] {strides = array<i32>} : memref<16x128xf32, #tpu.memory_space<vmem>>, vector<16xf32>,
        tpu.vector_store_idx %arg6[%get3A_392], %get3A_396 {add = true} : memref<100096xf32, #tpu.memory_space<vmem>>[vector<16xi32>], vector<16xf32>,
        %get3A_397 = arith.constant 4 : i32
        %get3A_398 = arith.index_cast %get3A_397 : i32 to index
        %get3A_399 = arith.constant 32 : index
        %get3A_400 = tpu.vector_load %arg8[%get3A_398, %get3A_399] {strides = array<i32>} : memref<16x128xi32, #tpu.memory_space<vmem>>, vector<16xi32>,
        %get3A_401 = arith.constant 4 : i32
        %get3A_402 = arith.index_cast %get3A_401 : i32 to index
        %get3A_403 = arith.constant 32 : index
        %get3A_404 = tpu.vector_load %arg10[%get3A_402, %get3A_403] {strides = array<i32>} : memref<16x128xf32, #tpu.memory_space<vmem>>, vector<16xf32>,
        tpu.vector_store_idx %arg6[%get3A_400], %get3A_404 {add = true} : memref<100096xf32, #tpu.memory_space<vmem>>[vector<16xi32>], vector<16xf32>,
        %get3A_405 = arith.constant 4 : i32
        %get3A_406 = arith.index_cast %get3A_405 : i32 to index
        %get3A_407 = arith.constant 48 : index
        %get3A_408 = tpu.vector_load %arg8[%get3A_406, %get3A_407] {strides = array<i32>} : memref<16x128xi32, #tpu.memory_space<vmem>>, vector<16xi32>,
        %get3A_409 = arith.constant 4 : i32
        %get3A_410 = arith.index_cast %get3A_409 : i32 to index
        %get3A_411 = arith.constant 48 : index
        %get3A_412 = tpu.vector_load %arg10[%get3A_410, %get3A_411] {strides = array<i32>} : memref<16x128xf32, #tpu.memory_space<vmem>>, vector<16xf32>,
        tpu.vector_store_idx %arg6[%get3A_408], %get3A_412 {add = true} : memref<100096xf32, #tpu.memory_space<vmem>>[vector<16xi32>], vector<16xf32>,
        %get3A_413 = arith.constant 4 : i32
        %get3A_414 = arith.index_cast %get3A_413 : i32 to index
        %get3A_415 = arith.constant 64 : index
        %get3A_416 = tpu.vector_load %arg8[%get3A_414, %get3A_415] {strides = array<i32>} : memref<16x128xi32, #tpu.memory_space<vmem>>, vector<16xi32>,
        %get3A_417 = arith.constant 4 : i32
        %get3A_418 = arith.index_cast %get3A_417 : i32 to index
        %get3A_419 = arith.constant 64 : index
        %get3A_420 = tpu.vector_load %arg10[%get3A_418, %get3A_419] {strides = array<i32>} : memref<16x128xf32, #tpu.memory_space<vmem>>, vector<16xf32>,
        tpu.vector_store_idx %arg6[%get3A_416], %get3A_420 {add = true} : memref<100096xf32, #tpu.memory_space<vmem>>[vector<16xi32>], vector<16xf32>,
        %get3A_421 = arith.constant 4 : i32
        %get3A_422 = arith.index_cast %get3A_421 : i32 to index
        %get3A_423 = arith.constant 80 : index
        %get3A_424 = tpu.vector_load %arg8[%get3A_422, %get3A_423] {strides = array<i32>} : memref<16x128xi32, #tpu.memory_space<vmem>>, vector<16xi32>,
        %get3A_425 = arith.constant 4 : i32
        %get3A_426 = arith.index_cast %get3A_425 : i32 to index
        %get3A_427 = arith.constant 80 : index
        %get3A_428 = tpu.vector_load %arg10[%get3A_426, %get3A_427] {strides = array<i32>} : memref<16x128xf32, #tpu.memory_space<vmem>>, vector<16xf32>,
        tpu.vector_store_idx %arg6[%get3A_424], %get3A_428 {add = true} : memref<100096xf32, #tpu.memory_space<vmem>>[vector<16xi32>], vector<16xf32>,
        %get3A_429 = arith.constant 4 : i32
        %get3A_430 = arith.index_cast %get3A_429 : i32 to index
        %get3A_431 = arith.constant 96 : index
        %get3A_432 = tpu.vector_load %arg8[%get3A_430, %get3A_431] {strides = array<i32>} : memref<16x128xi32, #tpu.memory_space<vmem>>, vector<16xi32>,
        %get3A_433 = arith.constant 4 : i32
        %get3A_434 = arith.index_cast %get3A_433 : i32 to index
        %get3A_435 = arith.constant 96 : index
        %get3A_436 = tpu.vector_load %arg10[%get3A_434, %get3A_435] {strides = array<i32>} : memref<16x128xf32, #tpu.memory_space<vmem>>, vector<16xf32>,
        tpu.vector_store_idx %arg6[%get3A_432], %get3A_436 {add = true} : memref<100096xf32, #tpu.memory_space<vmem>>[vector<16xi32>], vector<16xf32>,
        %get3A_437 = arith.constant 4 : i32
        %get3A_438 = arith.index_cast %get3A_437 : i32 to index
        %get3A_439 = arith.constant 112 : index
        %get3A_440 = tpu.vector_load %arg8[%get3A_438, %get3A_439] {strides = array<i32>} : memref<16x128xi32, #tpu.memory_space<vmem>>, vector<16xi32>,
        %get3A_441 = arith.constant 4 : i32
        %get3A_442 = arith.index_cast %get3A_441 : i32 to index
        %get3A_443 = arith.constant 112 : index
        %get3A_444 = tpu.vector_load %arg10[%get3A_442, %get3A_443] {strides = array<i32>} : memref<16x128xf32, #tpu.memory_space<vmem>>, vector<16xf32>,
        tpu.vector_store_idx %arg6[%get3A_440], %get3A_444 {add = true} : memref<100096xf32, #tpu.memory_space<vmem>>[vector<16xi32>], vector<16xf32>,
        %get3A_445 = arith.constant 5 : i32
        %get3A_446 = arith.index_cast %get3A_445 : i32 to index
        %get3A_447 = arith.constant 0 : index
        %get3A_448 = tpu.vector_load %arg8[%get3A_446, %get3A_447] {strides = array<i32>} : memref<16x128xi32, #tpu.memory_space<vmem>>, vector<16xi32>,
        %get3A_449 = arith.constant 5 : i32
        %get3A_450 = arith.index_cast %get3A_449 : i32 to index
        %get3A_451 = arith.constant 0 : index
        %get3A_452 = tpu.vector_load %arg10[%get3A_450, %get3A_451] {strides = array<i32>} : memref<16x128xf32, #tpu.memory_space<vmem>>, vector<16xf32>,
        tpu.vector_store_idx %arg6[%get3A_448], %get3A_452 {add = true} : memref<100096xf32, #tpu.memory_space<vmem>>[vector<16xi32>], vector<16xf32>,
        %get3A_453 = arith.constant 5 : i32
        %get3A_454 = arith.index_cast %get3A_453 : i32 to index
        %get3A_455 = arith.constant 16 : index
        %get3A_456 = tpu.vector_load %arg8[%get3A_454, %get3A_455] {strides = array<i32>} : memref<16x128xi32, #tpu.memory_space<vmem>>, vector<16xi32>,
        %get3A_457 = arith.constant 5 : i32
        %get3A_458 = arith.index_cast %get3A_457 : i32 to index
        %get3A_459 = arith.constant 16 : index
        %get3A_460 = tpu.vector_load %arg10[%get3A_458, %get3A_459] {strides = array<i32>} : memref<16x128xf32, #tpu.memory_space<vmem>>, vector<16xf32>,
        tpu.vector_store_idx %arg6[%get3A_456], %get3A_460 {add = true} : memref<100096xf32, #tpu.memory_space<vmem>>[vector<16xi32>], vector<16xf32>,
        %get3A_461 = arith.constant 5 : i32
        %get3A_462 = arith.index_cast %get3A_461 : i32 to index
        %get3A_463 = arith.constant 32 : index
        %get3A_464 = tpu.vector_load %arg8[%get3A_462, %get3A_463] {strides = array<i32>} : memref<16x128xi32, #tpu.memory_space<vmem>>, vector<16xi32>,
        %get3A_465 = arith.constant 5 : i32
        %get3A_466 = arith.index_cast %get3A_465 : i32 to index
        %get3A_467 = arith.constant 32 : index
        %get3A_468 = tpu.vector_load %arg10[%get3A_466, %get3A_467] {strides = array<i32>} : memref<16x128xf32, #tpu.memory_space<vmem>>, vector<16xf32>,
        tpu.vector_store_idx %arg6[%get3A_464], %get3A_468 {add = true} : memref<100096xf32, #tpu.memory_space<vmem>>[vector<16xi32>], vector<16xf32>,
        %get3A_469 = arith.constant 5 : i32
        %get3A_470 = arith.index_cast %get3A_469 : i32 to index
        %get3A_471 = arith.constant 48 : index
        %get3A_472 = tpu.vector_load %arg8[%get3A_470, %get3A_471] {strides = array<i32>} : memref<16x128xi32, #tpu.memory_space<vmem>>, vector<16xi32>,
        %get3A_473 = arith.constant 5 : i32
        %get3A_474 = arith.index_cast %get3A_473 : i32 to index
        %get3A_475 = arith.constant 48 : index
        %get3A_476 = tpu.vector_load %arg10[%get3A_474, %get3A_475] {strides = array<i32>} : memref<16x128xf32, #tpu.memory_space<vmem>>, vector<16xf32>,
        tpu.vector_store_idx %arg6[%get3A_472], %get3A_476 {add = true} : memref<100096xf32, #tpu.memory_space<vmem>>[vector<16xi32>], vector<16xf32>,
        %get3A_477 = arith.constant 5 : i32
        %get3A_478 = arith.index_cast %get3A_477 : i32 to index
        %get3A_479 = arith.constant 64 : index
        %get3A_480 = tpu.vector_load %arg8[%get3A_478, %get3A_479] {strides = array<i32>} : memref<16x128xi32, #tpu.memory_space<vmem>>, vector<16xi32>,
        %get3A_481 = arith.constant 5 : i32
        %get3A_482 = arith.index_cast %get3A_481 : i32 to index
        %get3A_483 = arith.constant 64 : index
        %get3A_484 = tpu.vector_load %arg10[%get3A_482, %get3A_483] {strides = array<i32>} : memref<16x128xf32, #tpu.memory_space<vmem>>, vector<16xf32>,
        tpu.vector_store_idx %arg6[%get3A_480], %get3A_484 {add = true} : memref<100096xf32, #tpu.memory_space<vmem>>[vector<16xi32>], vector<16xf32>,
        %get3A_485 = arith.constant 5 : i32
        %get3A_486 = arith.index_cast %get3A_485 : i32 to index
        %get3A_487 = arith.constant 80 : index
        %get3A_488 = tpu.vector_load %arg8[%get3A_486, %get3A_487] {strides = array<i32>} : memref<16x128xi32, #tpu.memory_space<vmem>>, vector<16xi32>,
        %get3A_489 = arith.constant 5 : i32
        %get3A_490 = arith.index_cast %get3A_489 : i32 to index
        %get3A_491 = arith.constant 80 : index
        %get3A_492 = tpu.vector_load %arg10[%get3A_490, %get3A_491] {strides = array<i32>} : memref<16x128xf32, #tpu.memory_space<vmem>>, vector<16xf32>,
        tpu.vector_store_idx %arg6[%get3A_488], %get3A_492 {add = true} : memref<100096xf32, #tpu.memory_space<vmem>>[vector<16xi32>], vector<16xf32>,
        %get3A_493 = arith.constant 5 : i32
        %get3A_494 = arith.index_cast %get3A_493 : i32 to index
        %get3A_495 = arith.constant 96 : index
        %get3A_496 = tpu.vector_load %arg8[%get3A_494, %get3A_495] {strides = array<i32>} : memref<16x128xi32, #tpu.memory_space<vmem>>, vector<16xi32>,
        %get3A_497 = arith.constant 5 : i32
        %get3A_498 = arith.index_cast %get3A_497 : i32 to index
        %get3A_499 = arith.constant 96 : index
        %get3A_500 = tpu.vector_load %arg10[%get3A_498, %get3A_499] {strides = array<i32>} : memref<16x128xf32, #tpu.memory_space<vmem>>, vector<16xf32>,
        tpu.vector_store_idx %arg6[%get3A_496], %get3A_500 {add = true} : memref<100096xf32, #tpu.memory_space<vmem>>[vector<16xi32>], vector<16xf32>,
        %get3A_501 = arith.constant 5 : i32
        %get3A_502 = arith.index_cast %get3A_501 : i32 to index
        %get3A_503 = arith.constant 112 : index
        %get3A_504 = tpu.vector_load %arg8[%get3A_502, %get3A_503] {strides = array<i32>} : memref<16x128xi32, #tpu.memory_space<vmem>>, vector<16xi32>,
        %get3A_505 = arith.constant 5 : i32
        %get3A_506 = arith.index_cast %get3A_505 : i32 to index
        %get3A_507 = arith.constant 112 : index
        %get3A_508 = tpu.vector_load %arg10[%get3A_506, %get3A_507] {strides = array<i32>} : memref<16x128xf32, #tpu.memory_space<vmem>>, vector<16xf32>,
        tpu.vector_store_idx %arg6[%get3A_504], %get3A_508 {add = true} : memref<100096xf32, #tpu.memory_space<vmem>>[vector<16xi32>], vector<16xf32>,
        %get3A_509 = arith.constant 6 : i32
        %get3A_510 = arith.index_cast %get3A_509 : i32 to index
        %get3A_511 = arith.constant 0 : index
        %get3A_512 = tpu.vector_load %arg8[%get3A_510, %get3A_511] {strides = array<i32>} : memref<16x128xi32, #tpu.memory_space<vmem>>, vector<16xi32>,
        %get3A_513 = arith.constant 6 : i32
        %get3A_514 = arith.index_cast %get3A_513 : i32 to index
        %get3A_515 = arith.constant 0 : index
        %get3A_516 = tpu.vector_load %arg10[%get3A_514, %get3A_515] {strides = array<i32>} : memref<16x128xf32, #tpu.memory_space<vmem>>, vector<16xf32>,
        tpu.vector_store_idx %arg6[%get3A_512], %get3A_516 {add = true} : memref<100096xf32, #tpu.memory_space<vmem>>[vector<16xi32>], vector<16xf32>,
        %get3A_517 = arith.constant 6 : i32
        %get3A_518 = arith.index_cast %get3A_517 : i32 to index
        %get3A_519 = arith.constant 16 : index
        %get3A_520 = tpu.vector_load %arg8[%get3A_518, %get3A_519] {strides = array<i32>} : memref<16x128xi32, #tpu.memory_space<vmem>>, vector<16xi32>,
        %get3A_521 = arith.constant 6 : i32
        %get3A_522 = arith.index_cast %get3A_521 : i32 to index
        %get3A_523 = arith.constant 16 : index
        %get3A_524 = tpu.vector_load %arg10[%get3A_522, %get3A_523] {strides = array<i32>} : memref<16x128xf32, #tpu.memory_space<vmem>>, vector<16xf32>,
        tpu.vector_store_idx %arg6[%get3A_520], %get3A_524 {add = true} : memref<100096xf32, #tpu.memory_space<vmem>>[vector<16xi32>], vector<16xf32>,
        %get3A_525 = arith.constant 6 : i32
        %get3A_526 = arith.index_cast %get3A_525 : i32 to index
        %get3A_527 = arith.constant 32 : index
        %get3A_528 = tpu.vector_load %arg8[%get3A_526, %get3A_527] {strides = array<i32>} : memref<16x128xi32, #tpu.memory_space<vmem>>, vector<16xi32>,
        %get3A_529 = arith.constant 6 : i32
        %get3A_530 = arith.index_cast %get3A_529 : i32 to index
        %get3A_531 = arith.constant 32 : index
        %get3A_532 = tpu.vector_load %arg10[%get3A_530, %get3A_531] {strides = array<i32>} : memref<16x128xf32, #tpu.memory_space<vmem>>, vector<16xf32>,
        tpu.vector_store_idx %arg6[%get3A_528], %get3A_532 {add = true} : memref<100096xf32, #tpu.memory_space<vmem>>[vector<16xi32>], vector<16xf32>,
        %get3A_533 = arith.constant 6 : i32
        %get3A_534 = arith.index_cast %get3A_533 : i32 to index
        %get3A_535 = arith.constant 48 : index
        %get3A_536 = tpu.vector_load %arg8[%get3A_534, %get3A_535] {strides = array<i32>} : memref<16x128xi32, #tpu.memory_space<vmem>>, vector<16xi32>,
        %get3A_537 = arith.constant 6 : i32
        %get3A_538 = arith.index_cast %get3A_537 : i32 to index
        %get3A_539 = arith.constant 48 : index
        %get3A_540 = tpu.vector_load %arg10[%get3A_538, %get3A_539] {strides = array<i32>} : memref<16x128xf32, #tpu.memory_space<vmem>>, vector<16xf32>,
        tpu.vector_store_idx %arg6[%get3A_536], %get3A_540 {add = true} : memref<100096xf32, #tpu.memory_space<vmem>>[vector<16xi32>], vector<16xf32>,
        %get3A_541 = arith.constant 6 : i32
        %get3A_542 = arith.index_cast %get3A_541 : i32 to index
        %get3A_543 = arith.constant 64 : index
        %get3A_544 = tpu.vector_load %arg8[%get3A_542, %get3A_543] {strides = array<i32>} : memref<16x128xi32, #tpu.memory_space<vmem>>, vector<16xi32>,
        %get3A_545 = arith.constant 6 : i32
        %get3A_546 = arith.index_cast %get3A_545 : i32 to index
        %get3A_547 = arith.constant 64 : index
        %get3A_548 = tpu.vector_load %arg10[%get3A_546, %get3A_547] {strides = array<i32>} : memref<16x128xf32, #tpu.memory_space<vmem>>, vector<16xf32>,
        tpu.vector_store_idx %arg6[%get3A_544], %get3A_548 {add = true} : memref<100096xf32, #tpu.memory_space<vmem>>[vector<16xi32>], vector<16xf32>,
        %get3A_549 = arith.constant 6 : i32
        %get3A_550 = arith.index_cast %get3A_549 : i32 to index
        %get3A_551 = arith.constant 80 : index
        %get3A_552 = tpu.vector_load %arg8[%get3A_550, %get3A_551] {strides = array<i32>} : memref<16x128xi32, #tpu.memory_space<vmem>>, vector<16xi32>,
        %get3A_553 = arith.constant 6 : i32
        %get3A_554 = arith.index_cast %get3A_553 : i32 to index
        %get3A_555 = arith.constant 80 : index
        %get3A_556 = tpu.vector_load %arg10[%get3A_554, %get3A_555] {strides = array<i32>} : memref<16x128xf32, #tpu.memory_space<vmem>>, vector<16xf32>,
        tpu.vector_store_idx %arg6[%get3A_552], %get3A_556 {add = true} : memref<100096xf32, #tpu.memory_space<vmem>>[vector<16xi32>], vector<16xf32>,
        %get3A_557 = arith.constant 6 : i32
        %get3A_558 = arith.index_cast %get3A_557 : i32 to index
        %get3A_559 = arith.constant 96 : index
        %get3A_560 = tpu.vector_load %arg8[%get3A_558, %get3A_559] {strides = array<i32>} : memref<16x128xi32, #tpu.memory_space<vmem>>, vector<16xi32>,
        %get3A_561 = arith.constant 6 : i32
        %get3A_562 = arith.index_cast %get3A_561 : i32 to index
        %get3A_563 = arith.constant 96 : index
        %get3A_564 = tpu.vector_load %arg10[%get3A_562, %get3A_563] {strides = array<i32>} : memref<16x128xf32, #tpu.memory_space<vmem>>, vector<16xf32>,
        tpu.vector_store_idx %arg6[%get3A_560], %get3A_564 {add = true} : memref<100096xf32, #tpu.memory_space<vmem>>[vector<16xi32>], vector<16xf32>,
        %get3A_565 = arith.constant 6 : i32
        %get3A_566 = arith.index_cast %get3A_565 : i32 to index
        %get3A_567 = arith.constant 112 : index
        %get3A_568 = tpu.vector_load %arg8[%get3A_566, %get3A_567] {strides = array<i32>} : memref<16x128xi32, #tpu.memory_space<vmem>>, vector<16xi32>,
        %get3A_569 = arith.constant 6 : i32
        %get3A_570 = arith.index_cast %get3A_569 : i32 to index
        %get3A_571 = arith.constant 112 : index
        %get3A_572 = tpu.vector_load %arg10[%get3A_570, %get3A_571] {strides = array<i32>} : memref<16x128xf32, #tpu.memory_space<vmem>>, vector<16xf32>,
        tpu.vector_store_idx %arg6[%get3A_568], %get3A_572 {add = true} : memref<100096xf32, #tpu.memory_space<vmem>>[vector<16xi32>], vector<16xf32>,
        %get3A_573 = arith.constant 7 : i32
        %get3A_574 = arith.index_cast %get3A_573 : i32 to index
        %get3A_575 = arith.constant 0 : index
        %get3A_576 = tpu.vector_load %arg8[%get3A_574, %get3A_575] {strides = array<i32>} : memref<16x128xi32, #tpu.memory_space<vmem>>, vector<16xi32>,
        %get3A_577 = arith.constant 7 : i32
        %get3A_578 = arith.index_cast %get3A_577 : i32 to index
        %get3A_579 = arith.constant 0 : index
        %get3A_580 = tpu.vector_load %arg10[%get3A_578, %get3A_579] {strides = array<i32>} : memref<16x128xf32, #tpu.memory_space<vmem>>, vector<16xf32>,
        tpu.vector_store_idx %arg6[%get3A_576], %get3A_580 {add = true} : memref<100096xf32, #tpu.memory_space<vmem>>[vector<16xi32>], vector<16xf32>,
        %get3A_581 = arith.constant 7 : i32
        %get3A_582 = arith.index_cast %get3A_581 : i32 to index
        %get3A_583 = arith.constant 16 : index
        %get3A_584 = tpu.vector_load %arg8[%get3A_582, %get3A_583] {strides = array<i32>} : memref<16x128xi32, #tpu.memory_space<vmem>>, vector<16xi32>,
        %get3A_585 = arith.constant 7 : i32
        %get3A_586 = arith.index_cast %get3A_585 : i32 to index
        %get3A_587 = arith.constant 16 : index
        %get3A_588 = tpu.vector_load %arg10[%get3A_586, %get3A_587] {strides = array<i32>} : memref<16x128xf32, #tpu.memory_space<vmem>>, vector<16xf32>,
        tpu.vector_store_idx %arg6[%get3A_584], %get3A_588 {add = true} : memref<100096xf32, #tpu.memory_space<vmem>>[vector<16xi32>], vector<16xf32>,
        %get3A_589 = arith.constant 7 : i32
        %get3A_590 = arith.index_cast %get3A_589 : i32 to index
        %get3A_591 = arith.constant 32 : index
        %get3A_592 = tpu.vector_load %arg8[%get3A_590, %get3A_591] {strides = array<i32>} : memref<16x128xi32, #tpu.memory_space<vmem>>, vector<16xi32>,
        %get3A_593 = arith.constant 7 : i32
        %get3A_594 = arith.index_cast %get3A_593 : i32 to index
        %get3A_595 = arith.constant 32 : index
        %get3A_596 = tpu.vector_load %arg10[%get3A_594, %get3A_595] {strides = array<i32>} : memref<16x128xf32, #tpu.memory_space<vmem>>, vector<16xf32>,
        tpu.vector_store_idx %arg6[%get3A_592], %get3A_596 {add = true} : memref<100096xf32, #tpu.memory_space<vmem>>[vector<16xi32>], vector<16xf32>,
        %get3A_597 = arith.constant 7 : i32
        %get3A_598 = arith.index_cast %get3A_597 : i32 to index
        %get3A_599 = arith.constant 48 : index
        %get3A_600 = tpu.vector_load %arg8[%get3A_598, %get3A_599] {strides = array<i32>} : memref<16x128xi32, #tpu.memory_space<vmem>>, vector<16xi32>,
        %get3A_601 = arith.constant 7 : i32
        %get3A_602 = arith.index_cast %get3A_601 : i32 to index
        %get3A_603 = arith.constant 48 : index
        %get3A_604 = tpu.vector_load %arg10[%get3A_602, %get3A_603] {strides = array<i32>} : memref<16x128xf32, #tpu.memory_space<vmem>>, vector<16xf32>,
        tpu.vector_store_idx %arg6[%get3A_600], %get3A_604 {add = true} : memref<100096xf32, #tpu.memory_space<vmem>>[vector<16xi32>], vector<16xf32>,
        %get3A_605 = arith.constant 7 : i32
        %get3A_606 = arith.index_cast %get3A_605 : i32 to index
        %get3A_607 = arith.constant 64 : index
        %get3A_608 = tpu.vector_load %arg8[%get3A_606, %get3A_607] {strides = array<i32>} : memref<16x128xi32, #tpu.memory_space<vmem>>, vector<16xi32>,
        %get3A_609 = arith.constant 7 : i32
        %get3A_610 = arith.index_cast %get3A_609 : i32 to index
        %get3A_611 = arith.constant 64 : index
        %get3A_612 = tpu.vector_load %arg10[%get3A_610, %get3A_611] {strides = array<i32>} : memref<16x128xf32, #tpu.memory_space<vmem>>, vector<16xf32>,
        tpu.vector_store_idx %arg6[%get3A_608], %get3A_612 {add = true} : memref<100096xf32, #tpu.memory_space<vmem>>[vector<16xi32>], vector<16xf32>,
        %get3A_613 = arith.constant 7 : i32
        %get3A_614 = arith.index_cast %get3A_613 : i32 to index
        %get3A_615 = arith.constant 80 : index
        %get3A_616 = tpu.vector_load %arg8[%get3A_614, %get3A_615] {strides = array<i32>} : memref<16x128xi32, #tpu.memory_space<vmem>>, vector<16xi32>,
        %get3A_617 = arith.constant 7 : i32
        %get3A_618 = arith.index_cast %get3A_617 : i32 to index
        %get3A_619 = arith.constant 80 : index
        %get3A_620 = tpu.vector_load %arg10[%get3A_618, %get3A_619] {strides = array<i32>} : memref<16x128xf32, #tpu.memory_space<vmem>>, vector<16xf32>,
        tpu.vector_store_idx %arg6[%get3A_616], %get3A_620 {add = true} : memref<100096xf32, #tpu.memory_space<vmem>>[vector<16xi32>], vector<16xf32>,
        %get3A_621 = arith.constant 7 : i32
        %get3A_622 = arith.index_cast %get3A_621 : i32 to index
        %get3A_623 = arith.constant 96 : index
        %get3A_624 = tpu.vector_load %arg8[%get3A_622, %get3A_623] {strides = array<i32>} : memref<16x128xi32, #tpu.memory_space<vmem>>, vector<16xi32>,
        %get3A_625 = arith.constant 7 : i32
        %get3A_626 = arith.index_cast %get3A_625 : i32 to index
        %get3A_627 = arith.constant 96 : index
        %get3A_628 = tpu.vector_load %arg10[%get3A_626, %get3A_627] {strides = array<i32>} : memref<16x128xf32, #tpu.memory_space<vmem>>, vector<16xf32>,
        tpu.vector_store_idx %arg6[%get3A_624], %get3A_628 {add = true} : memref<100096xf32, #tpu.memory_space<vmem>>[vector<16xi32>], vector<16xf32>,
        %get3A_629 = arith.constant 7 : i32
        %get3A_630 = arith.index_cast %get3A_629 : i32 to index
        %get3A_631 = arith.constant 112 : index
        %get3A_632 = tpu.vector_load %arg8[%get3A_630, %get3A_631] {strides = array<i32>} : memref<16x128xi32, #tpu.memory_space<vmem>>, vector<16xi32>,
        %get3A_633 = arith.constant 7 : i32
        %get3A_634 = arith.index_cast %get3A_633 : i32 to index
        %get3A_635 = arith.constant 112 : index
        %get3A_636 = tpu.vector_load %arg10[%get3A_634, %get3A_635] {strides = array<i32>} : memref<16x128xf32, #tpu.memory_space<vmem>>, vector<16xf32>,
        tpu.vector_store_idx %arg6[%get3A_632], %get3A_636 {add = true} : memref<100096xf32, #tpu.memory_space<vmem>>[vector<16xi32>], vector<16xf32>,
        %get3A_637 = arith.constant 8 : i32
        %get3A_638 = arith.index_cast %get3A_637 : i32 to index
        %get3A_639 = arith.constant 0 : index
        %get3A_640 = tpu.vector_load %arg8[%get3A_638, %get3A_639] {strides = array<i32>} : memref<16x128xi32, #tpu.memory_space<vmem>>, vector<16xi32>,
        %get3A_641 = arith.constant 8 : i32
        %get3A_642 = arith.index_cast %get3A_641 : i32 to index
        %get3A_643 = arith.constant 0 : index
        %get3A_644 = tpu.vector_load %arg10[%get3A_642, %get3A_643] {strides = array<i32>} : memref<16x128xf32, #tpu.memory_space<vmem>>, vector<16xf32>,
        tpu.vector_store_idx %arg6[%get3A_640], %get3A_644 {add = true} : memref<100096xf32, #tpu.memory_space<vmem>>[vector<16xi32>], vector<16xf32>,
        %get3A_645 = arith.constant 8 : i32
        %get3A_646 = arith.index_cast %get3A_645 : i32 to index
        %get3A_647 = arith.constant 16 : index
        %get3A_648 = tpu.vector_load %arg8[%get3A_646, %get3A_647] {strides = array<i32>} : memref<16x128xi32, #tpu.memory_space<vmem>>, vector<16xi32>,
        %get3A_649 = arith.constant 8 : i32
        %get3A_650 = arith.index_cast %get3A_649 : i32 to index
        %get3A_651 = arith.constant 16 : index
        %get3A_652 = tpu.vector_load %arg10[%get3A_650, %get3A_651] {strides = array<i32>} : memref<16x128xf32, #tpu.memory_space<vmem>>, vector<16xf32>,
        tpu.vector_store_idx %arg6[%get3A_648], %get3A_652 {add = true} : memref<100096xf32, #tpu.memory_space<vmem>>[vector<16xi32>], vector<16xf32>,
        %get3A_653 = arith.constant 8 : i32
        %get3A_654 = arith.index_cast %get3A_653 : i32 to index
        %get3A_655 = arith.constant 32 : index
        %get3A_656 = tpu.vector_load %arg8[%get3A_654, %get3A_655] {strides = array<i32>} : memref<16x128xi32, #tpu.memory_space<vmem>>, vector<16xi32>,
        %get3A_657 = arith.constant 8 : i32
        %get3A_658 = arith.index_cast %get3A_657 : i32 to index
        %get3A_659 = arith.constant 32 : index
        %get3A_660 = tpu.vector_load %arg10[%get3A_658, %get3A_659] {strides = array<i32>} : memref<16x128xf32, #tpu.memory_space<vmem>>, vector<16xf32>,
        tpu.vector_store_idx %arg6[%get3A_656], %get3A_660 {add = true} : memref<100096xf32, #tpu.memory_space<vmem>>[vector<16xi32>], vector<16xf32>,
        %get3A_661 = arith.constant 8 : i32
        %get3A_662 = arith.index_cast %get3A_661 : i32 to index
        %get3A_663 = arith.constant 48 : index
        %get3A_664 = tpu.vector_load %arg8[%get3A_662, %get3A_663] {strides = array<i32>} : memref<16x128xi32, #tpu.memory_space<vmem>>, vector<16xi32>,
        %get3A_665 = arith.constant 8 : i32
        %get3A_666 = arith.index_cast %get3A_665 : i32 to index
        %get3A_667 = arith.constant 48 : index
        %get3A_668 = tpu.vector_load %arg10[%get3A_666, %get3A_667] {strides = array<i32>} : memref<16x128xf32, #tpu.memory_space<vmem>>, vector<16xf32>,
        tpu.vector_store_idx %arg6[%get3A_664], %get3A_668 {add = true} : memref<100096xf32, #tpu.memory_space<vmem>>[vector<16xi32>], vector<16xf32>,
        %get3A_669 = arith.constant 8 : i32
        %get3A_670 = arith.index_cast %get3A_669 : i32 to index
        %get3A_671 = arith.constant 64 : index
        %get3A_672 = tpu.vector_load %arg8[%get3A_670, %get3A_671] {strides = array<i32>} : memref<16x128xi32, #tpu.memory_space<vmem>>, vector<16xi32>,
        %get3A_673 = arith.constant 8 : i32
        %get3A_674 = arith.index_cast %get3A_673 : i32 to index
        %get3A_675 = arith.constant 64 : index
        %get3A_676 = tpu.vector_load %arg10[%get3A_674, %get3A_675] {strides = array<i32>} : memref<16x128xf32, #tpu.memory_space<vmem>>, vector<16xf32>,
        tpu.vector_store_idx %arg6[%get3A_672], %get3A_676 {add = true} : memref<100096xf32, #tpu.memory_space<vmem>>[vector<16xi32>], vector<16xf32>,
        %get3A_677 = arith.constant 8 : i32
        %get3A_678 = arith.index_cast %get3A_677 : i32 to index
        %get3A_679 = arith.constant 80 : index
        %get3A_680 = tpu.vector_load %arg8[%get3A_678, %get3A_679] {strides = array<i32>} : memref<16x128xi32, #tpu.memory_space<vmem>>, vector<16xi32>,
        %get3A_681 = arith.constant 8 : i32
        %get3A_682 = arith.index_cast %get3A_681 : i32 to index
        %get3A_683 = arith.constant 80 : index
        %get3A_684 = tpu.vector_load %arg10[%get3A_682, %get3A_683] {strides = array<i32>} : memref<16x128xf32, #tpu.memory_space<vmem>>, vector<16xf32>,
        tpu.vector_store_idx %arg6[%get3A_680], %get3A_684 {add = true} : memref<100096xf32, #tpu.memory_space<vmem>>[vector<16xi32>], vector<16xf32>,
        %get3A_685 = arith.constant 8 : i32
        %get3A_686 = arith.index_cast %get3A_685 : i32 to index
        %get3A_687 = arith.constant 96 : index
        %get3A_688 = tpu.vector_load %arg8[%get3A_686, %get3A_687] {strides = array<i32>} : memref<16x128xi32, #tpu.memory_space<vmem>>, vector<16xi32>,
        %get3A_689 = arith.constant 8 : i32
        %get3A_690 = arith.index_cast %get3A_689 : i32 to index
        %get3A_691 = arith.constant 96 : index
        %get3A_692 = tpu.vector_load %arg10[%get3A_690, %get3A_691] {strides = array<i32>} : memref<16x128xf32, #tpu.memory_space<vmem>>, vector<16xf32>,
        tpu.vector_store_idx %arg6[%get3A_688], %get3A_692 {add = true} : memref<100096xf32, #tpu.memory_space<vmem>>[vector<16xi32>], vector<16xf32>,
        %get3A_693 = arith.constant 8 : i32
        %get3A_694 = arith.index_cast %get3A_693 : i32 to index
        %get3A_695 = arith.constant 112 : index
        %get3A_696 = tpu.vector_load %arg8[%get3A_694, %get3A_695] {strides = array<i32>} : memref<16x128xi32, #tpu.memory_space<vmem>>, vector<16xi32>,
        %get3A_697 = arith.constant 8 : i32
        %get3A_698 = arith.index_cast %get3A_697 : i32 to index
        %get3A_699 = arith.constant 112 : index
        %get3A_700 = tpu.vector_load %arg10[%get3A_698, %get3A_699] {strides = array<i32>} : memref<16x128xf32, #tpu.memory_space<vmem>>, vector<16xf32>,
        tpu.vector_store_idx %arg6[%get3A_696], %get3A_700 {add = true} : memref<100096xf32, #tpu.memory_space<vmem>>[vector<16xi32>], vector<16xf32>,
        %get3A_701 = arith.constant 9 : i32
        %get3A_702 = arith.index_cast %get3A_701 : i32 to index
        %get3A_703 = arith.constant 0 : index
        %get3A_704 = tpu.vector_load %arg8[%get3A_702, %get3A_703] {strides = array<i32>} : memref<16x128xi32, #tpu.memory_space<vmem>>, vector<16xi32>,
        %get3A_705 = arith.constant 9 : i32
        %get3A_706 = arith.index_cast %get3A_705 : i32 to index
        %get3A_707 = arith.constant 0 : index
        %get3A_708 = tpu.vector_load %arg10[%get3A_706, %get3A_707] {strides = array<i32>} : memref<16x128xf32, #tpu.memory_space<vmem>>, vector<16xf32>,
        tpu.vector_store_idx %arg6[%get3A_704], %get3A_708 {add = true} : memref<100096xf32, #tpu.memory_space<vmem>>[vector<16xi32>], vector<16xf32>,
        %get3A_709 = arith.constant 9 : i32
        %get3A_710 = arith.index_cast %get3A_709 : i32 to index
        %get3A_711 = arith.constant 16 : index
        %get3A_712 = tpu.vector_load %arg8[%get3A_710, %get3A_711] {strides = array<i32>} : memref<16x128xi32, #tpu.memory_space<vmem>>, vector<16xi32>,
        %get3A_713 = arith.constant 9 : i32
        %get3A_714 = arith.index_cast %get3A_713 : i32 to index
        %get3A_715 = arith.constant 16 : index
        %get3A_716 = tpu.vector_load %arg10[%get3A_714, %get3A_715] {strides = array<i32>} : memref<16x128xf32, #tpu.memory_space<vmem>>, vector<16xf32>,
        tpu.vector_store_idx %arg6[%get3A_712], %get3A_716 {add = true} : memref<100096xf32, #tpu.memory_space<vmem>>[vector<16xi32>], vector<16xf32>,
        %get3A_717 = arith.constant 9 : i32
        %get3A_718 = arith.index_cast %get3A_717 : i32 to index
        %get3A_719 = arith.constant 32 : index
        %get3A_720 = tpu.vector_load %arg8[%get3A_718, %get3A_719] {strides = array<i32>} : memref<16x128xi32, #tpu.memory_space<vmem>>, vector<16xi32>,
        %get3A_721 = arith.constant 9 : i32
        %get3A_722 = arith.index_cast %get3A_721 : i32 to index
        %get3A_723 = arith.constant 32 : index
        %get3A_724 = tpu.vector_load %arg10[%get3A_722, %get3A_723] {strides = array<i32>} : memref<16x128xf32, #tpu.memory_space<vmem>>, vector<16xf32>,
        tpu.vector_store_idx %arg6[%get3A_720], %get3A_724 {add = true} : memref<100096xf32, #tpu.memory_space<vmem>>[vector<16xi32>], vector<16xf32>,
        %get3A_725 = arith.constant 9 : i32
        %get3A_726 = arith.index_cast %get3A_725 : i32 to index
        %get3A_727 = arith.constant 48 : index
        %get3A_728 = tpu.vector_load %arg8[%get3A_726, %get3A_727] {strides = array<i32>} : memref<16x128xi32, #tpu.memory_space<vmem>>, vector<16xi32>,
        %get3A_729 = arith.constant 9 : i32
        %get3A_730 = arith.index_cast %get3A_729 : i32 to index
        %get3A_731 = arith.constant 48 : index
        %get3A_732 = tpu.vector_load %arg10[%get3A_730, %get3A_731] {strides = array<i32>} : memref<16x128xf32, #tpu.memory_space<vmem>>, vector<16xf32>,
        tpu.vector_store_idx %arg6[%get3A_728], %get3A_732 {add = true} : memref<100096xf32, #tpu.memory_space<vmem>>[vector<16xi32>], vector<16xf32>,
        %get3A_733 = arith.constant 9 : i32
        %get3A_734 = arith.index_cast %get3A_733 : i32 to index
        %get3A_735 = arith.constant 64 : index
        %get3A_736 = tpu.vector_load %arg8[%get3A_734, %get3A_735] {strides = array<i32>} : memref<16x128xi32, #tpu.memory_space<vmem>>, vector<16xi32>,
        %get3A_737 = arith.constant 9 : i32
        %get3A_738 = arith.index_cast %get3A_737 : i32 to index
        %get3A_739 = arith.constant 64 : index
        %get3A_740 = tpu.vector_load %arg10[%get3A_738, %get3A_739] {strides = array<i32>} : memref<16x128xf32, #tpu.memory_space<vmem>>, vector<16xf32>,
        tpu.vector_store_idx %arg6[%get3A_736], %get3A_740 {add = true} : memref<100096xf32, #tpu.memory_space<vmem>>[vector<16xi32>], vector<16xf32>,
        %get3A_741 = arith.constant 9 : i32
        %get3A_742 = arith.index_cast %get3A_741 : i32 to index
        %get3A_743 = arith.constant 80 : index
        %get3A_744 = tpu.vector_load %arg8[%get3A_742, %get3A_743] {strides = array<i32>} : memref<16x128xi32, #tpu.memory_space<vmem>>, vector<16xi32>,
        %get3A_745 = arith.constant 9 : i32
        %get3A_746 = arith.index_cast %get3A_745 : i32 to index
        %get3A_747 = arith.constant 80 : index
        %get3A_748 = tpu.vector_load %arg10[%get3A_746, %get3A_747] {strides = array<i32>} : memref<16x128xf32, #tpu.memory_space<vmem>>, vector<16xf32>,
        tpu.vector_store_idx %arg6[%get3A_744], %get3A_748 {add = true} : memref<100096xf32, #tpu.memory_space<vmem>>[vector<16xi32>], vector<16xf32>,
        %get3A_749 = arith.constant 9 : i32
        %get3A_750 = arith.index_cast %get3A_749 : i32 to index
        %get3A_751 = arith.constant 96 : index
        %get3A_752 = tpu.vector_load %arg8[%get3A_750, %get3A_751] {strides = array<i32>} : memref<16x128xi32, #tpu.memory_space<vmem>>, vector<16xi32>,
        %get3A_753 = arith.constant 9 : i32
        %get3A_754 = arith.index_cast %get3A_753 : i32 to index
        %get3A_755 = arith.constant 96 : index
        %get3A_756 = tpu.vector_load %arg10[%get3A_754, %get3A_755] {strides = array<i32>} : memref<16x128xf32, #tpu.memory_space<vmem>>, vector<16xf32>,
        tpu.vector_store_idx %arg6[%get3A_752], %get3A_756 {add = true} : memref<100096xf32, #tpu.memory_space<vmem>>[vector<16xi32>], vector<16xf32>,
        %get3A_757 = arith.constant 9 : i32
        %get3A_758 = arith.index_cast %get3A_757 : i32 to index
        %get3A_759 = arith.constant 112 : index
        %get3A_760 = tpu.vector_load %arg8[%get3A_758, %get3A_759] {strides = array<i32>} : memref<16x128xi32, #tpu.memory_space<vmem>>, vector<16xi32>,
        %get3A_761 = arith.constant 9 : i32
        %get3A_762 = arith.index_cast %get3A_761 : i32 to index
        %get3A_763 = arith.constant 112 : index
        %get3A_764 = tpu.vector_load %arg10[%get3A_762, %get3A_763] {strides = array<i32>} : memref<16x128xf32, #tpu.memory_space<vmem>>, vector<16xf32>,
        tpu.vector_store_idx %arg6[%get3A_760], %get3A_764 {add = true} : memref<100096xf32, #tpu.memory_space<vmem>>[vector<16xi32>], vector<16xf32>,
        %get3A_765 = arith.constant 10 : i32
        %get3A_766 = arith.index_cast %get3A_765 : i32 to index
        %get3A_767 = arith.constant 0 : index
        %get3A_768 = tpu.vector_load %arg8[%get3A_766, %get3A_767] {strides = array<i32>} : memref<16x128xi32, #tpu.memory_space<vmem>>, vector<16xi32>,
        %get3A_769 = arith.constant 10 : i32
        %get3A_770 = arith.index_cast %get3A_769 : i32 to index
        %get3A_771 = arith.constant 0 : index
        %get3A_772 = tpu.vector_load %arg10[%get3A_770, %get3A_771] {strides = array<i32>} : memref<16x128xf32, #tpu.memory_space<vmem>>, vector<16xf32>,
        tpu.vector_store_idx %arg6[%get3A_768], %get3A_772 {add = true} : memref<100096xf32, #tpu.memory_space<vmem>>[vector<16xi32>], vector<16xf32>,
        %get3A_773 = arith.constant 10 : i32
        %get3A_774 = arith.index_cast %get3A_773 : i32 to index
        %get3A_775 = arith.constant 16 : index
        %get3A_776 = tpu.vector_load %arg8[%get3A_774, %get3A_775] {strides = array<i32>} : memref<16x128xi32, #tpu.memory_space<vmem>>, vector<16xi32>,
        %get3A_777 = arith.constant 10 : i32
        %get3A_778 = arith.index_cast %get3A_777 : i32 to index
        %get3A_779 = arith.constant 16 : index
        %get3A_780 = tpu.vector_load %arg10[%get3A_778, %get3A_779] {strides = array<i32>} : memref<16x128xf32, #tpu.memory_space<vmem>>, vector<16xf32>,
        tpu.vector_store_idx %arg6[%get3A_776], %get3A_780 {add = true} : memref<100096xf32, #tpu.memory_space<vmem>>[vector<16xi32>], vector<16xf32>,
        %get3A_781 = arith.constant 10 : i32
        %get3A_782 = arith.index_cast %get3A_781 : i32 to index
        %get3A_783 = arith.constant 32 : index
        %get3A_784 = tpu.vector_load %arg8[%get3A_782, %get3A_783] {strides = array<i32>} : memref<16x128xi32, #tpu.memory_space<vmem>>, vector<16xi32>,
        %get3A_785 = arith.constant 10 : i32
        %get3A_786 = arith.index_cast %get3A_785 : i32 to index
        %get3A_787 = arith.constant 32 : index
        %get3A_788 = tpu.vector_load %arg10[%get3A_786, %get3A_787] {strides = array<i32>} : memref<16x128xf32, #tpu.memory_space<vmem>>, vector<16xf32>,
        tpu.vector_store_idx %arg6[%get3A_784], %get3A_788 {add = true} : memref<100096xf32, #tpu.memory_space<vmem>>[vector<16xi32>], vector<16xf32>,
        %get3A_789 = arith.constant 10 : i32
        %get3A_790 = arith.index_cast %get3A_789 : i32 to index
        %get3A_791 = arith.constant 48 : index
        %get3A_792 = tpu.vector_load %arg8[%get3A_790, %get3A_791] {strides = array<i32>} : memref<16x128xi32, #tpu.memory_space<vmem>>, vector<16xi32>,
        %get3A_793 = arith.constant 10 : i32
        %get3A_794 = arith.index_cast %get3A_793 : i32 to index
        %get3A_795 = arith.constant 48 : index
        %get3A_796 = tpu.vector_load %arg10[%get3A_794, %get3A_795] {strides = array<i32>} : memref<16x128xf32, #tpu.memory_space<vmem>>, vector<16xf32>,
        tpu.vector_store_idx %arg6[%get3A_792], %get3A_796 {add = true} : memref<100096xf32, #tpu.memory_space<vmem>>[vector<16xi32>], vector<16xf32>,
        %get3A_797 = arith.constant 10 : i32
        %get3A_798 = arith.index_cast %get3A_797 : i32 to index
        %get3A_799 = arith.constant 64 : index
        %get3A_800 = tpu.vector_load %arg8[%get3A_798, %get3A_799] {strides = array<i32>} : memref<16x128xi32, #tpu.memory_space<vmem>>, vector<16xi32>,
        %get3A_801 = arith.constant 10 : i32
        %get3A_802 = arith.index_cast %get3A_801 : i32 to index
        %get3A_803 = arith.constant 64 : index
        %get3A_804 = tpu.vector_load %arg10[%get3A_802, %get3A_803] {strides = array<i32>} : memref<16x128xf32, #tpu.memory_space<vmem>>, vector<16xf32>,
        tpu.vector_store_idx %arg6[%get3A_800], %get3A_804 {add = true} : memref<100096xf32, #tpu.memory_space<vmem>>[vector<16xi32>], vector<16xf32>,
        %get3A_805 = arith.constant 10 : i32
        %get3A_806 = arith.index_cast %get3A_805 : i32 to index
        %get3A_807 = arith.constant 80 : index
        %get3A_808 = tpu.vector_load %arg8[%get3A_806, %get3A_807] {strides = array<i32>} : memref<16x128xi32, #tpu.memory_space<vmem>>, vector<16xi32>,
        %get3A_809 = arith.constant 10 : i32
        %get3A_810 = arith.index_cast %get3A_809 : i32 to index
        %get3A_811 = arith.constant 80 : index
        %get3A_812 = tpu.vector_load %arg10[%get3A_810, %get3A_811] {strides = array<i32>} : memref<16x128xf32, #tpu.memory_space<vmem>>, vector<16xf32>,
        tpu.vector_store_idx %arg6[%get3A_808], %get3A_812 {add = true} : memref<100096xf32, #tpu.memory_space<vmem>>[vector<16xi32>], vector<16xf32>,
        %get3A_813 = arith.constant 10 : i32
        %get3A_814 = arith.index_cast %get3A_813 : i32 to index
        %get3A_815 = arith.constant 96 : index
        %get3A_816 = tpu.vector_load %arg8[%get3A_814, %get3A_815] {strides = array<i32>} : memref<16x128xi32, #tpu.memory_space<vmem>>, vector<16xi32>,
        %get3A_817 = arith.constant 10 : i32
        %get3A_818 = arith.index_cast %get3A_817 : i32 to index
        %get3A_819 = arith.constant 96 : index
        %get3A_820 = tpu.vector_load %arg10[%get3A_818, %get3A_819] {strides = array<i32>} : memref<16x128xf32, #tpu.memory_space<vmem>>, vector<16xf32>,
        tpu.vector_store_idx %arg6[%get3A_816], %get3A_820 {add = true} : memref<100096xf32, #tpu.memory_space<vmem>>[vector<16xi32>], vector<16xf32>,
        %get3A_821 = arith.constant 10 : i32
        %get3A_822 = arith.index_cast %get3A_821 : i32 to index
        %get3A_823 = arith.constant 112 : index
        %get3A_824 = tpu.vector_load %arg8[%get3A_822, %get3A_823] {strides = array<i32>} : memref<16x128xi32, #tpu.memory_space<vmem>>, vector<16xi32>,
        %get3A_825 = arith.constant 10 : i32
        %get3A_826 = arith.index_cast %get3A_825 : i32 to index
        %get3A_827 = arith.constant 112 : index
        %get3A_828 = tpu.vector_load %arg10[%get3A_826, %get3A_827] {strides = array<i32>} : memref<16x128xf32, #tpu.memory_space<vmem>>, vector<16xf32>,
        tpu.vector_store_idx %arg6[%get3A_824], %get3A_828 {add = true} : memref<100096xf32, #tpu.memory_space<vmem>>[vector<16xi32>], vector<16xf32>,
        %get3A_829 = arith.constant 11 : i32
        %get3A_830 = arith.index_cast %get3A_829 : i32 to index
        %get3A_831 = arith.constant 0 : index
        %get3A_832 = tpu.vector_load %arg8[%get3A_830, %get3A_831] {strides = array<i32>} : memref<16x128xi32, #tpu.memory_space<vmem>>, vector<16xi32>,
        %get3A_833 = arith.constant 11 : i32
        %get3A_834 = arith.index_cast %get3A_833 : i32 to index
        %get3A_835 = arith.constant 0 : index
        %get3A_836 = tpu.vector_load %arg10[%get3A_834, %get3A_835] {strides = array<i32>} : memref<16x128xf32, #tpu.memory_space<vmem>>, vector<16xf32>,
        tpu.vector_store_idx %arg6[%get3A_832], %get3A_836 {add = true} : memref<100096xf32, #tpu.memory_space<vmem>>[vector<16xi32>], vector<16xf32>,
        %get3A_837 = arith.constant 11 : i32
        %get3A_838 = arith.index_cast %get3A_837 : i32 to index
        %get3A_839 = arith.constant 16 : index
        %get3A_840 = tpu.vector_load %arg8[%get3A_838, %get3A_839] {strides = array<i32>} : memref<16x128xi32, #tpu.memory_space<vmem>>, vector<16xi32>,
        %get3A_841 = arith.constant 11 : i32
        %get3A_842 = arith.index_cast %get3A_841 : i32 to index
        %get3A_843 = arith.constant 16 : index
        %get3A_844 = tpu.vector_load %arg10[%get3A_842, %get3A_843] {strides = array<i32>} : memref<16x128xf32, #tpu.memory_space<vmem>>, vector<16xf32>,
        tpu.vector_store_idx %arg6[%get3A_840], %get3A_844 {add = true} : memref<100096xf32, #tpu.memory_space<vmem>>[vector<16xi32>], vector<16xf32>,
        %get3A_845 = arith.constant 11 : i32
        %get3A_846 = arith.index_cast %get3A_845 : i32 to index
        %get3A_847 = arith.constant 32 : index
        %get3A_848 = tpu.vector_load %arg8[%get3A_846, %get3A_847] {strides = array<i32>} : memref<16x128xi32, #tpu.memory_space<vmem>>, vector<16xi32>,
        %get3A_849 = arith.constant 11 : i32
        %get3A_850 = arith.index_cast %get3A_849 : i32 to index
        %get3A_851 = arith.constant 32 : index
        %get3A_852 = tpu.vector_load %arg10[%get3A_850, %get3A_851] {strides = array<i32>} : memref<16x128xf32, #tpu.memory_space<vmem>>, vector<16xf32>,
        tpu.vector_store_idx %arg6[%get3A_848], %get3A_852 {add = true} : memref<100096xf32, #tpu.memory_space<vmem>>[vector<16xi32>], vector<16xf32>,
        %get3A_853 = arith.constant 11 : i32
        %get3A_854 = arith.index_cast %get3A_853 : i32 to index
        %get3A_855 = arith.constant 48 : index
        %get3A_856 = tpu.vector_load %arg8[%get3A_854, %get3A_855] {strides = array<i32>} : memref<16x128xi32, #tpu.memory_space<vmem>>, vector<16xi32>,
        %get3A_857 = arith.constant 11 : i32
        %get3A_858 = arith.index_cast %get3A_857 : i32 to index
        %get3A_859 = arith.constant 48 : index
        %get3A_860 = tpu.vector_load %arg10[%get3A_858, %get3A_859] {strides = array<i32>} : memref<16x128xf32, #tpu.memory_space<vmem>>, vector<16xf32>,
        tpu.vector_store_idx %arg6[%get3A_856], %get3A_860 {add = true} : memref<100096xf32, #tpu.memory_space<vmem>>[vector<16xi32>], vector<16xf32>,
        %get3A_861 = arith.constant 11 : i32
        %get3A_862 = arith.index_cast %get3A_861 : i32 to index
        %get3A_863 = arith.constant 64 : index
        %get3A_864 = tpu.vector_load %arg8[%get3A_862, %get3A_863] {strides = array<i32>} : memref<16x128xi32, #tpu.memory_space<vmem>>, vector<16xi32>,
        %get3A_865 = arith.constant 11 : i32
        %get3A_866 = arith.index_cast %get3A_865 : i32 to index
        %get3A_867 = arith.constant 64 : index
        %get3A_868 = tpu.vector_load %arg10[%get3A_866, %get3A_867] {strides = array<i32>} : memref<16x128xf32, #tpu.memory_space<vmem>>, vector<16xf32>,
        tpu.vector_store_idx %arg6[%get3A_864], %get3A_868 {add = true} : memref<100096xf32, #tpu.memory_space<vmem>>[vector<16xi32>], vector<16xf32>,
        %get3A_869 = arith.constant 11 : i32
        %get3A_870 = arith.index_cast %get3A_869 : i32 to index
        %get3A_871 = arith.constant 80 : index
        %get3A_872 = tpu.vector_load %arg8[%get3A_870, %get3A_871] {strides = array<i32>} : memref<16x128xi32, #tpu.memory_space<vmem>>, vector<16xi32>,
        %get3A_873 = arith.constant 11 : i32
        %get3A_874 = arith.index_cast %get3A_873 : i32 to index
        %get3A_875 = arith.constant 80 : index
        %get3A_876 = tpu.vector_load %arg10[%get3A_874, %get3A_875] {strides = array<i32>} : memref<16x128xf32, #tpu.memory_space<vmem>>, vector<16xf32>,
        tpu.vector_store_idx %arg6[%get3A_872], %get3A_876 {add = true} : memref<100096xf32, #tpu.memory_space<vmem>>[vector<16xi32>], vector<16xf32>,
        %get3A_877 = arith.constant 11 : i32
        %get3A_878 = arith.index_cast %get3A_877 : i32 to index
        %get3A_879 = arith.constant 96 : index
        %get3A_880 = tpu.vector_load %arg8[%get3A_878, %get3A_879] {strides = array<i32>} : memref<16x128xi32, #tpu.memory_space<vmem>>, vector<16xi32>,
        %get3A_881 = arith.constant 11 : i32
        %get3A_882 = arith.index_cast %get3A_881 : i32 to index
        %get3A_883 = arith.constant 96 : index
        %get3A_884 = tpu.vector_load %arg10[%get3A_882, %get3A_883] {strides = array<i32>} : memref<16x128xf32, #tpu.memory_space<vmem>>, vector<16xf32>,
        tpu.vector_store_idx %arg6[%get3A_880], %get3A_884 {add = true} : memref<100096xf32, #tpu.memory_space<vmem>>[vector<16xi32>], vector<16xf32>,
        %get3A_885 = arith.constant 11 : i32
        %get3A_886 = arith.index_cast %get3A_885 : i32 to index
        %get3A_887 = arith.constant 112 : index
        %get3A_888 = tpu.vector_load %arg8[%get3A_886, %get3A_887] {strides = array<i32>} : memref<16x128xi32, #tpu.memory_space<vmem>>, vector<16xi32>,
        %get3A_889 = arith.constant 11 : i32
        %get3A_890 = arith.index_cast %get3A_889 : i32 to index
        %get3A_891 = arith.constant 112 : index
        %get3A_892 = tpu.vector_load %arg10[%get3A_890, %get3A_891] {strides = array<i32>} : memref<16x128xf32, #tpu.memory_space<vmem>>, vector<16xf32>,
        tpu.vector_store_idx %arg6[%get3A_888], %get3A_892 {add = true} : memref<100096xf32, #tpu.memory_space<vmem>>[vector<16xi32>], vector<16xf32>,
        %get3A_893 = arith.constant 12 : i32
        %get3A_894 = arith.index_cast %get3A_893 : i32 to index
        %get3A_895 = arith.constant 0 : index
        %get3A_896 = tpu.vector_load %arg8[%get3A_894, %get3A_895] {strides = array<i32>} : memref<16x128xi32, #tpu.memory_space<vmem>>, vector<16xi32>,
        %get3A_897 = arith.constant 12 : i32
        %get3A_898 = arith.index_cast %get3A_897 : i32 to index
        %get3A_899 = arith.constant 0 : index
        %get3A_900 = tpu.vector_load %arg10[%get3A_898, %get3A_899] {strides = array<i32>} : memref<16x128xf32, #tpu.memory_space<vmem>>, vector<16xf32>,
        tpu.vector_store_idx %arg6[%get3A_896], %get3A_900 {add = true} : memref<100096xf32, #tpu.memory_space<vmem>>[vector<16xi32>], vector<16xf32>,
        %get3A_901 = arith.constant 12 : i32
        %get3A_902 = arith.index_cast %get3A_901 : i32 to index
        %get3A_903 = arith.constant 16 : index
        %get3A_904 = tpu.vector_load %arg8[%get3A_902, %get3A_903] {strides = array<i32>} : memref<16x128xi32, #tpu.memory_space<vmem>>, vector<16xi32>,
        %get3A_905 = arith.constant 12 : i32
        %get3A_906 = arith.index_cast %get3A_905 : i32 to index
        %get3A_907 = arith.constant 16 : index
        %get3A_908 = tpu.vector_load %arg10[%get3A_906, %get3A_907] {strides = array<i32>} : memref<16x128xf32, #tpu.memory_space<vmem>>, vector<16xf32>,
        tpu.vector_store_idx %arg6[%get3A_904], %get3A_908 {add = true} : memref<100096xf32, #tpu.memory_space<vmem>>[vector<16xi32>], vector<16xf32>,
        %get3A_909 = arith.constant 12 : i32
        %get3A_910 = arith.index_cast %get3A_909 : i32 to index
        %get3A_911 = arith.constant 32 : index
        %get3A_912 = tpu.vector_load %arg8[%get3A_910, %get3A_911] {strides = array<i32>} : memref<16x128xi32, #tpu.memory_space<vmem>>, vector<16xi32>,
        %get3A_913 = arith.constant 12 : i32
        %get3A_914 = arith.index_cast %get3A_913 : i32 to index
        %get3A_915 = arith.constant 32 : index
        %get3A_916 = tpu.vector_load %arg10[%get3A_914, %get3A_915] {strides = array<i32>} : memref<16x128xf32, #tpu.memory_space<vmem>>, vector<16xf32>,
        tpu.vector_store_idx %arg6[%get3A_912], %get3A_916 {add = true} : memref<100096xf32, #tpu.memory_space<vmem>>[vector<16xi32>], vector<16xf32>,
        %get3A_917 = arith.constant 12 : i32
        %get3A_918 = arith.index_cast %get3A_917 : i32 to index
        %get3A_919 = arith.constant 48 : index
        %get3A_920 = tpu.vector_load %arg8[%get3A_918, %get3A_919] {strides = array<i32>} : memref<16x128xi32, #tpu.memory_space<vmem>>, vector<16xi32>,
        %get3A_921 = arith.constant 12 : i32
        %get3A_922 = arith.index_cast %get3A_921 : i32 to index
        %get3A_923 = arith.constant 48 : index
        %get3A_924 = tpu.vector_load %arg10[%get3A_922, %get3A_923] {strides = array<i32>} : memref<16x128xf32, #tpu.memory_space<vmem>>, vector<16xf32>,
        tpu.vector_store_idx %arg6[%get3A_920], %get3A_924 {add = true} : memref<100096xf32, #tpu.memory_space<vmem>>[vector<16xi32>], vector<16xf32>,
        %get3A_925 = arith.constant 12 : i32
        %get3A_926 = arith.index_cast %get3A_925 : i32 to index
        %get3A_927 = arith.constant 64 : index
        %get3A_928 = tpu.vector_load %arg8[%get3A_926, %get3A_927] {strides = array<i32>} : memref<16x128xi32, #tpu.memory_space<vmem>>, vector<16xi32>,
        %get3A_929 = arith.constant 12 : i32
        %get3A_930 = arith.index_cast %get3A_929 : i32 to index
        %get3A_931 = arith.constant 64 : index
        %get3A_932 = tpu.vector_load %arg10[%get3A_930, %get3A_931] {strides = array<i32>} : memref<16x128xf32, #tpu.memory_space<vmem>>, vector<16xf32>,
        tpu.vector_store_idx %arg6[%get3A_928], %get3A_932 {add = true} : memref<100096xf32, #tpu.memory_space<vmem>>[vector<16xi32>], vector<16xf32>,
        %get3A_933 = arith.constant 12 : i32
        %get3A_934 = arith.index_cast %get3A_933 : i32 to index
        %get3A_935 = arith.constant 80 : index
        %get3A_936 = tpu.vector_load %arg8[%get3A_934, %get3A_935] {strides = array<i32>} : memref<16x128xi32, #tpu.memory_space<vmem>>, vector<16xi32>,
        %get3A_937 = arith.constant 12 : i32
        %get3A_938 = arith.index_cast %get3A_937 : i32 to index
        %get3A_939 = arith.constant 80 : index
        %get3A_940 = tpu.vector_load %arg10[%get3A_938, %get3A_939] {strides = array<i32>} : memref<16x128xf32, #tpu.memory_space<vmem>>, vector<16xf32>,
        tpu.vector_store_idx %arg6[%get3A_936], %get3A_940 {add = true} : memref<100096xf32, #tpu.memory_space<vmem>>[vector<16xi32>], vector<16xf32>,
        %get3A_941 = arith.constant 12 : i32
        %get3A_942 = arith.index_cast %get3A_941 : i32 to index
        %get3A_943 = arith.constant 96 : index
        %get3A_944 = tpu.vector_load %arg8[%get3A_942, %get3A_943] {strides = array<i32>} : memref<16x128xi32, #tpu.memory_space<vmem>>, vector<16xi32>,
        %get3A_945 = arith.constant 12 : i32
        %get3A_946 = arith.index_cast %get3A_945 : i32 to index
        %get3A_947 = arith.constant 96 : index
        %get3A_948 = tpu.vector_load %arg10[%get3A_946, %get3A_947] {strides = array<i32>} : memref<16x128xf32, #tpu.memory_space<vmem>>, vector<16xf32>,
        tpu.vector_store_idx %arg6[%get3A_944], %get3A_948 {add = true} : memref<100096xf32, #tpu.memory_space<vmem>>[vector<16xi32>], vector<16xf32>,
        %get3A_949 = arith.constant 12 : i32
        %get3A_950 = arith.index_cast %get3A_949 : i32 to index
        %get3A_951 = arith.constant 112 : index
        %get3A_952 = tpu.vector_load %arg8[%get3A_950, %get3A_951] {strides = array<i32>} : memref<16x128xi32, #tpu.memory_space<vmem>>, vector<16xi32>,
        %get3A_953 = arith.constant 12 : i32
        %get3A_954 = arith.index_cast %get3A_953 : i32 to index
        %get3A_955 = arith.constant 112 : index
        %get3A_956 = tpu.vector_load %arg10[%get3A_954, %get3A_955] {strides = array<i32>} : memref<16x128xf32, #tpu.memory_space<vmem>>, vector<16xf32>,
        tpu.vector_store_idx %arg6[%get3A_952], %get3A_956 {add = true} : memref<100096xf32, #tpu.memory_space<vmem>>[vector<16xi32>], vector<16xf32>,
        %get3A_957 = arith.constant 13 : i32
        %get3A_958 = arith.index_cast %get3A_957 : i32 to index
        %get3A_959 = arith.constant 0 : index
        %get3A_960 = tpu.vector_load %arg8[%get3A_958, %get3A_959] {strides = array<i32>} : memref<16x128xi32, #tpu.memory_space<vmem>>, vector<16xi32>,
        %get3A_961 = arith.constant 13 : i32
        %get3A_962 = arith.index_cast %get3A_961 : i32 to index
        %get3A_963 = arith.constant 0 : index
        %get3A_964 = tpu.vector_load %arg10[%get3A_962, %get3A_963] {strides = array<i32>} : memref<16x128xf32, #tpu.memory_space<vmem>>, vector<16xf32>,
        tpu.vector_store_idx %arg6[%get3A_960], %get3A_964 {add = true} : memref<100096xf32, #tpu.memory_space<vmem>>[vector<16xi32>], vector<16xf32>,
        %get3A_965 = arith.constant 13 : i32
        %get3A_966 = arith.index_cast %get3A_965 : i32 to index
        %get3A_967 = arith.constant 16 : index
        %get3A_968 = tpu.vector_load %arg8[%get3A_966, %get3A_967] {strides = array<i32>} : memref<16x128xi32, #tpu.memory_space<vmem>>, vector<16xi32>,
        %get3A_969 = arith.constant 13 : i32
        %get3A_970 = arith.index_cast %get3A_969 : i32 to index
        %get3A_971 = arith.constant 16 : index
        %get3A_972 = tpu.vector_load %arg10[%get3A_970, %get3A_971] {strides = array<i32>} : memref<16x128xf32, #tpu.memory_space<vmem>>, vector<16xf32>,
        tpu.vector_store_idx %arg6[%get3A_968], %get3A_972 {add = true} : memref<100096xf32, #tpu.memory_space<vmem>>[vector<16xi32>], vector<16xf32>,
        %get3A_973 = arith.constant 13 : i32
        %get3A_974 = arith.index_cast %get3A_973 : i32 to index
        %get3A_975 = arith.constant 32 : index
        %get3A_976 = tpu.vector_load %arg8[%get3A_974, %get3A_975] {strides = array<i32>} : memref<16x128xi32, #tpu.memory_space<vmem>>, vector<16xi32>,
        %get3A_977 = arith.constant 13 : i32
        %get3A_978 = arith.index_cast %get3A_977 : i32 to index
        %get3A_979 = arith.constant 32 : index
        %get3A_980 = tpu.vector_load %arg10[%get3A_978, %get3A_979] {strides = array<i32>} : memref<16x128xf32, #tpu.memory_space<vmem>>, vector<16xf32>,
        tpu.vector_store_idx %arg6[%get3A_976], %get3A_980 {add = true} : memref<100096xf32, #tpu.memory_space<vmem>>[vector<16xi32>], vector<16xf32>,
        %get3A_981 = arith.constant 13 : i32
        %get3A_982 = arith.index_cast %get3A_981 : i32 to index
        %get3A_983 = arith.constant 48 : index
        %get3A_984 = tpu.vector_load %arg8[%get3A_982, %get3A_983] {strides = array<i32>} : memref<16x128xi32, #tpu.memory_space<vmem>>, vector<16xi32>,
        %get3A_985 = arith.constant 13 : i32
        %get3A_986 = arith.index_cast %get3A_985 : i32 to index
        %get3A_987 = arith.constant 48 : index
        %get3A_988 = tpu.vector_load %arg10[%get3A_986, %get3A_987] {strides = array<i32>} : memref<16x128xf32, #tpu.memory_space<vmem>>, vector<16xf32>,
        tpu.vector_store_idx %arg6[%get3A_984], %get3A_988 {add = true} : memref<100096xf32, #tpu.memory_space<vmem>>[vector<16xi32>], vector<16xf32>,
        %get3A_989 = arith.constant 13 : i32
        %get3A_990 = arith.index_cast %get3A_989 : i32 to index
        %get3A_991 = arith.constant 64 : index
        %get3A_992 = tpu.vector_load %arg8[%get3A_990, %get3A_991] {strides = array<i32>} : memref<16x128xi32, #tpu.memory_space<vmem>>, vector<16xi32>,
        %get3A_993 = arith.constant 13 : i32
        %get3A_994 = arith.index_cast %get3A_993 : i32 to index
        %get3A_995 = arith.constant 64 : index
        %get3A_996 = tpu.vector_load %arg10[%get3A_994, %get3A_995] {strides = array<i32>} : memref<16x128xf32, #tpu.memory_space<vmem>>, vector<16xf32>,
        tpu.vector_store_idx %arg6[%get3A_992], %get3A_996 {add = true} : memref<100096xf32, #tpu.memory_space<vmem>>[vector<16xi32>], vector<16xf32>,
        %get3A_997 = arith.constant 13 : i32
        %get3A_998 = arith.index_cast %get3A_997 : i32 to index
        %get3A_999 = arith.constant 80 : index
        %get3A_1000 = tpu.vector_load %arg8[%get3A_998, %get3A_999] {strides = array<i32>} : memref<16x128xi32, #tpu.memory_space<vmem>>, vector<16xi32>,
        %get3A_1001 = arith.constant 13 : i32
        %get3A_1002 = arith.index_cast %get3A_1001 : i32 to index
        %get3A_1003 = arith.constant 80 : index
        %get3A_1004 = tpu.vector_load %arg10[%get3A_1002, %get3A_1003] {strides = array<i32>} : memref<16x128xf32, #tpu.memory_space<vmem>>, vector<16xf32>,
        tpu.vector_store_idx %arg6[%get3A_1000], %get3A_1004 {add = true} : memref<100096xf32, #tpu.memory_space<vmem>>[vector<16xi32>], vector<16xf32>,
        %get3A_1005 = arith.constant 13 : i32
        %get3A_1006 = arith.index_cast %get3A_1005 : i32 to index
        %get3A_1007 = arith.constant 96 : index
        %get3A_1008 = tpu.vector_load %arg8[%get3A_1006, %get3A_1007] {strides = array<i32>} : memref<16x128xi32, #tpu.memory_space<vmem>>, vector<16xi32>,
        %get3A_1009 = arith.constant 13 : i32
        %get3A_1010 = arith.index_cast %get3A_1009 : i32 to index
        %get3A_1011 = arith.constant 96 : index
        %get3A_1012 = tpu.vector_load %arg10[%get3A_1010, %get3A_1011] {strides = array<i32>} : memref<16x128xf32, #tpu.memory_space<vmem>>, vector<16xf32>,
        tpu.vector_store_idx %arg6[%get3A_1008], %get3A_1012 {add = true} : memref<100096xf32, #tpu.memory_space<vmem>>[vector<16xi32>], vector<16xf32>,
        %get3A_1013 = arith.constant 13 : i32
        %get3A_1014 = arith.index_cast %get3A_1013 : i32 to index
        %get3A_1015 = arith.constant 112 : index
        %get3A_1016 = tpu.vector_load %arg8[%get3A_1014, %get3A_1015] {strides = array<i32>} : memref<16x128xi32, #tpu.memory_space<vmem>>, vector<16xi32>,
        %get3A_1017 = arith.constant 13 : i32
        %get3A_1018 = arith.index_cast %get3A_1017 : i32 to index
        %get3A_1019 = arith.constant 112 : index
        %get3A_1020 = tpu.vector_load %arg10[%get3A_1018, %get3A_1019] {strides = array<i32>} : memref<16x128xf32, #tpu.memory_space<vmem>>, vector<16xf32>,
        tpu.vector_store_idx %arg6[%get3A_1016], %get3A_1020 {add = true} : memref<100096xf32, #tpu.memory_space<vmem>>[vector<16xi32>], vector<16xf32>,
        %get3A_1021 = arith.constant 14 : i32
        %get3A_1022 = arith.index_cast %get3A_1021 : i32 to index
        %get3A_1023 = arith.constant 0 : index
        %get3A_1024 = tpu.vector_load %arg8[%get3A_1022, %get3A_1023] {strides = array<i32>} : memref<16x128xi32, #tpu.memory_space<vmem>>, vector<16xi32>,
        %get3A_1025 = arith.constant 14 : i32
        %get3A_1026 = arith.index_cast %get3A_1025 : i32 to index
        %get3A_1027 = arith.constant 0 : index
        %get3A_1028 = tpu.vector_load %arg10[%get3A_1026, %get3A_1027] {strides = array<i32>} : memref<16x128xf32, #tpu.memory_space<vmem>>, vector<16xf32>,
        tpu.vector_store_idx %arg6[%get3A_1024], %get3A_1028 {add = true} : memref<100096xf32, #tpu.memory_space<vmem>>[vector<16xi32>], vector<16xf32>,
        %get3A_1029 = arith.constant 14 : i32
        %get3A_1030 = arith.index_cast %get3A_1029 : i32 to index
        %get3A_1031 = arith.constant 16 : index
        %get3A_1032 = tpu.vector_load %arg8[%get3A_1030, %get3A_1031] {strides = array<i32>} : memref<16x128xi32, #tpu.memory_space<vmem>>, vector<16xi32>,
        %get3A_1033 = arith.constant 14 : i32
        %get3A_1034 = arith.index_cast %get3A_1033 : i32 to index
        %get3A_1035 = arith.constant 16 : index
        %get3A_1036 = tpu.vector_load %arg10[%get3A_1034, %get3A_1035] {strides = array<i32>} : memref<16x128xf32, #tpu.memory_space<vmem>>, vector<16xf32>,
        tpu.vector_store_idx %arg6[%get3A_1032], %get3A_1036 {add = true} : memref<100096xf32, #tpu.memory_space<vmem>>[vector<16xi32>], vector<16xf32>,
        %get3A_1037 = arith.constant 14 : i32
        %get3A_1038 = arith.index_cast %get3A_1037 : i32 to index
        %get3A_1039 = arith.constant 32 : index
        %get3A_1040 = tpu.vector_load %arg8[%get3A_1038, %get3A_1039] {strides = array<i32>} : memref<16x128xi32, #tpu.memory_space<vmem>>, vector<16xi32>,
        %get3A_1041 = arith.constant 14 : i32
        %get3A_1042 = arith.index_cast %get3A_1041 : i32 to index
        %get3A_1043 = arith.constant 32 : index
        %get3A_1044 = tpu.vector_load %arg10[%get3A_1042, %get3A_1043] {strides = array<i32>} : memref<16x128xf32, #tpu.memory_space<vmem>>, vector<16xf32>,
        tpu.vector_store_idx %arg6[%get3A_1040], %get3A_1044 {add = true} : memref<100096xf32, #tpu.memory_space<vmem>>[vector<16xi32>], vector<16xf32>,
        %get3A_1045 = arith.constant 14 : i32
        %get3A_1046 = arith.index_cast %get3A_1045 : i32 to index
        %get3A_1047 = arith.constant 48 : index
        %get3A_1048 = tpu.vector_load %arg8[%get3A_1046, %get3A_1047] {strides = array<i32>} : memref<16x128xi32, #tpu.memory_space<vmem>>, vector<16xi32>,
        %get3A_1049 = arith.constant 14 : i32
        %get3A_1050 = arith.index_cast %get3A_1049 : i32 to index
        %get3A_1051 = arith.constant 48 : index
        %get3A_1052 = tpu.vector_load %arg10[%get3A_1050, %get3A_1051] {strides = array<i32>} : memref<16x128xf32, #tpu.memory_space<vmem>>, vector<16xf32>,
        tpu.vector_store_idx %arg6[%get3A_1048], %get3A_1052 {add = true} : memref<100096xf32, #tpu.memory_space<vmem>>[vector<16xi32>], vector<16xf32>,
        %get3A_1053 = arith.constant 14 : i32
        %get3A_1054 = arith.index_cast %get3A_1053 : i32 to index
        %get3A_1055 = arith.constant 64 : index
        %get3A_1056 = tpu.vector_load %arg8[%get3A_1054, %get3A_1055] {strides = array<i32>} : memref<16x128xi32, #tpu.memory_space<vmem>>, vector<16xi32>,
        %get3A_1057 = arith.constant 14 : i32
        %get3A_1058 = arith.index_cast %get3A_1057 : i32 to index
        %get3A_1059 = arith.constant 64 : index
        %get3A_1060 = tpu.vector_load %arg10[%get3A_1058, %get3A_1059] {strides = array<i32>} : memref<16x128xf32, #tpu.memory_space<vmem>>, vector<16xf32>,
        tpu.vector_store_idx %arg6[%get3A_1056], %get3A_1060 {add = true} : memref<100096xf32, #tpu.memory_space<vmem>>[vector<16xi32>], vector<16xf32>,
        %get3A_1061 = arith.constant 14 : i32
        %get3A_1062 = arith.index_cast %get3A_1061 : i32 to index
        %get3A_1063 = arith.constant 80 : index
        %get3A_1064 = tpu.vector_load %arg8[%get3A_1062, %get3A_1063] {strides = array<i32>} : memref<16x128xi32, #tpu.memory_space<vmem>>, vector<16xi32>,
        %get3A_1065 = arith.constant 14 : i32
        %get3A_1066 = arith.index_cast %get3A_1065 : i32 to index
        %get3A_1067 = arith.constant 80 : index
        %get3A_1068 = tpu.vector_load %arg10[%get3A_1066, %get3A_1067] {strides = array<i32>} : memref<16x128xf32, #tpu.memory_space<vmem>>, vector<16xf32>,
        tpu.vector_store_idx %arg6[%get3A_1064], %get3A_1068 {add = true} : memref<100096xf32, #tpu.memory_space<vmem>>[vector<16xi32>], vector<16xf32>,
        %get3A_1069 = arith.constant 14 : i32
        %get3A_1070 = arith.index_cast %get3A_1069 : i32 to index
        %get3A_1071 = arith.constant 96 : index
        %get3A_1072 = tpu.vector_load %arg8[%get3A_1070, %get3A_1071] {strides = array<i32>} : memref<16x128xi32, #tpu.memory_space<vmem>>, vector<16xi32>,
        %get3A_1073 = arith.constant 14 : i32
        %get3A_1074 = arith.index_cast %get3A_1073 : i32 to index
        %get3A_1075 = arith.constant 96 : index
        %get3A_1076 = tpu.vector_load %arg10[%get3A_1074, %get3A_1075] {strides = array<i32>} : memref<16x128xf32, #tpu.memory_space<vmem>>, vector<16xf32>,
        tpu.vector_store_idx %arg6[%get3A_1072], %get3A_1076 {add = true} : memref<100096xf32, #tpu.memory_space<vmem>>[vector<16xi32>], vector<16xf32>,
        %get3A_1077 = arith.constant 14 : i32
        %get3A_1078 = arith.index_cast %get3A_1077 : i32 to index
        %get3A_1079 = arith.constant 112 : index
        %get3A_1080 = tpu.vector_load %arg8[%get3A_1078, %get3A_1079] {strides = array<i32>} : memref<16x128xi32, #tpu.memory_space<vmem>>, vector<16xi32>,
        %get3A_1081 = arith.constant 14 : i32
        %get3A_1082 = arith.index_cast %get3A_1081 : i32 to index
        %get3A_1083 = arith.constant 112 : index
        %get3A_1084 = tpu.vector_load %arg10[%get3A_1082, %get3A_1083] {strides = array<i32>} : memref<16x128xf32, #tpu.memory_space<vmem>>, vector<16xf32>,
        tpu.vector_store_idx %arg6[%get3A_1080], %get3A_1084 {add = true} : memref<100096xf32, #tpu.memory_space<vmem>>[vector<16xi32>], vector<16xf32>,
        %get3A_1085 = arith.constant 15 : i32
        %get3A_1086 = arith.index_cast %get3A_1085 : i32 to index
        %get3A_1087 = arith.constant 0 : index
        %get3A_1088 = tpu.vector_load %arg8[%get3A_1086, %get3A_1087] {strides = array<i32>} : memref<16x128xi32, #tpu.memory_space<vmem>>, vector<16xi32>,
        %get3A_1089 = arith.constant 15 : i32
        %get3A_1090 = arith.index_cast %get3A_1089 : i32 to index
        %get3A_1091 = arith.constant 0 : index
        %get3A_1092 = tpu.vector_load %arg10[%get3A_1090, %get3A_1091] {strides = array<i32>} : memref<16x128xf32, #tpu.memory_space<vmem>>, vector<16xf32>,
        tpu.vector_store_idx %arg6[%get3A_1088], %get3A_1092 {add = true} : memref<100096xf32, #tpu.memory_space<vmem>>[vector<16xi32>], vector<16xf32>,
        %get3A_1093 = arith.constant 15 : i32
        %get3A_1094 = arith.index_cast %get3A_1093 : i32 to index
        %get3A_1095 = arith.constant 16 : index
        %get3A_1096 = tpu.vector_load %arg8[%get3A_1094, %get3A_1095] {strides = array<i32>} : memref<16x128xi32, #tpu.memory_space<vmem>>, vector<16xi32>,
        %get3A_1097 = arith.constant 15 : i32
        %get3A_1098 = arith.index_cast %get3A_1097 : i32 to index
        %get3A_1099 = arith.constant 16 : index
        %get3A_1100 = tpu.vector_load %arg10[%get3A_1098, %get3A_1099] {strides = array<i32>} : memref<16x128xf32, #tpu.memory_space<vmem>>, vector<16xf32>,
        tpu.vector_store_idx %arg6[%get3A_1096], %get3A_1100 {add = true} : memref<100096xf32, #tpu.memory_space<vmem>>[vector<16xi32>], vector<16xf32>,
        %get3A_1101 = arith.constant 15 : i32
        %get3A_1102 = arith.index_cast %get3A_1101 : i32 to index
        %get3A_1103 = arith.constant 32 : index
        %get3A_1104 = tpu.vector_load %arg8[%get3A_1102, %get3A_1103] {strides = array<i32>} : memref<16x128xi32, #tpu.memory_space<vmem>>, vector<16xi32>,
        %get3A_1105 = arith.constant 15 : i32
        %get3A_1106 = arith.index_cast %get3A_1105 : i32 to index
        %get3A_1107 = arith.constant 32 : index
        %get3A_1108 = tpu.vector_load %arg10[%get3A_1106, %get3A_1107] {strides = array<i32>} : memref<16x128xf32, #tpu.memory_space<vmem>>, vector<16xf32>,
        tpu.vector_store_idx %arg6[%get3A_1104], %get3A_1108 {add = true} : memref<100096xf32, #tpu.memory_space<vmem>>[vector<16xi32>], vector<16xf32>,
        %get3A_1109 = arith.constant 15 : i32
        %get3A_1110 = arith.index_cast %get3A_1109 : i32 to index
        %get3A_1111 = arith.constant 48 : index
        %get3A_1112 = tpu.vector_load %arg8[%get3A_1110, %get3A_1111] {strides = array<i32>} : memref<16x128xi32, #tpu.memory_space<vmem>>, vector<16xi32>,
        %get3A_1113 = arith.constant 15 : i32
        %get3A_1114 = arith.index_cast %get3A_1113 : i32 to index
        %get3A_1115 = arith.constant 48 : index
        %get3A_1116 = tpu.vector_load %arg10[%get3A_1114, %get3A_1115] {strides = array<i32>} : memref<16x128xf32, #tpu.memory_space<vmem>>, vector<16xf32>,
        tpu.vector_store_idx %arg6[%get3A_1112], %get3A_1116 {add = true} : memref<100096xf32, #tpu.memory_space<vmem>>[vector<16xi32>], vector<16xf32>,
        %get3A_1117 = arith.constant 15 : i32
        %get3A_1118 = arith.index_cast %get3A_1117 : i32 to index
        %get3A_1119 = arith.constant 64 : index
        %get3A_1120 = tpu.vector_load %arg8[%get3A_1118, %get3A_1119] {strides = array<i32>} : memref<16x128xi32, #tpu.memory_space<vmem>>, vector<16xi32>,
        %get3A_1121 = arith.constant 15 : i32
        %get3A_1122 = arith.index_cast %get3A_1121 : i32 to index
        %get3A_1123 = arith.constant 64 : index
        %get3A_1124 = tpu.vector_load %arg10[%get3A_1122, %get3A_1123] {strides = array<i32>} : memref<16x128xf32, #tpu.memory_space<vmem>>, vector<16xf32>,
        tpu.vector_store_idx %arg6[%get3A_1120], %get3A_1124 {add = true} : memref<100096xf32, #tpu.memory_space<vmem>>[vector<16xi32>], vector<16xf32>,
        %get3A_1125 = arith.constant 15 : i32
        %get3A_1126 = arith.index_cast %get3A_1125 : i32 to index
        %get3A_1127 = arith.constant 80 : index
        %get3A_1128 = tpu.vector_load %arg8[%get3A_1126, %get3A_1127] {strides = array<i32>} : memref<16x128xi32, #tpu.memory_space<vmem>>, vector<16xi32>,
        %get3A_1129 = arith.constant 15 : i32
        %get3A_1130 = arith.index_cast %get3A_1129 : i32 to index
        %get3A_1131 = arith.constant 80 : index
        %get3A_1132 = tpu.vector_load %arg10[%get3A_1130, %get3A_1131] {strides = array<i32>} : memref<16x128xf32, #tpu.memory_space<vmem>>, vector<16xf32>,
        tpu.vector_store_idx %arg6[%get3A_1128], %get3A_1132 {add = true} : memref<100096xf32, #tpu.memory_space<vmem>>[vector<16xi32>], vector<16xf32>,
        %get3A_1133 = arith.constant 15 : i32
        %get3A_1134 = arith.index_cast %get3A_1133 : i32 to index
        %get3A_1135 = arith.constant 96 : index
        %get3A_1136 = tpu.vector_load %arg8[%get3A_1134, %get3A_1135] {strides = array<i32>} : memref<16x128xi32, #tpu.memory_space<vmem>>, vector<16xi32>,
        %get3A_1137 = arith.constant 15 : i32
        %get3A_1138 = arith.index_cast %get3A_1137 : i32 to index
        %get3A_1139 = arith.constant 96 : index
        %get3A_1140 = tpu.vector_load %arg10[%get3A_1138, %get3A_1139] {strides = array<i32>} : memref<16x128xf32, #tpu.memory_space<vmem>>, vector<16xf32>,
        tpu.vector_store_idx %arg6[%get3A_1136], %get3A_1140 {add = true} : memref<100096xf32, #tpu.memory_space<vmem>>[vector<16xi32>], vector<16xf32>,
        %get3A_1141 = arith.constant 15 : i32
        %get3A_1142 = arith.index_cast %get3A_1141 : i32 to index
        %get3A_1143 = arith.constant 112 : index
        %get3A_1144 = tpu.vector_load %arg8[%get3A_1142, %get3A_1143] {strides = array<i32>} : memref<16x128xi32, #tpu.memory_space<vmem>>, vector<16xi32>,
        %get3A_1145 = arith.constant 15 : i32
        %get3A_1146 = arith.index_cast %get3A_1145 : i32 to index
        %get3A_1147 = arith.constant 112 : index
        %get3A_1148 = tpu.vector_load %arg10[%get3A_1146, %get3A_1147] {strides = array<i32>} : memref<16x128xf32, #tpu.memory_space<vmem>>, vector<16xf32>,
        tpu.vector_store_idx %arg6[%get3A_1144], %get3A_1148 {add = true} : memref<100096xf32, #tpu.memory_space<vmem>>[vector<16xi32>], vector<16xf32>,
      } else {
      }
      %add3A_98 = arith.constant 2 : i32
      %add3A_99 = arith.addi %add3A_88, %add3A_98 : i32
      %mul3A_100 = arith.constant 10 : i32
      %mul3A_101 = arith.muli %mul3A_100, %add3A_99 : i32
      %add3A_102 = arith.addi %add3A_30, %mul3A_101 : i32
      %lt3A_103 = arith.constant 3125 : i32
      %lt3A_104 = arith.cmpi slt, %add3A_102, %lt3A_103 : i32
      %and3A_105 = arith.andi %lt3A_32, %lt3A_104 : i1
      %convert_element_type3A_106 = arith.extui %and3A_105 : i1 to i32
      %cond3A_107 = arith.constant 0 : i32
      %cond3A_108 = arith.cmpi ne, %convert_element_type3A_106, %cond3A_107 : i32
      scf.if %cond3A_108 {
        %mul3A_110 = arith.constant 16 : i32
        %mul3A_111 = arith.muli %add3A_102, %mul3A_110 : i32
        %dma_start3A = arith.constant 0 : i32
        %dma_start3A_112 = arith.constant 0 : i32
        %dma_start3A_113 = tpu.memref_slice %arg2[%mul3A_111, %dma_start3A, %dma_start3A_112] : memref<50000x2x128xi32, #tpu.memory_space<hbm>> -> memref<16x1x128xi32, #tpu.memory_space<hbm>>
        %dma_start3A_114 = tpu.memref_squeeze %dma_start3A_113 : memref<16x1x128xi32, #tpu.memory_space<hbm>> -> memref<16x128xi32, #tpu.memory_space<hbm>>
        %dma_start3A_115 = arith.constant 0 : i32
        %dma_start3A_116 = tpu.memref_slice %arg2[%mul3A_111, %dma_start3A, %dma_start3A_115] : memref<50000x2x128xi32, #tpu.memory_space<hbm>> -> memref<16x1x128xi32, #tpu.memory_space<hbm>>
        %dma_start3A_117 = tpu.memref_squeeze %dma_start3A_116 : memref<16x1x128xi32, #tpu.memory_space<hbm>> -> memref<16x128xi32, #tpu.memory_space<hbm>>
        tpu.enqueue_dma source(%dma_start3A_117 : memref<16x128xi32, #tpu.memory_space<hbm>>) target(%arg8 : memref<16x128xi32, #tpu.memory_space<vmem>>) target_semaphore(%arg12 : memref<!tpu.dma_semaphore, #tpu.memory_space<semaphore_mem>>)
        %mul3A_118 = arith.constant 16 : i32
        %mul3A_119 = arith.muli %add3A_102, %mul3A_118 : i32
        %dma_start3A_120 = arith.constant 0 : i32
        %dma_start3A_121 = tpu.memref_slice %arg3[%mul3A_119, %select_n3A_28, %dma_start3A_120] : memref<50000x4x128xf32, #tpu.memory_space<hbm>> -> memref<16x1x128xf32, #tpu.memory_space<hbm>>
        %dma_start3A_122 = tpu.memref_squeeze %dma_start3A_121 : memref<16x1x128xf32, #tpu.memory_space<hbm>> -> memref<16x128xf32, #tpu.memory_space<hbm>>
        %dma_start3A_123 = arith.constant 0 : i32
        %dma_start3A_124 = tpu.memref_slice %arg3[%mul3A_119, %select_n3A_28, %dma_start3A_123] : memref<50000x4x128xf32, #tpu.memory_space<hbm>> -> memref<16x1x128xf32, #tpu.memory_space<hbm>>
        %dma_start3A_125 = tpu.memref_squeeze %dma_start3A_124 : memref<16x1x128xf32, #tpu.memory_space<hbm>> -> memref<16x128xf32, #tpu.memory_space<hbm>>
        tpu.enqueue_dma source(%dma_start3A_125 : memref<16x128xf32, #tpu.memory_space<hbm>>) target(%arg10 : memref<16x128xf32, #tpu.memory_space<vmem>>) target_semaphore(%arg14 : memref<!tpu.dma_semaphore, #tpu.memory_space<semaphore_mem>>)
      } else {
      }
      %scan3A_109 = arith.constant 0 : i32
      scf.yield %scan3A_109 : i32
    }
    %scan3A_55 = arith.constant 157 : i32
    %convert_element_type3A_56 = arith.extui %lt3A_32 : i1 to i32
    %cond3A_57 = arith.constant 0 : i32
    %cond3A_58 = arith.cmpi ne, %convert_element_type3A_56, %cond3A_57 : i32
    scf.if %cond3A_58 {
      "tpu.region"() ({
        %run_scoped3A = tpu.sem_alloc : memref<!tpu.dma_semaphore, #tpu.memory_space<semaphore_mem>>
        %dma_start3A = arith.constant 0 : i32
        %dma_start3A_59 = tpu.memref_slice %arg5[%arg0, %arg1, %dma_start3A] : memref<2x16x100096xf32, #tpu.memory_space<hbm>> -> memref<1x1x100096xf32, #tpu.memory_space<hbm>>
        %dma_start3A_60 = tpu.memref_squeeze %dma_start3A_59 : memref<1x1x100096xf32, #tpu.memory_space<hbm>> -> memref<100096xf32, #tpu.memory_space<hbm>>
        %dma_start3A_61 = arith.constant 0 : i32
        %dma_start3A_62 = tpu.memref_slice %arg5[%arg0, %arg1, %dma_start3A_61] : memref<2x16x100096xf32, #tpu.memory_space<hbm>> -> memref<1x1x100096xf32, #tpu.memory_space<hbm>>
        %dma_start3A_63 = tpu.memref_squeeze %dma_start3A_62 : memref<1x1x100096xf32, #tpu.memory_space<hbm>> -> memref<100096xf32, #tpu.memory_space<hbm>>
        tpu.enqueue_dma source(%arg6 : memref<100096xf32, #tpu.memory_space<vmem>>) target(%dma_start3A_63 : memref<100096xf32, #tpu.memory_space<hbm>>) target_semaphore(%run_scoped3A : memref<!tpu.dma_semaphore, #tpu.memory_space<semaphore_mem>>)
        %dma_wait3A = arith.constant 0 : i32
        %dma_wait3A_64 = tpu.memref_slice %arg5[%arg0, %arg1, %dma_wait3A] : memref<2x16x100096xf32, #tpu.memory_space<hbm>> -> memref<1x1x100096xf32, #tpu.memory_space<hbm>>
        %dma_wait3A_65 = tpu.memref_squeeze %dma_wait3A_64 : memref<1x1x100096xf32, #tpu.memory_space<hbm>> -> memref<100096xf32, #tpu.memory_space<hbm>>
        %dma_wait3A_66 = arith.constant 0 : i32
        %dma_wait3A_67 = tpu.memref_slice %arg5[%arg0, %arg1, %dma_wait3A_66] : memref<2x16x100096xf32, #tpu.memory_space<hbm>> -> memref<1x1x100096xf32, #tpu.memory_space<hbm>>
        %dma_wait3A_68 = tpu.memref_squeeze %dma_wait3A_67 : memref<1x1x100096xf32, #tpu.memory_space<hbm>> -> memref<100096xf32, #tpu.memory_space<hbm>>
        tpu.wait_dma2 semaphore(%run_scoped3A : memref<!tpu.dma_semaphore, #tpu.memory_space<semaphore_mem>>) src(%arg6 : memref<100096xf32, #tpu.memory_space<vmem>>) dst(%dma_wait3A_68 : memref<100096xf32, #tpu.memory_space<hbm>>)
        tpu.yield
      }) : () -> ()
    } else {
    }
    return
  }
}

module attributes {stable_mosaic.version = 14 : i64} {
  func.func @add_body(%arg0: memref<32x782x128xf32, #tpu.memory_space<vmem>>, %arg1: memref<3x782x128xf32, #tpu.memory_space<vmem>>) attributes {dimension_semantics = [], scalar_prefetch = 0 : i64, scratch_operands = 0 : i64, tpu.core_type = #tpu.core_type<tc>} {
    %get3A = arith.constant 0 : index
    %get3A_0 = arith.constant 0 : index
    %get3A_1 = arith.constant 0 : index
    %get3A_2 = vector.load %arg0[%get3A, %get3A_0, %get3A_1] : memref<32x782x128xf32, #tpu.memory_space<vmem>>, vector<1x782x128xf32>
    %get3A_3 = vector.shape_cast %get3A_2 : vector<1x782x128xf32> to vector<782x128xf32>
    %get3A_4 = arith.constant 3 : index
    %get3A_5 = arith.constant 0 : index
    %get3A_6 = arith.constant 0 : index
    %get3A_7 = vector.load %arg0[%get3A_4, %get3A_5, %get3A_6] : memref<32x782x128xf32, #tpu.memory_space<vmem>>, vector<1x782x128xf32>
    %get3A_8 = vector.shape_cast %get3A_7 : vector<1x782x128xf32> to vector<782x128xf32>
    %add3A = arith.addf %get3A_3, %get3A_8 : vector<782x128xf32>
    %get3A_9 = arith.constant 6 : index
    %get3A_10 = arith.constant 0 : index
    %get3A_11 = arith.constant 0 : index
    %get3A_12 = vector.load %arg0[%get3A_9, %get3A_10, %get3A_11] : memref<32x782x128xf32, #tpu.memory_space<vmem>>, vector<1x782x128xf32>
    %get3A_13 = vector.shape_cast %get3A_12 : vector<1x782x128xf32> to vector<782x128xf32>
    %add3A_14 = arith.addf %add3A, %get3A_13 : vector<782x128xf32>
    %get3A_15 = arith.constant 9 : index
    %get3A_16 = arith.constant 0 : index
    %get3A_17 = arith.constant 0 : index
    %get3A_18 = vector.load %arg0[%get3A_15, %get3A_16, %get3A_17] : memref<32x782x128xf32, #tpu.memory_space<vmem>>, vector<1x782x128xf32>
    %get3A_19 = vector.shape_cast %get3A_18 : vector<1x782x128xf32> to vector<782x128xf32>
    %add3A_20 = arith.addf %add3A_14, %get3A_19 : vector<782x128xf32>
    %get3A_21 = arith.constant 12 : index
    %get3A_22 = arith.constant 0 : index
    %get3A_23 = arith.constant 0 : index
    %get3A_24 = vector.load %arg0[%get3A_21, %get3A_22, %get3A_23] : memref<32x782x128xf32, #tpu.memory_space<vmem>>, vector<1x782x128xf32>
    %get3A_25 = vector.shape_cast %get3A_24 : vector<1x782x128xf32> to vector<782x128xf32>
    %add3A_26 = arith.addf %add3A_20, %get3A_25 : vector<782x128xf32>
    %get3A_27 = arith.constant 16 : index
    %get3A_28 = arith.constant 0 : index
    %get3A_29 = arith.constant 0 : index
    %get3A_30 = vector.load %arg0[%get3A_27, %get3A_28, %get3A_29] : memref<32x782x128xf32, #tpu.memory_space<vmem>>, vector<1x782x128xf32>
    %get3A_31 = vector.shape_cast %get3A_30 : vector<1x782x128xf32> to vector<782x128xf32>
    %add3A_32 = arith.addf %add3A_26, %get3A_31 : vector<782x128xf32>
    %get3A_33 = arith.constant 19 : index
    %get3A_34 = arith.constant 0 : index
    %get3A_35 = arith.constant 0 : index
    %get3A_36 = vector.load %arg0[%get3A_33, %get3A_34, %get3A_35] : memref<32x782x128xf32, #tpu.memory_space<vmem>>, vector<1x782x128xf32>
    %get3A_37 = vector.shape_cast %get3A_36 : vector<1x782x128xf32> to vector<782x128xf32>
    %add3A_38 = arith.addf %add3A_32, %get3A_37 : vector<782x128xf32>
    %get3A_39 = arith.constant 22 : index
    %get3A_40 = arith.constant 0 : index
    %get3A_41 = arith.constant 0 : index
    %get3A_42 = vector.load %arg0[%get3A_39, %get3A_40, %get3A_41] : memref<32x782x128xf32, #tpu.memory_space<vmem>>, vector<1x782x128xf32>
    %get3A_43 = vector.shape_cast %get3A_42 : vector<1x782x128xf32> to vector<782x128xf32>
    %add3A_44 = arith.addf %add3A_38, %get3A_43 : vector<782x128xf32>
    %get3A_45 = arith.constant 25 : index
    %get3A_46 = arith.constant 0 : index
    %get3A_47 = arith.constant 0 : index
    %get3A_48 = vector.load %arg0[%get3A_45, %get3A_46, %get3A_47] : memref<32x782x128xf32, #tpu.memory_space<vmem>>, vector<1x782x128xf32>
    %get3A_49 = vector.shape_cast %get3A_48 : vector<1x782x128xf32> to vector<782x128xf32>
    %add3A_50 = arith.addf %add3A_44, %get3A_49 : vector<782x128xf32>
    %get3A_51 = arith.constant 28 : index
    %get3A_52 = arith.constant 0 : index
    %get3A_53 = arith.constant 0 : index
    %get3A_54 = vector.load %arg0[%get3A_51, %get3A_52, %get3A_53] : memref<32x782x128xf32, #tpu.memory_space<vmem>>, vector<1x782x128xf32>
    %get3A_55 = vector.shape_cast %get3A_54 : vector<1x782x128xf32> to vector<782x128xf32>
    %add3A_56 = arith.addf %add3A_50, %get3A_55 : vector<782x128xf32>
    %swap3A = arith.constant 0 : index
    %swap3A_57 = arith.constant 0 : index
    %swap3A_58 = arith.constant 0 : index
    %swap3A_59 = vector.load %arg1[%swap3A, %swap3A_57, %swap3A_58] : memref<3x782x128xf32, #tpu.memory_space<vmem>>, vector<1x782x128xf32>
    %swap3A_60 = vector.shape_cast %swap3A_59 : vector<1x782x128xf32> to vector<782x128xf32>
    %swap3A_61 = vector.shape_cast %add3A_56 : vector<782x128xf32> to vector<1x782x128xf32>
    tpu.vector_store %arg1[%swap3A, %swap3A_57, %swap3A_58], %swap3A_61 {strides = array<i32>} : memref<3x782x128xf32, #tpu.memory_space<vmem>>, vector<1x782x128xf32>,
    %get3A_62 = arith.constant 1 : index
    %get3A_63 = arith.constant 0 : index
    %get3A_64 = arith.constant 0 : index
    %get3A_65 = vector.load %arg0[%get3A_62, %get3A_63, %get3A_64] : memref<32x782x128xf32, #tpu.memory_space<vmem>>, vector<1x782x128xf32>
    %get3A_66 = vector.shape_cast %get3A_65 : vector<1x782x128xf32> to vector<782x128xf32>
    %get3A_67 = arith.constant 4 : index
    %get3A_68 = arith.constant 0 : index
    %get3A_69 = arith.constant 0 : index
    %get3A_70 = vector.load %arg0[%get3A_67, %get3A_68, %get3A_69] : memref<32x782x128xf32, #tpu.memory_space<vmem>>, vector<1x782x128xf32>
    %get3A_71 = vector.shape_cast %get3A_70 : vector<1x782x128xf32> to vector<782x128xf32>
    %add3A_72 = arith.addf %get3A_66, %get3A_71 : vector<782x128xf32>
    %get3A_73 = arith.constant 7 : index
    %get3A_74 = arith.constant 0 : index
    %get3A_75 = arith.constant 0 : index
    %get3A_76 = vector.load %arg0[%get3A_73, %get3A_74, %get3A_75] : memref<32x782x128xf32, #tpu.memory_space<vmem>>, vector<1x782x128xf32>
    %get3A_77 = vector.shape_cast %get3A_76 : vector<1x782x128xf32> to vector<782x128xf32>
    %add3A_78 = arith.addf %add3A_72, %get3A_77 : vector<782x128xf32>
    %get3A_79 = arith.constant 10 : index
    %get3A_80 = arith.constant 0 : index
    %get3A_81 = arith.constant 0 : index
    %get3A_82 = vector.load %arg0[%get3A_79, %get3A_80, %get3A_81] : memref<32x782x128xf32, #tpu.memory_space<vmem>>, vector<1x782x128xf32>
    %get3A_83 = vector.shape_cast %get3A_82 : vector<1x782x128xf32> to vector<782x128xf32>
    %add3A_84 = arith.addf %add3A_78, %get3A_83 : vector<782x128xf32>
    %get3A_85 = arith.constant 13 : index
    %get3A_86 = arith.constant 0 : index
    %get3A_87 = arith.constant 0 : index
    %get3A_88 = vector.load %arg0[%get3A_85, %get3A_86, %get3A_87] : memref<32x782x128xf32, #tpu.memory_space<vmem>>, vector<1x782x128xf32>
    %get3A_89 = vector.shape_cast %get3A_88 : vector<1x782x128xf32> to vector<782x128xf32>
    %add3A_90 = arith.addf %add3A_84, %get3A_89 : vector<782x128xf32>
    %get3A_91 = arith.constant 17 : index
    %get3A_92 = arith.constant 0 : index
    %get3A_93 = arith.constant 0 : index
    %get3A_94 = vector.load %arg0[%get3A_91, %get3A_92, %get3A_93] : memref<32x782x128xf32, #tpu.memory_space<vmem>>, vector<1x782x128xf32>
    %get3A_95 = vector.shape_cast %get3A_94 : vector<1x782x128xf32> to vector<782x128xf32>
    %add3A_96 = arith.addf %add3A_90, %get3A_95 : vector<782x128xf32>
    %get3A_97 = arith.constant 20 : index
    %get3A_98 = arith.constant 0 : index
    %get3A_99 = arith.constant 0 : index
    %get3A_100 = vector.load %arg0[%get3A_97, %get3A_98, %get3A_99] : memref<32x782x128xf32, #tpu.memory_space<vmem>>, vector<1x782x128xf32>
    %get3A_101 = vector.shape_cast %get3A_100 : vector<1x782x128xf32> to vector<782x128xf32>
    %add3A_102 = arith.addf %add3A_96, %get3A_101 : vector<782x128xf32>
    %get3A_103 = arith.constant 23 : index
    %get3A_104 = arith.constant 0 : index
    %get3A_105 = arith.constant 0 : index
    %get3A_106 = vector.load %arg0[%get3A_103, %get3A_104, %get3A_105] : memref<32x782x128xf32, #tpu.memory_space<vmem>>, vector<1x782x128xf32>
    %get3A_107 = vector.shape_cast %get3A_106 : vector<1x782x128xf32> to vector<782x128xf32>
    %add3A_108 = arith.addf %add3A_102, %get3A_107 : vector<782x128xf32>
    %get3A_109 = arith.constant 26 : index
    %get3A_110 = arith.constant 0 : index
    %get3A_111 = arith.constant 0 : index
    %get3A_112 = vector.load %arg0[%get3A_109, %get3A_110, %get3A_111] : memref<32x782x128xf32, #tpu.memory_space<vmem>>, vector<1x782x128xf32>
    %get3A_113 = vector.shape_cast %get3A_112 : vector<1x782x128xf32> to vector<782x128xf32>
    %add3A_114 = arith.addf %add3A_108, %get3A_113 : vector<782x128xf32>
    %get3A_115 = arith.constant 29 : index
    %get3A_116 = arith.constant 0 : index
    %get3A_117 = arith.constant 0 : index
    %get3A_118 = vector.load %arg0[%get3A_115, %get3A_116, %get3A_117] : memref<32x782x128xf32, #tpu.memory_space<vmem>>, vector<1x782x128xf32>
    %get3A_119 = vector.shape_cast %get3A_118 : vector<1x782x128xf32> to vector<782x128xf32>
    %add3A_120 = arith.addf %add3A_114, %get3A_119 : vector<782x128xf32>
    %swap3A_121 = arith.constant 1 : index
    %swap3A_122 = arith.constant 0 : index
    %swap3A_123 = arith.constant 0 : index
    %swap3A_124 = vector.load %arg1[%swap3A_121, %swap3A_122, %swap3A_123] : memref<3x782x128xf32, #tpu.memory_space<vmem>>, vector<1x782x128xf32>
    %swap3A_125 = vector.shape_cast %swap3A_124 : vector<1x782x128xf32> to vector<782x128xf32>
    %swap3A_126 = vector.shape_cast %add3A_120 : vector<782x128xf32> to vector<1x782x128xf32>
    tpu.vector_store %arg1[%swap3A_121, %swap3A_122, %swap3A_123], %swap3A_126 {strides = array<i32>} : memref<3x782x128xf32, #tpu.memory_space<vmem>>, vector<1x782x128xf32>,
    %get3A_127 = arith.constant 2 : index
    %get3A_128 = arith.constant 0 : index
    %get3A_129 = arith.constant 0 : index
    %get3A_130 = vector.load %arg0[%get3A_127, %get3A_128, %get3A_129] : memref<32x782x128xf32, #tpu.memory_space<vmem>>, vector<1x782x128xf32>
    %get3A_131 = vector.shape_cast %get3A_130 : vector<1x782x128xf32> to vector<782x128xf32>
    %get3A_132 = arith.constant 5 : index
    %get3A_133 = arith.constant 0 : index
    %get3A_134 = arith.constant 0 : index
    %get3A_135 = vector.load %arg0[%get3A_132, %get3A_133, %get3A_134] : memref<32x782x128xf32, #tpu.memory_space<vmem>>, vector<1x782x128xf32>
    %get3A_136 = vector.shape_cast %get3A_135 : vector<1x782x128xf32> to vector<782x128xf32>
    %add3A_137 = arith.addf %get3A_131, %get3A_136 : vector<782x128xf32>
    %get3A_138 = arith.constant 8 : index
    %get3A_139 = arith.constant 0 : index
    %get3A_140 = arith.constant 0 : index
    %get3A_141 = vector.load %arg0[%get3A_138, %get3A_139, %get3A_140] : memref<32x782x128xf32, #tpu.memory_space<vmem>>, vector<1x782x128xf32>
    %get3A_142 = vector.shape_cast %get3A_141 : vector<1x782x128xf32> to vector<782x128xf32>
    %add3A_143 = arith.addf %add3A_137, %get3A_142 : vector<782x128xf32>
    %get3A_144 = arith.constant 11 : index
    %get3A_145 = arith.constant 0 : index
    %get3A_146 = arith.constant 0 : index
    %get3A_147 = vector.load %arg0[%get3A_144, %get3A_145, %get3A_146] : memref<32x782x128xf32, #tpu.memory_space<vmem>>, vector<1x782x128xf32>
    %get3A_148 = vector.shape_cast %get3A_147 : vector<1x782x128xf32> to vector<782x128xf32>
    %add3A_149 = arith.addf %add3A_143, %get3A_148 : vector<782x128xf32>
    %get3A_150 = arith.constant 14 : index
    %get3A_151 = arith.constant 0 : index
    %get3A_152 = arith.constant 0 : index
    %get3A_153 = vector.load %arg0[%get3A_150, %get3A_151, %get3A_152] : memref<32x782x128xf32, #tpu.memory_space<vmem>>, vector<1x782x128xf32>
    %get3A_154 = vector.shape_cast %get3A_153 : vector<1x782x128xf32> to vector<782x128xf32>
    %add3A_155 = arith.addf %add3A_149, %get3A_154 : vector<782x128xf32>
    %get3A_156 = arith.constant 18 : index
    %get3A_157 = arith.constant 0 : index
    %get3A_158 = arith.constant 0 : index
    %get3A_159 = vector.load %arg0[%get3A_156, %get3A_157, %get3A_158] : memref<32x782x128xf32, #tpu.memory_space<vmem>>, vector<1x782x128xf32>
    %get3A_160 = vector.shape_cast %get3A_159 : vector<1x782x128xf32> to vector<782x128xf32>
    %add3A_161 = arith.addf %add3A_155, %get3A_160 : vector<782x128xf32>
    %get3A_162 = arith.constant 21 : index
    %get3A_163 = arith.constant 0 : index
    %get3A_164 = arith.constant 0 : index
    %get3A_165 = vector.load %arg0[%get3A_162, %get3A_163, %get3A_164] : memref<32x782x128xf32, #tpu.memory_space<vmem>>, vector<1x782x128xf32>
    %get3A_166 = vector.shape_cast %get3A_165 : vector<1x782x128xf32> to vector<782x128xf32>
    %add3A_167 = arith.addf %add3A_161, %get3A_166 : vector<782x128xf32>
    %get3A_168 = arith.constant 24 : index
    %get3A_169 = arith.constant 0 : index
    %get3A_170 = arith.constant 0 : index
    %get3A_171 = vector.load %arg0[%get3A_168, %get3A_169, %get3A_170] : memref<32x782x128xf32, #tpu.memory_space<vmem>>, vector<1x782x128xf32>
    %get3A_172 = vector.shape_cast %get3A_171 : vector<1x782x128xf32> to vector<782x128xf32>
    %add3A_173 = arith.addf %add3A_167, %get3A_172 : vector<782x128xf32>
    %get3A_174 = arith.constant 27 : index
    %get3A_175 = arith.constant 0 : index
    %get3A_176 = arith.constant 0 : index
    %get3A_177 = vector.load %arg0[%get3A_174, %get3A_175, %get3A_176] : memref<32x782x128xf32, #tpu.memory_space<vmem>>, vector<1x782x128xf32>
    %get3A_178 = vector.shape_cast %get3A_177 : vector<1x782x128xf32> to vector<782x128xf32>
    %add3A_179 = arith.addf %add3A_173, %get3A_178 : vector<782x128xf32>
    %get3A_180 = arith.constant 30 : index
    %get3A_181 = arith.constant 0 : index
    %get3A_182 = arith.constant 0 : index
    %get3A_183 = vector.load %arg0[%get3A_180, %get3A_181, %get3A_182] : memref<32x782x128xf32, #tpu.memory_space<vmem>>, vector<1x782x128xf32>
    %get3A_184 = vector.shape_cast %get3A_183 : vector<1x782x128xf32> to vector<782x128xf32>
    %add3A_185 = arith.addf %add3A_179, %get3A_184 : vector<782x128xf32>
    %swap3A_186 = arith.constant 2 : index
    %swap3A_187 = arith.constant 0 : index
    %swap3A_188 = arith.constant 0 : index
    %swap3A_189 = vector.load %arg1[%swap3A_186, %swap3A_187, %swap3A_188] : memref<3x782x128xf32, #tpu.memory_space<vmem>>, vector<1x782x128xf32>
    %swap3A_190 = vector.shape_cast %swap3A_189 : vector<1x782x128xf32> to vector<782x128xf32>
    %swap3A_191 = vector.shape_cast %add3A_185 : vector<782x128xf32> to vector<1x782x128xf32>
    tpu.vector_store %arg1[%swap3A_186, %swap3A_187, %swap3A_188], %swap3A_191 {strides = array<i32>} : memref<3x782x128xf32, #tpu.memory_space<vmem>>, vector<1x782x128xf32>,
    return
  }
}

</mosaic_0001>

<sc_bundles>
// kernel: kernel.4.cloned.1.call-start
scs
__scs_entry_jumppad:
0x0: {  	(pc) =	sbr.rel $0x88, $3  }
0x1: {  	(tag) =	ssettag $0x0;
	lr =	simm.s32 $0x1  }
0x2: {  	[smem:$0x3F9F] =	sst lr;
	_ =	strace $0xD0000000  }
0x3: {  	_ = 	snop  }
0x4: {  	_ = 	snop  }
0x5: {  	_ = 	snop  }
0x6: {  	_ = 	snop  }
0x7: {  	_ = 	snop  }
__scs_overlays_trampoline_lowered:
0x8: {  	[smem:$0x3FAE] =	sst s0  }
0x9: {  	[smem:$0x3FAF] =	sst s1  }
0xa: {  	[smem:$0x3FB0] =	sst s2  }
0xb: {  	[smem:$0x3FB1] =	sst s3  }
0xc: {  	[smem:$0x3FB2] =	sst s4  }
0xd: {  	[smem:$0x3FB3] =	sst s5  }
0xe: {  	[smem:$0x3FB4] =	sst s6  }
0xf: {  	[smem:$0x3FB5] =	sst s7  }
0x10: {  	[smem:$0x3FB6] =	sst s8  }
0x11: {  	[smem:$0x3FB7] =	sst s9;
	s0 =	simm.s32 @!p0 $0x0  }
0x12: {  	s1 =	sld [smem:$0x3F9D];
	s0 =	simm.s32 @p0 $0x1  }
0x13: {  	[smem:$0x3FB8] =	sst s0;
	s0 =	simm.s32 @!p1 $0x0  }
0x14: {  	s2 =	sld [smem:$0x3F9C];
	s0 =	simm.s32 @p1 $0x1  }
0x15: {  	[smem:$0x3FB9] =	sst s0;
	s0 =	simm.s32 @!p2 $0x0  }
0x16: {  	s3 =	sld [smem:$0x3FDB];
	s0 =	simm.s32 @p2 $0x1  }
0x17: {  	s4 =	simm.s32 $0x1BF5;
	[smem:$0x3FBB] =	sst s0  }
0x18: {  	s0 =	sld [smem:$0x3F9E];
	_ =	swait.ge [sflag:s4], $0x0  }
0x19: {  	s7 =	sld [smem:$0x3F9F]  }
0x1a: {  	s8 =	sadd.s32 $0xFFFFE003, lr  }
0x1b: {  	s9 =	sadd.s32 $0xFFFFFEF7, lr;
	s5 =	simm.s32 $0xFFFFFFFF;
	p2 =	slt.u32 s8, $0xFFFFF086  }
0x1c: {  	p1 =	slt.u32 s9, $0xF7A;
	s5 =	simm.s32 @!p2 $0x0  }
0x1d: {  	s5 =	simm.s32 @p1 $0x1;
	p0 =	seq.s32 s7, s2  }
0x1e: {  	s7 =	smul.u32 @!p0 $0xF7A, s2;
	p2 =	seq.s32 @!p0 s5, $0x0  }
0x1f: {  	s9 =	smul.u32 $0xF7A, s1;
	s8 =	simm.s32 @!p0 $0x1BF5;
	p2 =	por !p2, p0  }
0x20: {  	[sflag:s8] =	ssyncset.s32 @!p0 $0xFFFFF086;
	s6 =	sadd.s32 @!p0 s3, s7;
	s7 =	simm.s32 @!p0 $0x108  }
0x21: {  	s3 =	sadd.s32 s3, s9;
	s6 =	sadd.s32 @!p0 $0x88, s6;
	s7 =	simm.s32 @p2 $0x1082  }
0x22: {  	[simem:s7], [sflag:s8] =	dma.local @!p0 [hbm:s6], $0xF7A  }
0x23: {  	s9 =	sor.u32 $0xD0000000, s2;
	s6 =	simm.s32 $0x108;
	_ =	swait.ge @!p0 [sflag:s8], $0x0  }
0x24: {  	s3 =	sadd.s32 $0x88, s3;
	s6 =	simm.s32 @!p1 $0x1082;
	[sflag:s4] =	ssyncset.s32 $0xFFFFF086  }
0x25: {  	[simem:s6], [sflag:s4] =	dma.local [hbm:s3], $0xF7A  }
0x26: {  	[smem:$0x3F9F] =	sst s1;
	(tag) =	ssettag s2;
	_ =	strace s9  }
0x27: {  	s1 =	sld [smem:$0x3FAF]  }
0x28: {  	s2 =	sld [smem:$0x3FB0]  }
0x29: {  	s4 =	sld [smem:$0x3FB2]  }
0x2a: {  	p0 =	seq.s32 s5, $0x0;
	s5 =	sld [smem:$0x3FB3]  }
0x2b: {  	s6 =	sld [smem:$0x3FB4]  }
0x2c: {  	s7 =	sld [smem:$0x3FB5]  }
0x2d: {  	s3 =	simm.s32 $0x108;
	s8 =	sld [smem:$0x3FB6]  }
0x2e: {  	s3 =	simm.s32 @!p0 $0x1082;
	s9 =	sld [smem:$0x3FB7]  }
0x2f: {  	lr =	sadd.s32 s0, s3;
	s0 =	sld [smem:$0x3FAE]  }
0x30: {  	s3 =	sld [smem:$0x3FB1]  }
0x31: {  	[smem:$0x3FBA] =	sst s10  }
0x32: {  	s10 =	sld [smem:$0x3FB8];
	_ =	sdelay $0x3  }
0x33: {  	p0 =	seq.s32 s10, $0x1;
	s10 =	sld [smem:$0x3FBA];
	_ =	sdelay $0x3  }
0x34: {  	[smem:$0x3FBA] =	sst s10  }
0x35: {  	s10 =	sld [smem:$0x3FB9];
	_ =	sdelay $0x3  }
0x36: {  	p1 =	seq.s32 s10, $0x1;
	s10 =	sld [smem:$0x3FBA];
	_ =	sdelay $0x3  }
0x37: {  	[smem:$0x3FBA] =	sst s10  }
0x38: {  	s10 =	sld [smem:$0x3FBB]  }
0x39: {  	_ = 	snop;
	(pc) =	sbr.ind lr, $3  }
0x3a: {  	_ = 	snop  }
0x3b: {  	_ = 	snop  }
0x3c: {  	p2 =	seq.s32 s10, $0x1;
	s10 =	sld [smem:$0x3FBA]  }
0x3d: {  	_ =	shalt  }
0x3e: {  	_ =	shalt  }
0x3f: {  	_ =	shalt  }
0x40: {  	_ =	shalt  }
0x41: {  	_ =	shalt  }
0x42: {  	_ =	shalt  }
0x43: {  	_ =	shalt  }
0x44: {  	_ =	shalt  }
0x45: {  	_ =	shalt  }
0x46: {  	_ =	shalt  }
0x47: {  	_ =	shalt  }
0x48: {  	_ =	shalt  }
0x49: {  	_ =	shalt  }
0x4a: {  	_ =	shalt  }
0x4b: {  	_ =	shalt  }
0x4c: {  	_ =	shalt  }
0x4d: {  	_ =	shalt  }
0x4e: {  	_ =	shalt  }
0x4f: {  	_ =	shalt  }
0x50: {  	_ =	shalt  }
0x51: {  	_ =	shalt  }
0x52: {  	_ =	shalt  }
0x53: {  	_ =	shalt  }
0x54: {  	_ =	shalt  }
0x55: {  	_ =	shalt  }
0x56: {  	_ =	shalt  }
0x57: {  	_ =	shalt  }
0x58: {  	_ =	shalt  }
0x59: {  	_ =	shalt  }
0x5a: {  	_ =	shalt  }
0x5b: {  	_ =	shalt  }
0x5c: {  	_ =	shalt  }
0x5d: {  	_ =	shalt  }
0x5e: {  	_ =	shalt  }
0x5f: {  	_ =	shalt  }
0x60: {  	_ =	shalt  }
0x61: {  	_ =	shalt  }
0x62: {  	_ =	shalt  }
0x63: {  	_ =	shalt  }
0x64: {  	_ =	shalt  }
0x65: {  	_ =	shalt  }
0x66: {  	_ =	shalt  }
0x67: {  	_ =	shalt  }
0x68: {  	_ =	shalt  }
0x69: {  	_ =	shalt  }
0x6a: {  	_ =	shalt  }
0x6b: {  	_ =	shalt  }
0x6c: {  	_ =	shalt  }
0x6d: {  	_ =	shalt  }
0x6e: {  	_ =	shalt  }
0x6f: {  	_ =	shalt  }
0x70: {  	_ =	shalt  }
0x71: {  	_ =	shalt  }
0x72: {  	_ =	shalt  }
0x73: {  	_ =	shalt  }
0x74: {  	_ =	shalt  }
0x75: {  	_ =	shalt  }
0x76: {  	_ =	shalt  }
0x77: {  	_ =	shalt  }
0x78: {  	_ =	shalt  }
0x79: {  	_ =	shalt  }
0x7a: {  	_ =	shalt  }
0x7b: {  	_ =	shalt  }
0x7c: {  	_ =	shalt  }
0x7d: {  	_ =	shalt  }
0x7e: {  	_ =	shalt  }
0x7f: {  	_ =	shalt  }
0x80: {  	_ =	shalt  }
0x81: {  	_ =	shalt  }
0x82: {  	_ =	shalt  }
0x83: {  	_ =	shalt  }
0x84: {  	_ =	shalt  }
0x85: {  	_ =	shalt  }
0x86: {  	_ =	shalt  }
0x87: {  	_ =	shalt  }
.Lfunc_end0:
.L_simem_size_0:
called_computation_lowered:
.L_overlay_start_0:
0x88: {  	s2 =	sld [smem:$0x3FD9]  }
0x89: {  	s3 =	sld [smem:$0x3FFE];
	_ =	sdelay $0x1  }
0x8a: {  	s1 =	srdreg.scid  }
0x8b: {  	s0 =	sand.u32 $0x1, s1  }
0x8c: {  	s17 =	sshll.u32 s0, $0xA;
	s2 =	sadd.s32 s3, s2  }
0x8d: {  	s2 =	sadd.s32 s2, s17  }
0x8e: {  	[smem:$0x3FC6] =	sst s2  }
0x8f: {  	_ = 	snop  }
0x90: {  	s2 =	sld [smem:$0x3FC9]  }
0x91: {  	s18 =	sld [smem:$0x3FD0];
	(tm) =	ssettm $0x1  }
0x92: {  	s4 =	sld [smem:$0x3FFB];
	_ =	sdelay $0x3  }
0x93: {  	_ =	strace s4  }
0x94: {  	s4 =	sld [smem:$0x3FFC];
	_ =	sdelay $0x3  }
0x95: {  	_ =	strace s4  }
0x96: {  	s4 =	sld [smem:$0x3FFD];
	_ =	sdelay $0x3  }
0x97: {  	_ =	strace s4  }
0x98: {  	_ =	strace $0x8FFFFFFF  }
0x99: {  	s19 =	sld [smem:$0x3FDB];
	_ =	sdelay $0x1  }
0x9a: {  	s5 =	simm.s32 $_scs_section_size  }
0x9b: {  	s6 =	simm.s32 $_size__tile_overlayer_lowered;
	s7 =	simm.s32 $_tile_overlayer_lowered  }
0x9c: {  	s22 =	simm.s32 $0x1BFF;
	s21 =	sshll.u32 s7, $0x1;
	s4 =	sadd.s32 s5, s19  }
0x9d: {  	s8 =	simm.s32 $0x0;
	s20 =	sshll.u32 s6, $0x1;
	s6 =	sadd.s32 s21, s4  }
0x9e: {  	[timem:s8], [sflag:s22] =	dma.local [hbm:s6], s20  }
0x9f: {  	_ =	swait.ge [sflag:s22], s20  }
0xa0: {  	s5 =	ssub.s32 $0x0, s20;
	[sflag:s22] =	ssyncset.done $0x0  }
0xa1: {  	[sflag:s22] =	ssyncadd.s32 s5;
	_ =	sdelay $0x1  }
0xa2: {  	s23 =	simm.s32 $0x1B8B  }
0xa3: {  	_ =	swait.ge [sflag:s23], $0x1  }
0xa4: {  	[sflag:s23] =	ssyncset.done $0x0  }
0xa5: {  	s25 =	simm.s32 $0x1B8E;
	s24 =	sld [smem:$0x3FFE];
	[sflag:s23] =	ssyncadd.s32 $0xFFFFFFFF  }
0xa6: {  	s26 =	simm.s32 $execute0_lowered;
	[smem:$0x3FD2] =	sst s25  }
0xa7: {  	s6 =	sshll.u32 s26, $0x1;
	_ =	strace $0x80000046;
	[dreg:$0x1] =	wrdreg $0xFFFFFFFF  }
0xa8: {  	s28 =	simm.s32 $_size_execute0_lowered;
	s4 =	sadd.s32 s4, s6;
	[dreg:$0x0] =	wrdreg $0x0  }
0xa9: {  	s6 =	sshll.u32 s28, $0x1;
	[dreg:$0x2] =	wrdreg s4  }
0xaa: {  	[dreg:$0x3] =	wrdreg s6  }
0xab: {  	[dreg:$0x4] =	wrdreg $0xC0  }
0xac: {  	_ =	task [dreg:s8], $0x5FFFF  }
0xad: {  	[dreg:$0x1] =	wrdreg $0xFFFFFFFF  }
0xae: {  	[dreg:$0x0] =	wrdreg $0x60  }
0xaf: {  	[dreg:$0x2] =	wrdreg s2  }
0xb0: {  	[dreg:$0x3] =	wrdreg s24  }
0xb1: {  	[dreg:$0x4] =	wrdreg s18  }
0xb2: {  	[dreg:$0x5] =	wrdreg $0x9  }
0xb3: {  	_ =	task.clear_ibuf [dreg:s8], $0x6FFFF;
	_ =	strace $0x90000046  }
0xb4: {  	s29 =	simm.s32 $0x9;
	_ =	strace $0x80000048  }
0xb5: {  	_ =	swait.ge [sflag:s29], $0x1  }
0xb6: {  	[sflag:s29] =	ssyncadd.s32 $0xFFFFFFFF  }
0xb7: {  	_ =	strace $0x90000048  }
0xb8: {  	_ =	sfence  }
0xb9: {  	s30 =	sld [smem:$0x0];
	_ =	sdelay $0x2  }
0xba: {  	s31 =	sshll.u32 s1, $0xD;
	s1 =	sshrl.u32 s1, $0x2  }
0xbb: {  	s3 =	sand.u32 $0x4000, s31;
	s1 =	sadd.s32 s1, s30  }
0xbc: {  	s0 =	sor.u32 s3, s0;
	s1 =	sshll.u32 s1, $0x11  }
0xbd: {  	s0 =	sor.u32 s1, s0  }
0xbe: {  	s0 =	sadd.s32 $0x8F2B, s0  }
0xbf: {  	[sflag:s0] =	ssyncadd.remote.s32 $0x1  }
0xc0: {  	_ =	sfence.sel $0xFFFF  }
0xc1: {  	[dreg:$0x0] =	wrdreg $0xFFFFFFFF;
	(pc) =	sbr.abs _section_cstart, $3  }
0xc2: {  	[dreg:$0x1] =	wrdreg $0xFFFFFFFF  }
0xc3: {  	_ =	task.clear_ibuf [dreg:s8], $0x2FFFF;
	_ =	strace $0x9FFFFFFF  }
0xc4: {  	(tm) =	ssettm $0x7FFFFFFF  }
0xc5: {  	_ =	shalt  }
tec
execute0_lowered:
.L_overlay_start_1:
0x0: {  	(tag) =	ssettag $0x1  }
0x1: {  	s11 =	rddreg [dreg:$0x0]  }
0x2: {  	s4 =	rddreg [dreg:$0x1]  }
0x3: {  	s0 =	srdreg.scid;
	s1 =	stileid.u32  }
0x4: {  	s2 =	rddreg [dreg:$0x2];
	s3 =	simm.s32 $0x0;
	s6 =	smul.u32 $0x56, s1  }
0x5: {  	s10 =	sand.u32 $0x1, s0;
	s0 =	rddreg [dreg:$0x3];
	s7 =	smul.u32 $0x18700, s1  }
0x6: {  	[smem:$0x7FF] =	sst s3;
	s5 =	smul.u32 $0x187000, s10  }
0x7: {  	s13 =	sadd.s32 $0x400, s4;
	p0 =	seq.s32 s1, $0xF;
	s8 =	smul.u32 $0x5, s10  }
0x8: {  	_ =	strace $0x80000047;
	s19 =	ssub.s32 $0x2, s10;
	s29 =	smul.u32 $0x1400, s10  }
0x9: {  	s18 =	smul.u32 $0xA00, s10;
	s12 =	sshrl.u32 s6, $0x8;
	s20 =	sshrl.u32 s19, $0x1  }
0xa: {  	s5 =	sadd.s32 s7, s5;
	s6 =	smul.u32 $0x3, s12;
	s15 =	ssub.s32 s19, s20  }
0xb: {  	s30 =	sshll.u32 s12, $0xA;
	s18 =	sadd.s32 s18, s11;
	s5 =	sshrl.u32 s5, $0x3  }
0xc: {  	s19 =	simm.s32 $0x0;
	s14 =	sadd.s32 s5, s4;
	s21 =	ssub.s32 s1, s6  }
0xd: {  	s4 =	sadd.s32 s12, s8;
	s12 =	sshll.u32 s12, $0x9;
	s16 =	sand.u32 $0xFF, s21  }
0xe: {  	s22 =	sshll.u32 s4, $0xD;
	s24 =	sadd.s32 $0xA, s4;
	s8 =	sshll.u32 s4, $0x9  }
0xf: {  	s10 =	ssub.s32 $0xC2B, s4;
	s31 =	sadd.s32 s12, s18;
	s12 =	smax.u32 s15, $0x1  }
0x10: {  	s15 =	simm.s32 $0x1;
	s18 =	simm.s32 $0x4;
	s23 =	sshll.u32 s16, $0x7  }
0x11: {  	s17 =	sshll.u32 s24, $0xD;
	s5 =	sadd.s32 s11, s8;
	s7 =	sshll.u32 s24, $0x9  }
0x12: {  	s16 =	sshll.u32 s16, $0x4;
	s9 =	sor.u32 s23, s22;
	s26 =	sor.u32 s23, s17  }
.Ltmp0:
0x13: {  	s25 =	sshrl.u32 s9, $0x3;
	s28 =	sshrl.u32 s26, $0x3;
	(pc) =	sbr.rel .LBB2_1-.Ltmp0, $4  }
0x14: {  	s6 =	sadd.s32 s13, s25;
	s8 =	sadd.s32 s13, s28;
	s13 =	sadd.s32 s29, s13  }
0x15: {  	s7 =	sadd.s32 s11, s7;
	s11 =	sadd.s32 $0x30D800, s14;
	s13 =	sadd.s32 s30, s13  }
0x16: {  	s17 =	simm.s32 $0x2;
	s9 =	ssub.s32 $0xC35, s4;
	s16 =	sadd.s32 s16, s13  }
0x17: {  	s13 =	sadd.s32 $0x3C00, s31;
	s14 =	sadd.s32 $0x7800, s16;
	s16 =	simm.s32 $0x3  }
.LBB2_7:
0x18: {  	s20 =	simm.s32 @!p0 $0x0;
	s19 =	sadd.s32 $0x1, s19  }
0x19: {  	[hbm4b:s11+s20] =	stream.linear.scatter @!p0 [tilespmem:s20], [sflag:$0x5], $0x18700, $0x38;
	[tilespmem:$0x1A700] =	vst v63  }
0x1a: {  	p1 =	sne.s32 s19, s12  }
.Ltmp1:
0x1b: {  	_ = 	snop;
	(pc) =	sbr.rel @!p1 .LBB2_8-.Ltmp1, $4  }
0x1c: {  	s20 =	simm.s32 @!p0 $0x5  }
0x1d: {  	_ =	swait.ge @!p0 [sflag:s20], $0x18700  }
0x1e: {  	[sflag:s20] =	ssyncset.done @!p0 $0x0  }
0x1f: {  	[sflag:s20] =	ssyncadd.s32 @!p0 $0xFFFE7900  }
.LBB2_1:
0x20: {  	s20 =	simm.s32 @!p0 $0x0  }
0x21: {  	[tilespmem:s20], [sflag:$0x5] =	stream.linear.gather @!p0 [hbm4b:s2+s20], $0x18700, $0x38;
	[tilespmem:$0x1A700] =	vst v63  }
0x22: {  	s20 =	simm.s32 @!p0 $0x5  }
0x23: {  	_ =	swait.ge @!p0 [sflag:s20], $0x18700  }
0x24: {  	s21 =	simm.s32 @!p0 $0x100;
	[sflag:s20] =	ssyncset.done @!p0 $0x0  }
0x25: {  	s22 =	simm.s32 @!p0 $0x18700;
	[sflag:s20] =	ssyncadd.s32 @!p0 $0xFFFE7900;
	s20 =	simm.s32 @!p0 $0x80  }
0x26: {  	[tilespmem:s22], [sflag:$0x1] =	stream.strided.gather @!p0 [hbm4b:s5+s20], $0x800, s21, s20, $0x38;
	[tilespmem:$0x1A700] =	vst v63  }
0x27: {  	s23 =	simm.s32 @!p0 $0x19700;
	s22 =	simm.s32 @!p0 $0x200  }
0x28: {  	[tilespmem:s23], [sflag:$0x3] =	stream.strided.gather @!p0 [hbm4b:s6+s20], $0x800, s22, s20, $0x38;
	[tilespmem:$0x1A700] =	vst v63  }
.Ltmp2:
0x29: {  	s23 =	simm.s32 @!p0 $0x18F00;
	(pc) =	sbr.rel .LBB2_2-.Ltmp2, $4  }
0x2a: {  	[tilespmem:s23], [sflag:$0x2] =	stream.strided.gather @!p0 [hbm4b:s7+s20], $0x800, s21, s20, $0x38;
	[tilespmem:$0x1A700] =	vst v63  }
0x2b: {  	s21 =	simm.s32 @!p0 $0x19F00  }
0x2c: {  	[tilespmem:s21], [sflag:$0x4] =	stream.strided.gather @!p0 [hbm4b:s8+s20], $0x800, s22, s20, $0x38;
	[tilespmem:$0x1A700] =	vst v63  }
0x2d: {  	s20 =	smov.u32 s14;
	s21 =	smov.u32 s13;
	s22 =	simm.s32 $0x0  }
.LBB2_6:
0x2e: {  	s23 =	sadd.s32 $0x1E, s23  }
0x2f: {  	p1 =	sgt.u32 @!p0 s23, $0xC34  }
0x30: {  	p1 =	por p1, p0  }
0x31: {  	s23 =	simm.s32 @!p1 $0x80;
	s24 =	simm.s32 @!p1 $0x100;
	s25 =	simm.s32 @!p1 $0x18F00  }
0x32: {  	[tilespmem:s25], [sflag:$0x2] =	stream.strided.gather @!p1 [hbm4b:s21+s23], $0x800, s24, s23, $0x38;
	[tilespmem:$0x1A700] =	vst v63  }
0x33: {  	s22 =	sadd.s32 $0x14, s22;
	s24 =	simm.s32 @!p1 $0x200;
	s25 =	simm.s32 @!p1 $0x19F00  }
0x34: {  	[tilespmem:s25], [sflag:$0x4] =	stream.strided.gather @!p1 [hbm4b:s20+s23], $0x800, s24, s23, $0x38;
	[tilespmem:$0x1A700] =	vst v63  }
0x35: {  	p1 =	sne.s32 s22, $0xC44  }
.Ltmp3:
0x36: {  	_ = 	snop;
	(pc) =	sbr.rel @!p1 .LBB2_7-.Ltmp3, $2  }
0x37: {  	_ =	sdelay $0x2  }
0x38: {  	s21 =	sadd.s32 $0x2800, s21;
	s20 =	sadd.s32 $0x5000, s20  }
.LBB2_2:
0x39: {  	p1 =	sge.u32 @!p0 s22, s9  }
0x3a: {  	p1 =	por p0, p1  }
.Ltmp4:
0x3b: {  	_ = 	snop;
	(pc) =	sbr.rel @p1 .LBB2_4-.Ltmp4, $1  }
0x3c: {  	_ =	sdelay $0x3  }
0x3d: {  	_ =	swait.ge [sflag:s15], $0x800  }
0x3e: {  	[sflag:s15] =	ssyncset.done $0x0  }
0x3f: {  	[sflag:s15] =	ssyncadd.s32 $0xFFFFF800  }
0x40: {  	_ =	swait.ge [sflag:s16], $0x800  }
0x41: {  	[sflag:s16] =	ssyncset.done $0x0  }
0x42: {  	[sflag:s16] =	ssyncadd.s32 $0xFFFFF800  }
0x43: {  	v0 =	vld [tilespmem:$0x18700];
	_ =	sdelay $0x2  }
0x44: {  	v1 =	vld [tilespmem:$0x19700];
	_ =	sdelay $0x4  }
0x45: {  	[tilespmem:v0+s3+$0x0] =	vst.idx.add.f32.msk $0xffff, v1  }
0x46: {  	v0 =	vld [tilespmem:$0x18710];
	_ =	sdelay $0x2  }
0x47: {  	v1 =	vld [tilespmem:$0x19710];
	_ =	sdelay $0x4  }
0x48: {  	[tilespmem:v0+s3+$0x0] =	vst.idx.add.f32.msk $0xffff, v1  }
0x49: {  	v0 =	vld [tilespmem:$0x18720];
	_ =	sdelay $0x2  }
0x4a: {  	v1 =	vld [tilespmem:$0x19720];
	_ =	sdelay $0x4  }
0x4b: {  	[tilespmem:v0+s3+$0x0] =	vst.idx.add.f32.msk $0xffff, v1  }
0x4c: {  	v0 =	vld [tilespmem:$0x18730];
	_ =	sdelay $0x2  }
0x4d: {  	v1 =	vld [tilespmem:$0x19730];
	_ =	sdelay $0x4  }
0x4e: {  	[tilespmem:v0+s3+$0x0] =	vst.idx.add.f32.msk $0xffff, v1  }
0x4f: {  	v0 =	vld [tilespmem:$0x18740];
	_ =	sdelay $0x2  }
0x50: {  	v1 =	vld [tilespmem:$0x19740];
	_ =	sdelay $0x4  }
0x51: {  	[tilespmem:v0+s3+$0x0] =	vst.idx.add.f32.msk $0xffff, v1  }
0x52: {  	v0 =	vld [tilespmem:$0x18750];
	_ =	sdelay $0x2  }
0x53: {  	v1 =	vld [tilespmem:$0x19750];
	_ =	sdelay $0x4  }
0x54: {  	[tilespmem:v0+s3+$0x0] =	vst.idx.add.f32.msk $0xffff, v1  }
0x55: {  	v0 =	vld [tilespmem:$0x18760];
	_ =	sdelay $0x2  }
0x56: {  	v1 =	vld [tilespmem:$0x19760];
	_ =	sdelay $0x4  }
0x57: {  	[tilespmem:v0+s3+$0x0] =	vst.idx.add.f32.msk $0xffff, v1  }
0x58: {  	v0 =	vld [tilespmem:$0x18770];
	_ =	sdelay $0x2  }
0x59: {  	v1 =	vld [tilespmem:$0x19770];
	_ =	sdelay $0x4  }
0x5a: {  	[tilespmem:v0+s3+$0x0] =	vst.idx.add.f32.msk $0xffff, v1  }
0x5b: {  	v0 =	vld [tilespmem:$0x18780];
	_ =	sdelay $0x2  }
0x5c: {  	v1 =	vld [tilespmem:$0x19780];
	_ =	sdelay $0x4  }
0x5d: {  	[tilespmem:v0+s3+$0x0] =	vst.idx.add.f32.msk $0xffff, v1  }
0x5e: {  	v0 =	vld [tilespmem:$0x18790];
	_ =	sdelay $0x2  }
0x5f: {  	v1 =	vld [tilespmem:$0x19790];
	_ =	sdelay $0x4  }
0x60: {  	[tilespmem:v0+s3+$0x0] =	vst.idx.add.f32.msk $0xffff, v1  }
0x61: {  	v0 =	vld [tilespmem:$0x187A0];
	_ =	sdelay $0x2  }
0x62: {  	v1 =	vld [tilespmem:$0x197A0];
	_ =	sdelay $0x4  }
0x63: {  	[tilespmem:v0+s3+$0x0] =	vst.idx.add.f32.msk $0xffff, v1  }
0x64: {  	v0 =	vld [tilespmem:$0x187B0];
	_ =	sdelay $0x2  }
0x65: {  	v1 =	vld [tilespmem:$0x197B0];
	_ =	sdelay $0x4  }
0x66: {  	[tilespmem:v0+s3+$0x0] =	vst.idx.add.f32.msk $0xffff, v1  }
0x67: {  	v0 =	vld [tilespmem:$0x187C0];
	_ =	sdelay $0x2  }
0x68: {  	v1 =	vld [tilespmem:$0x197C0];
	_ =	sdelay $0x4  }
0x69: {  	[tilespmem:v0+s3+$0x0] =	vst.idx.add.f32.msk $0xffff, v1  }
0x6a: {  	v0 =	vld [tilespmem:$0x187D0];
	_ =	sdelay $0x2  }
0x6b: {  	v1 =	vld [tilespmem:$0x197D0];
	_ =	sdelay $0x4  }
0x6c: {  	[tilespmem:v0+s3+$0x0] =	vst.idx.add.f32.msk $0xffff, v1  }
0x6d: {  	v0 =	vld [tilespmem:$0x187E0];
	_ =	sdelay $0x2  }
0x6e: {  	v1 =	vld [tilespmem:$0x197E0];
	_ =	sdelay $0x4  }
0x6f: {  	[tilespmem:v0+s3+$0x0] =	vst.idx.add.f32.msk $0xffff, v1  }
0x70: {  	v0 =	vld [tilespmem:$0x187F0];
	_ =	sdelay $0x2  }
0x71: {  	v1 =	vld [tilespmem:$0x197F0];
	_ =	sdelay $0x4  }
0x72: {  	[tilespmem:v0+s3+$0x0] =	vst.idx.add.f32.msk $0xffff, v1  }
0x73: {  	v0 =	vld [tilespmem:$0x18800];
	_ =	sdelay $0x2  }
0x74: {  	v1 =	vld [tilespmem:$0x19800];
	_ =	sdelay $0x4  }
0x75: {  	[tilespmem:v0+s3+$0x0] =	vst.idx.add.f32.msk $0xffff, v1  }
0x76: {  	v0 =	vld [tilespmem:$0x18810];
	_ =	sdelay $0x2  }
0x77: {  	v1 =	vld [tilespmem:$0x19810];
	_ =	sdelay $0x4  }
0x78: {  	[tilespmem:v0+s3+$0x0] =	vst.idx.add.f32.msk $0xffff, v1  }
0x79: {  	v0 =	vld [tilespmem:$0x18820];
	_ =	sdelay $0x2  }
0x7a: {  	v1 =	vld [tilespmem:$0x19820];
	_ =	sdelay $0x4  }
0x7b: {  	[tilespmem:v0+s3+$0x0] =	vst.idx.add.f32.msk $0xffff, v1  }
0x7c: {  	v0 =	vld [tilespmem:$0x18830];
	_ =	sdelay $0x2  }
0x7d: {  	v1 =	vld [tilespmem:$0x19830];
	_ =	sdelay $0x4  }
0x7e: {  	[tilespmem:v0+s3+$0x0] =	vst.idx.add.f32.msk $0xffff, v1  }
0x7f: {  	v0 =	vld [tilespmem:$0x18840];
	_ =	sdelay $0x2  }
0x80: {  	v1 =	vld [tilespmem:$0x19840];
	_ =	sdelay $0x4  }
0x81: {  	[tilespmem:v0+s3+$0x0] =	vst.idx.add.f32.msk $0xffff, v1  }
0x82: {  	v0 =	vld [tilespmem:$0x18850];
	_ =	sdelay $0x2  }
0x83: {  	v1 =	vld [tilespmem:$0x19850];
	_ =	sdelay $0x4  }
0x84: {  	[tilespmem:v0+s3+$0x0] =	vst.idx.add.f32.msk $0xffff, v1  }
0x85: {  	v0 =	vld [tilespmem:$0x18860];
	_ =	sdelay $0x2  }
0x86: {  	v1 =	vld [tilespmem:$0x19860];
	_ =	sdelay $0x4  }
0x87: {  	[tilespmem:v0+s3+$0x0] =	vst.idx.add.f32.msk $0xffff, v1  }
0x88: {  	v0 =	vld [tilespmem:$0x18870];
	_ =	sdelay $0x2  }
0x89: {  	v1 =	vld [tilespmem:$0x19870];
	_ =	sdelay $0x4  }
0x8a: {  	[tilespmem:v0+s3+$0x0] =	vst.idx.add.f32.msk $0xffff, v1  }
0x8b: {  	v0 =	vld [tilespmem:$0x18880];
	_ =	sdelay $0x2  }
0x8c: {  	v1 =	vld [tilespmem:$0x19880];
	_ =	sdelay $0x4  }
0x8d: {  	[tilespmem:v0+s3+$0x0] =	vst.idx.add.f32.msk $0xffff, v1  }
0x8e: {  	v0 =	vld [tilespmem:$0x18890];
	_ =	sdelay $0x2  }
0x8f: {  	v1 =	vld [tilespmem:$0x19890];
	_ =	sdelay $0x4  }
0x90: {  	[tilespmem:v0+s3+$0x0] =	vst.idx.add.f32.msk $0xffff, v1  }
0x91: {  	v0 =	vld [tilespmem:$0x188A0];
	_ =	sdelay $0x2  }
0x92: {  	v1 =	vld [tilespmem:$0x198A0];
	_ =	sdelay $0x4  }
0x93: {  	[tilespmem:v0+s3+$0x0] =	vst.idx.add.f32.msk $0xffff, v1  }
0x94: {  	v0 =	vld [tilespmem:$0x188B0];
	_ =	sdelay $0x2  }
0x95: {  	v1 =	vld [tilespmem:$0x198B0];
	_ =	sdelay $0x4  }
0x96: {  	[tilespmem:v0+s3+$0x0] =	vst.idx.add.f32.msk $0xffff, v1  }
0x97: {  	v0 =	vld [tilespmem:$0x188C0];
	_ =	sdelay $0x2  }
0x98: {  	v1 =	vld [tilespmem:$0x198C0];
	_ =	sdelay $0x4  }
0x99: {  	[tilespmem:v0+s3+$0x0] =	vst.idx.add.f32.msk $0xffff, v1  }
0x9a: {  	v0 =	vld [tilespmem:$0x188D0];
	_ =	sdelay $0x2  }
0x9b: {  	v1 =	vld [tilespmem:$0x198D0];
	_ =	sdelay $0x4  }
0x9c: {  	[tilespmem:v0+s3+$0x0] =	vst.idx.add.f32.msk $0xffff, v1  }
0x9d: {  	v0 =	vld [tilespmem:$0x188E0];
	_ =	sdelay $0x2  }
0x9e: {  	v1 =	vld [tilespmem:$0x198E0];
	_ =	sdelay $0x4  }
0x9f: {  	[tilespmem:v0+s3+$0x0] =	vst.idx.add.f32.msk $0xffff, v1  }
0xa0: {  	v0 =	vld [tilespmem:$0x188F0];
	_ =	sdelay $0x2  }
0xa1: {  	v1 =	vld [tilespmem:$0x198F0];
	_ =	sdelay $0x4  }
0xa2: {  	[tilespmem:v0+s3+$0x0] =	vst.idx.add.f32.msk $0xffff, v1  }
0xa3: {  	v0 =	vld [tilespmem:$0x18900];
	_ =	sdelay $0x2  }
0xa4: {  	v1 =	vld [tilespmem:$0x19900];
	_ =	sdelay $0x4  }
0xa5: {  	[tilespmem:v0+s3+$0x0] =	vst.idx.add.f32.msk $0xffff, v1  }
0xa6: {  	v0 =	vld [tilespmem:$0x18910];
	_ =	sdelay $0x2  }
0xa7: {  	v1 =	vld [tilespmem:$0x19910];
	_ =	sdelay $0x4  }
0xa8: {  	[tilespmem:v0+s3+$0x0] =	vst.idx.add.f32.msk $0xffff, v1  }
0xa9: {  	v0 =	vld [tilespmem:$0x18920];
	_ =	sdelay $0x2  }
0xaa: {  	v1 =	vld [tilespmem:$0x19920];
	_ =	sdelay $0x4  }
0xab: {  	[tilespmem:v0+s3+$0x0] =	vst.idx.add.f32.msk $0xffff, v1  }
0xac: {  	v0 =	vld [tilespmem:$0x18930];
	_ =	sdelay $0x2  }
0xad: {  	v1 =	vld [tilespmem:$0x19930];
	_ =	sdelay $0x4  }
0xae: {  	[tilespmem:v0+s3+$0x0] =	vst.idx.add.f32.msk $0xffff, v1  }
0xaf: {  	v0 =	vld [tilespmem:$0x18940];
	_ =	sdelay $0x2  }
0xb0: {  	v1 =	vld [tilespmem:$0x19940];
	_ =	sdelay $0x4  }
0xb1: {  	[tilespmem:v0+s3+$0x0] =	vst.idx.add.f32.msk $0xffff, v1  }
0xb2: {  	v0 =	vld [tilespmem:$0x18950];
	_ =	sdelay $0x2  }
0xb3: {  	v1 =	vld [tilespmem:$0x19950];
	_ =	sdelay $0x4  }
0xb4: {  	[tilespmem:v0+s3+$0x0] =	vst.idx.add.f32.msk $0xffff, v1  }
0xb5: {  	v0 =	vld [tilespmem:$0x18960];
	_ =	sdelay $0x2  }
0xb6: {  	v1 =	vld [tilespmem:$0x19960];
	_ =	sdelay $0x4  }
0xb7: {  	[tilespmem:v0+s3+$0x0] =	vst.idx.add.f32.msk $0xffff, v1  }
0xb8: {  	v0 =	vld [tilespmem:$0x18970];
	_ =	sdelay $0x2  }
0xb9: {  	v1 =	vld [tilespmem:$0x19970];
	_ =	sdelay $0x4  }
0xba: {  	[tilespmem:v0+s3+$0x0] =	vst.idx.add.f32.msk $0xffff, v1  }
0xbb: {  	v0 =	vld [tilespmem:$0x18980];
	_ =	sdelay $0x2  }
0xbc: {  	v1 =	vld [tilespmem:$0x19980];
	_ =	sdelay $0x4  }
0xbd: {  	[tilespmem:v0+s3+$0x0] =	vst.idx.add.f32.msk $0xffff, v1  }
0xbe: {  	v0 =	vld [tilespmem:$0x18990];
	_ =	sdelay $0x2  }
0xbf: {  	v1 =	vld [tilespmem:$0x19990];
	_ =	sdelay $0x4  }
0xc0: {  	[tilespmem:v0+s3+$0x0] =	vst.idx.add.f32.msk $0xffff, v1  }
0xc1: {  	v0 =	vld [tilespmem:$0x189A0];
	_ =	sdelay $0x2  }
0xc2: {  	v1 =	vld [tilespmem:$0x199A0];
	_ =	sdelay $0x4  }
0xc3: {  	[tilespmem:v0+s3+$0x0] =	vst.idx.add.f32.msk $0xffff, v1  }
0xc4: {  	v0 =	vld [tilespmem:$0x189B0];
	_ =	sdelay $0x2  }
0xc5: {  	v1 =	vld [tilespmem:$0x199B0];
	_ =	sdelay $0x4  }
0xc6: {  	[tilespmem:v0+s3+$0x0] =	vst.idx.add.f32.msk $0xffff, v1  }
0xc7: {  	v0 =	vld [tilespmem:$0x189C0];
	_ =	sdelay $0x2  }
0xc8: {  	v1 =	vld [tilespmem:$0x199C0];
	_ =	sdelay $0x4  }
0xc9: {  	[tilespmem:v0+s3+$0x0] =	vst.idx.add.f32.msk $0xffff, v1  }
0xca: {  	v0 =	vld [tilespmem:$0x189D0];
	_ =	sdelay $0x2  }
0xcb: {  	v1 =	vld [tilespmem:$0x199D0];
	_ =	sdelay $0x4  }
0xcc: {  	[tilespmem:v0+s3+$0x0] =	vst.idx.add.f32.msk $0xffff, v1  }
0xcd: {  	v0 =	vld [tilespmem:$0x189E0];
	_ =	sdelay $0x2  }
0xce: {  	v1 =	vld [tilespmem:$0x199E0];
	_ =	sdelay $0x4  }
0xcf: {  	[tilespmem:v0+s3+$0x0] =	vst.idx.add.f32.msk $0xffff, v1  }
0xd0: {  	v0 =	vld [tilespmem:$0x189F0];
	_ =	sdelay $0x2  }
0xd1: {  	v1 =	vld [tilespmem:$0x199F0];
	_ =	sdelay $0x4  }
0xd2: {  	[tilespmem:v0+s3+$0x0] =	vst.idx.add.f32.msk $0xffff, v1  }
0xd3: {  	v0 =	vld [tilespmem:$0x18A00];
	_ =	sdelay $0x2  }
0xd4: {  	v1 =	vld [tilespmem:$0x19A00];
	_ =	sdelay $0x4  }
0xd5: {  	[tilespmem:v0+s3+$0x0] =	vst.idx.add.f32.msk $0xffff, v1  }
0xd6: {  	v0 =	vld [tilespmem:$0x18A10];
	_ =	sdelay $0x2  }
0xd7: {  	v1 =	vld [tilespmem:$0x19A10];
	_ =	sdelay $0x4  }
0xd8: {  	[tilespmem:v0+s3+$0x0] =	vst.idx.add.f32.msk $0xffff, v1  }
0xd9: {  	v0 =	vld [tilespmem:$0x18A20];
	_ =	sdelay $0x2  }
0xda: {  	v1 =	vld [tilespmem:$0x19A20];
	_ =	sdelay $0x4  }
0xdb: {  	[tilespmem:v0+s3+$0x0] =	vst.idx.add.f32.msk $0xffff, v1  }
0xdc: {  	v0 =	vld [tilespmem:$0x18A30];
	_ =	sdelay $0x2  }
0xdd: {  	v1 =	vld [tilespmem:$0x19A30];
	_ =	sdelay $0x4  }
0xde: {  	[tilespmem:v0+s3+$0x0] =	vst.idx.add.f32.msk $0xffff, v1  }
0xdf: {  	v0 =	vld [tilespmem:$0x18A40];
	_ =	sdelay $0x2  }
0xe0: {  	v1 =	vld [tilespmem:$0x19A40];
	_ =	sdelay $0x4  }
0xe1: {  	[tilespmem:v0+s3+$0x0] =	vst.idx.add.f32.msk $0xffff, v1  }
0xe2: {  	v0 =	vld [tilespmem:$0x18A50];
	_ =	sdelay $0x2  }
0xe3: {  	v1 =	vld [tilespmem:$0x19A50];
	_ =	sdelay $0x4  }
0xe4: {  	[tilespmem:v0+s3+$0x0] =	vst.idx.add.f32.msk $0xffff, v1  }
0xe5: {  	v0 =	vld [tilespmem:$0x18A60];
	_ =	sdelay $0x2  }
0xe6: {  	v1 =	vld [tilespmem:$0x19A60];
	_ =	sdelay $0x4  }
0xe7: {  	[tilespmem:v0+s3+$0x0] =	vst.idx.add.f32.msk $0xffff, v1  }
0xe8: {  	v0 =	vld [tilespmem:$0x18A70];
	_ =	sdelay $0x2  }
0xe9: {  	v1 =	vld [tilespmem:$0x19A70];
	_ =	sdelay $0x4  }
0xea: {  	[tilespmem:v0+s3+$0x0] =	vst.idx.add.f32.msk $0xffff, v1  }
0xeb: {  	v0 =	vld [tilespmem:$0x18A80];
	_ =	sdelay $0x2  }
0xec: {  	v1 =	vld [tilespmem:$0x19A80];
	_ =	sdelay $0x4  }
0xed: {  	[tilespmem:v0+s3+$0x0] =	vst.idx.add.f32.msk $0xffff, v1  }
0xee: {  	v0 =	vld [tilespmem:$0x18A90];
	_ =	sdelay $0x2  }
0xef: {  	v1 =	vld [tilespmem:$0x19A90];
	_ =	sdelay $0x4  }
0xf0: {  	[tilespmem:v0+s3+$0x0] =	vst.idx.add.f32.msk $0xffff, v1  }
0xf1: {  	v0 =	vld [tilespmem:$0x18AA0];
	_ =	sdelay $0x2  }
0xf2: {  	v1 =	vld [tilespmem:$0x19AA0];
	_ =	sdelay $0x4  }
0xf3: {  	[tilespmem:v0+s3+$0x0] =	vst.idx.add.f32.msk $0xffff, v1  }
0xf4: {  	v0 =	vld [tilespmem:$0x18AB0];
	_ =	sdelay $0x2  }
0xf5: {  	v1 =	vld [tilespmem:$0x19AB0];
	_ =	sdelay $0x4  }
0xf6: {  	[tilespmem:v0+s3+$0x0] =	vst.idx.add.f32.msk $0xffff, v1  }
0xf7: {  	v0 =	vld [tilespmem:$0x18AC0];
	_ =	sdelay $0x2  }
0xf8: {  	v1 =	vld [tilespmem:$0x19AC0];
	_ =	sdelay $0x4  }
0xf9: {  	[tilespmem:v0+s3+$0x0] =	vst.idx.add.f32.msk $0xffff, v1  }
0xfa: {  	v0 =	vld [tilespmem:$0x18AD0];
	_ =	sdelay $0x2  }
0xfb: {  	v1 =	vld [tilespmem:$0x19AD0];
	_ =	sdelay $0x4  }
0xfc: {  	[tilespmem:v0+s3+$0x0] =	vst.idx.add.f32.msk $0xffff, v1  }
0xfd: {  	v0 =	vld [tilespmem:$0x18AE0];
	_ =	sdelay $0x2  }
0xfe: {  	v1 =	vld [tilespmem:$0x19AE0];
	_ =	sdelay $0x4  }
0xff: {  	[tilespmem:v0+s3+$0x0] =	vst.idx.add.f32.msk $0xffff, v1  }
0x100: {  	v0 =	vld [tilespmem:$0x18AF0];
	_ =	sdelay $0x2  }
0x101: {  	v1 =	vld [tilespmem:$0x19AF0];
	_ =	sdelay $0x4  }
0x102: {  	[tilespmem:v0+s3+$0x0] =	vst.idx.add.f32.msk $0xffff, v1  }
0x103: {  	v0 =	vld [tilespmem:$0x18B00];
	_ =	sdelay $0x2  }
0x104: {  	v1 =	vld [tilespmem:$0x19B00];
	_ =	sdelay $0x4  }
0x105: {  	[tilespmem:v0+s3+$0x0] =	vst.idx.add.f32.msk $0xffff, v1  }
0x106: {  	v0 =	vld [tilespmem:$0x18B10];
	_ =	sdelay $0x2  }
0x107: {  	v1 =	vld [tilespmem:$0x19B10];
	_ =	sdelay $0x4  }
0x108: {  	[tilespmem:v0+s3+$0x0] =	vst.idx.add.f32.msk $0xffff, v1  }
0x109: {  	v0 =	vld [tilespmem:$0x18B20];
	_ =	sdelay $0x2  }
0x10a: {  	v1 =	vld [tilespmem:$0x19B20];
	_ =	sdelay $0x4  }
0x10b: {  	[tilespmem:v0+s3+$0x0] =	vst.idx.add.f32.msk $0xffff, v1  }
0x10c: {  	v0 =	vld [tilespmem:$0x18B30];
	_ =	sdelay $0x2  }
0x10d: {  	v1 =	vld [tilespmem:$0x19B30];
	_ =	sdelay $0x4  }
0x10e: {  	[tilespmem:v0+s3+$0x0] =	vst.idx.add.f32.msk $0xffff, v1  }
0x10f: {  	v0 =	vld [tilespmem:$0x18B40];
	_ =	sdelay $0x2  }
0x110: {  	v1 =	vld [tilespmem:$0x19B40];
	_ =	sdelay $0x4  }
0x111: {  	[tilespmem:v0+s3+$0x0] =	vst.idx.add.f32.msk $0xffff, v1  }
0x112: {  	v0 =	vld [tilespmem:$0x18B50];
	_ =	sdelay $0x2  }
0x113: {  	v1 =	vld [tilespmem:$0x19B50];
	_ =	sdelay $0x4  }
0x114: {  	[tilespmem:v0+s3+$0x0] =	vst.idx.add.f32.msk $0xffff, v1  }
0x115: {  	v0 =	vld [tilespmem:$0x18B60];
	_ =	sdelay $0x2  }
0x116: {  	v1 =	vld [tilespmem:$0x19B60];
	_ =	sdelay $0x4  }
0x117: {  	[tilespmem:v0+s3+$0x0] =	vst.idx.add.f32.msk $0xffff, v1  }
0x118: {  	v0 =	vld [tilespmem:$0x18B70];
	_ =	sdelay $0x2  }
0x119: {  	v1 =	vld [tilespmem:$0x19B70];
	_ =	sdelay $0x4  }
0x11a: {  	[tilespmem:v0+s3+$0x0] =	vst.idx.add.f32.msk $0xffff, v1  }
0x11b: {  	v0 =	vld [tilespmem:$0x18B80];
	_ =	sdelay $0x2  }
0x11c: {  	v1 =	vld [tilespmem:$0x19B80];
	_ =	sdelay $0x4  }
0x11d: {  	[tilespmem:v0+s3+$0x0] =	vst.idx.add.f32.msk $0xffff, v1  }
0x11e: {  	v0 =	vld [tilespmem:$0x18B90];
	_ =	sdelay $0x2  }
0x11f: {  	v1 =	vld [tilespmem:$0x19B90];
	_ =	sdelay $0x4  }
0x120: {  	[tilespmem:v0+s3+$0x0] =	vst.idx.add.f32.msk $0xffff, v1  }
0x121: {  	v0 =	vld [tilespmem:$0x18BA0];
	_ =	sdelay $0x2  }
0x122: {  	v1 =	vld [tilespmem:$0x19BA0];
	_ =	sdelay $0x4  }
0x123: {  	[tilespmem:v0+s3+$0x0] =	vst.idx.add.f32.msk $0xffff, v1  }
0x124: {  	v0 =	vld [tilespmem:$0x18BB0];
	_ =	sdelay $0x2  }
0x125: {  	v1 =	vld [tilespmem:$0x19BB0];
	_ =	sdelay $0x4  }
0x126: {  	[tilespmem:v0+s3+$0x0] =	vst.idx.add.f32.msk $0xffff, v1  }
0x127: {  	v0 =	vld [tilespmem:$0x18BC0];
	_ =	sdelay $0x2  }
0x128: {  	v1 =	vld [tilespmem:$0x19BC0];
	_ =	sdelay $0x4  }
0x129: {  	[tilespmem:v0+s3+$0x0] =	vst.idx.add.f32.msk $0xffff, v1  }
0x12a: {  	v0 =	vld [tilespmem:$0x18BD0];
	_ =	sdelay $0x2  }
0x12b: {  	v1 =	vld [tilespmem:$0x19BD0];
	_ =	sdelay $0x4  }
0x12c: {  	[tilespmem:v0+s3+$0x0] =	vst.idx.add.f32.msk $0xffff, v1  }
0x12d: {  	v0 =	vld [tilespmem:$0x18BE0];
	_ =	sdelay $0x2  }
0x12e: {  	v1 =	vld [tilespmem:$0x19BE0];
	_ =	sdelay $0x4  }
0x12f: {  	[tilespmem:v0+s3+$0x0] =	vst.idx.add.f32.msk $0xffff, v1  }
0x130: {  	v0 =	vld [tilespmem:$0x18BF0];
	_ =	sdelay $0x2  }
0x131: {  	v1 =	vld [tilespmem:$0x19BF0];
	_ =	sdelay $0x4  }
0x132: {  	[tilespmem:v0+s3+$0x0] =	vst.idx.add.f32.msk $0xffff, v1  }
0x133: {  	v0 =	vld [tilespmem:$0x18C00];
	_ =	sdelay $0x2  }
0x134: {  	v1 =	vld [tilespmem:$0x19C00];
	_ =	sdelay $0x4  }
0x135: {  	[tilespmem:v0+s3+$0x0] =	vst.idx.add.f32.msk $0xffff, v1  }
0x136: {  	v0 =	vld [tilespmem:$0x18C10];
	_ =	sdelay $0x2  }
0x137: {  	v1 =	vld [tilespmem:$0x19C10];
	_ =	sdelay $0x4  }
0x138: {  	[tilespmem:v0+s3+$0x0] =	vst.idx.add.f32.msk $0xffff, v1  }
0x139: {  	v0 =	vld [tilespmem:$0x18C20];
	_ =	sdelay $0x2  }
0x13a: {  	v1 =	vld [tilespmem:$0x19C20];
	_ =	sdelay $0x4  }
0x13b: {  	[tilespmem:v0+s3+$0x0] =	vst.idx.add.f32.msk $0xffff, v1  }
0x13c: {  	v0 =	vld [tilespmem:$0x18C30];
	_ =	sdelay $0x2  }
0x13d: {  	v1 =	vld [tilespmem:$0x19C30];
	_ =	sdelay $0x4  }
0x13e: {  	[tilespmem:v0+s3+$0x0] =	vst.idx.add.f32.msk $0xffff, v1  }
0x13f: {  	v0 =	vld [tilespmem:$0x18C40];
	_ =	sdelay $0x2  }
0x140: {  	v1 =	vld [tilespmem:$0x19C40];
	_ =	sdelay $0x4  }
0x141: {  	[tilespmem:v0+s3+$0x0] =	vst.idx.add.f32.msk $0xffff, v1  }
0x142: {  	v0 =	vld [tilespmem:$0x18C50];
	_ =	sdelay $0x2  }
0x143: {  	v1 =	vld [tilespmem:$0x19C50];
	_ =	sdelay $0x4  }
0x144: {  	[tilespmem:v0+s3+$0x0] =	vst.idx.add.f32.msk $0xffff, v1  }
0x145: {  	v0 =	vld [tilespmem:$0x18C60];
	_ =	sdelay $0x2  }
0x146: {  	v1 =	vld [tilespmem:$0x19C60];
	_ =	sdelay $0x4  }
0x147: {  	[tilespmem:v0+s3+$0x0] =	vst.idx.add.f32.msk $0xffff, v1  }
0x148: {  	v0 =	vld [tilespmem:$0x18C70];
	_ =	sdelay $0x2  }
0x149: {  	v1 =	vld [tilespmem:$0x19C70];
	_ =	sdelay $0x4  }
0x14a: {  	[tilespmem:v0+s3+$0x0] =	vst.idx.add.f32.msk $0xffff, v1  }
0x14b: {  	v0 =	vld [tilespmem:$0x18C80];
	_ =	sdelay $0x2  }
0x14c: {  	v1 =	vld [tilespmem:$0x19C80];
	_ =	sdelay $0x4  }
0x14d: {  	[tilespmem:v0+s3+$0x0] =	vst.idx.add.f32.msk $0xffff, v1  }
0x14e: {  	v0 =	vld [tilespmem:$0x18C90];
	_ =	sdelay $0x2  }
0x14f: {  	v1 =	vld [tilespmem:$0x19C90];
	_ =	sdelay $0x4  }
0x150: {  	[tilespmem:v0+s3+$0x0] =	vst.idx.add.f32.msk $0xffff, v1  }
0x151: {  	v0 =	vld [tilespmem:$0x18CA0];
	_ =	sdelay $0x2  }
0x152: {  	v1 =	vld [tilespmem:$0x19CA0];
	_ =	sdelay $0x4  }
0x153: {  	[tilespmem:v0+s3+$0x0] =	vst.idx.add.f32.msk $0xffff, v1  }
0x154: {  	v0 =	vld [tilespmem:$0x18CB0];
	_ =	sdelay $0x2  }
0x155: {  	v1 =	vld [tilespmem:$0x19CB0];
	_ =	sdelay $0x4  }
0x156: {  	[tilespmem:v0+s3+$0x0] =	vst.idx.add.f32.msk $0xffff, v1  }
0x157: {  	v0 =	vld [tilespmem:$0x18CC0];
	_ =	sdelay $0x2  }
0x158: {  	v1 =	vld [tilespmem:$0x19CC0];
	_ =	sdelay $0x4  }
0x159: {  	[tilespmem:v0+s3+$0x0] =	vst.idx.add.f32.msk $0xffff, v1  }
0x15a: {  	v0 =	vld [tilespmem:$0x18CD0];
	_ =	sdelay $0x2  }
0x15b: {  	v1 =	vld [tilespmem:$0x19CD0];
	_ =	sdelay $0x4  }
0x15c: {  	[tilespmem:v0+s3+$0x0] =	vst.idx.add.f32.msk $0xffff, v1  }
0x15d: {  	v0 =	vld [tilespmem:$0x18CE0];
	_ =	sdelay $0x2  }
0x15e: {  	v1 =	vld [tilespmem:$0x19CE0];
	_ =	sdelay $0x4  }
0x15f: {  	[tilespmem:v0+s3+$0x0] =	vst.idx.add.f32.msk $0xffff, v1  }
0x160: {  	v0 =	vld [tilespmem:$0x18CF0];
	_ =	sdelay $0x2  }
0x161: {  	v1 =	vld [tilespmem:$0x19CF0];
	_ =	sdelay $0x4  }
0x162: {  	[tilespmem:v0+s3+$0x0] =	vst.idx.add.f32.msk $0xffff, v1  }
0x163: {  	v0 =	vld [tilespmem:$0x18D00];
	_ =	sdelay $0x2  }
0x164: {  	v1 =	vld [tilespmem:$0x19D00];
	_ =	sdelay $0x4  }
0x165: {  	[tilespmem:v0+s3+$0x0] =	vst.idx.add.f32.msk $0xffff, v1  }
0x166: {  	v0 =	vld [tilespmem:$0x18D10];
	_ =	sdelay $0x2  }
0x167: {  	v1 =	vld [tilespmem:$0x19D10];
	_ =	sdelay $0x4  }
0x168: {  	[tilespmem:v0+s3+$0x0] =	vst.idx.add.f32.msk $0xffff, v1  }
0x169: {  	v0 =	vld [tilespmem:$0x18D20];
	_ =	sdelay $0x2  }
0x16a: {  	v1 =	vld [tilespmem:$0x19D20];
	_ =	sdelay $0x4  }
0x16b: {  	[tilespmem:v0+s3+$0x0] =	vst.idx.add.f32.msk $0xffff, v1  }
0x16c: {  	v0 =	vld [tilespmem:$0x18D30];
	_ =	sdelay $0x2  }
0x16d: {  	v1 =	vld [tilespmem:$0x19D30];
	_ =	sdelay $0x4  }
0x16e: {  	[tilespmem:v0+s3+$0x0] =	vst.idx.add.f32.msk $0xffff, v1  }
0x16f: {  	v0 =	vld [tilespmem:$0x18D40];
	_ =	sdelay $0x2  }
0x170: {  	v1 =	vld [tilespmem:$0x19D40];
	_ =	sdelay $0x4  }
0x171: {  	[tilespmem:v0+s3+$0x0] =	vst.idx.add.f32.msk $0xffff, v1  }
0x172: {  	v0 =	vld [tilespmem:$0x18D50];
	_ =	sdelay $0x2  }
0x173: {  	v1 =	vld [tilespmem:$0x19D50];
	_ =	sdelay $0x4  }
0x174: {  	[tilespmem:v0+s3+$0x0] =	vst.idx.add.f32.msk $0xffff, v1  }
0x175: {  	v0 =	vld [tilespmem:$0x18D60];
	_ =	sdelay $0x2  }
0x176: {  	v1 =	vld [tilespmem:$0x19D60];
	_ =	sdelay $0x4  }
0x177: {  	[tilespmem:v0+s3+$0x0] =	vst.idx.add.f32.msk $0xffff, v1  }
0x178: {  	v0 =	vld [tilespmem:$0x18D70];
	_ =	sdelay $0x2  }
0x179: {  	v1 =	vld [tilespmem:$0x19D70];
	_ =	sdelay $0x4  }
0x17a: {  	[tilespmem:v0+s3+$0x0] =	vst.idx.add.f32.msk $0xffff, v1  }
0x17b: {  	v0 =	vld [tilespmem:$0x18D80];
	_ =	sdelay $0x2  }
0x17c: {  	v1 =	vld [tilespmem:$0x19D80];
	_ =	sdelay $0x4  }
0x17d: {  	[tilespmem:v0+s3+$0x0] =	vst.idx.add.f32.msk $0xffff, v1  }
0x17e: {  	v0 =	vld [tilespmem:$0x18D90];
	_ =	sdelay $0x2  }
0x17f: {  	v1 =	vld [tilespmem:$0x19D90];
	_ =	sdelay $0x4  }
0x180: {  	[tilespmem:v0+s3+$0x0] =	vst.idx.add.f32.msk $0xffff, v1  }
0x181: {  	v0 =	vld [tilespmem:$0x18DA0];
	_ =	sdelay $0x2  }
0x182: {  	v1 =	vld [tilespmem:$0x19DA0];
	_ =	sdelay $0x4  }
0x183: {  	[tilespmem:v0+s3+$0x0] =	vst.idx.add.f32.msk $0xffff, v1  }
0x184: {  	v0 =	vld [tilespmem:$0x18DB0];
	_ =	sdelay $0x2  }
0x185: {  	v1 =	vld [tilespmem:$0x19DB0];
	_ =	sdelay $0x4  }
0x186: {  	[tilespmem:v0+s3+$0x0] =	vst.idx.add.f32.msk $0xffff, v1  }
0x187: {  	v0 =	vld [tilespmem:$0x18DC0];
	_ =	sdelay $0x2  }
0x188: {  	v1 =	vld [tilespmem:$0x19DC0];
	_ =	sdelay $0x4  }
0x189: {  	[tilespmem:v0+s3+$0x0] =	vst.idx.add.f32.msk $0xffff, v1  }
0x18a: {  	v0 =	vld [tilespmem:$0x18DD0];
	_ =	sdelay $0x2  }
0x18b: {  	v1 =	vld [tilespmem:$0x19DD0];
	_ =	sdelay $0x4  }
0x18c: {  	[tilespmem:v0+s3+$0x0] =	vst.idx.add.f32.msk $0xffff, v1  }
0x18d: {  	v0 =	vld [tilespmem:$0x18DE0];
	_ =	sdelay $0x2  }
0x18e: {  	v1 =	vld [tilespmem:$0x19DE0];
	_ =	sdelay $0x4  }
0x18f: {  	[tilespmem:v0+s3+$0x0] =	vst.idx.add.f32.msk $0xffff, v1  }
0x190: {  	v0 =	vld [tilespmem:$0x18DF0];
	_ =	sdelay $0x2  }
0x191: {  	v1 =	vld [tilespmem:$0x19DF0];
	_ =	sdelay $0x4  }
0x192: {  	[tilespmem:v0+s3+$0x0] =	vst.idx.add.f32.msk $0xffff, v1  }
0x193: {  	v0 =	vld [tilespmem:$0x18E00];
	_ =	sdelay $0x2  }
0x194: {  	v1 =	vld [tilespmem:$0x19E00];
	_ =	sdelay $0x4  }
0x195: {  	[tilespmem:v0+s3+$0x0] =	vst.idx.add.f32.msk $0xffff, v1  }
0x196: {  	v0 =	vld [tilespmem:$0x18E10];
	_ =	sdelay $0x2  }
0x197: {  	v1 =	vld [tilespmem:$0x19E10];
	_ =	sdelay $0x4  }
0x198: {  	[tilespmem:v0+s3+$0x0] =	vst.idx.add.f32.msk $0xffff, v1  }
0x199: {  	v0 =	vld [tilespmem:$0x18E20];
	_ =	sdelay $0x2  }
0x19a: {  	v1 =	vld [tilespmem:$0x19E20];
	_ =	sdelay $0x4  }
0x19b: {  	[tilespmem:v0+s3+$0x0] =	vst.idx.add.f32.msk $0xffff, v1  }
0x19c: {  	v0 =	vld [tilespmem:$0x18E30];
	_ =	sdelay $0x2  }
0x19d: {  	v1 =	vld [tilespmem:$0x19E30];
	_ =	sdelay $0x4  }
0x19e: {  	[tilespmem:v0+s3+$0x0] =	vst.idx.add.f32.msk $0xffff, v1  }
0x19f: {  	v0 =	vld [tilespmem:$0x18E40];
	_ =	sdelay $0x2  }
0x1a0: {  	v1 =	vld [tilespmem:$0x19E40];
	_ =	sdelay $0x4  }
0x1a1: {  	[tilespmem:v0+s3+$0x0] =	vst.idx.add.f32.msk $0xffff, v1  }
0x1a2: {  	v0 =	vld [tilespmem:$0x18E50];
	_ =	sdelay $0x2  }
0x1a3: {  	v1 =	vld [tilespmem:$0x19E50];
	_ =	sdelay $0x4  }
0x1a4: {  	[tilespmem:v0+s3+$0x0] =	vst.idx.add.f32.msk $0xffff, v1  }
0x1a5: {  	v0 =	vld [tilespmem:$0x18E60];
	_ =	sdelay $0x2  }
0x1a6: {  	v1 =	vld [tilespmem:$0x19E60];
	_ =	sdelay $0x4  }
0x1a7: {  	[tilespmem:v0+s3+$0x0] =	vst.idx.add.f32.msk $0xffff, v1  }
0x1a8: {  	v0 =	vld [tilespmem:$0x18E70];
	_ =	sdelay $0x2  }
0x1a9: {  	v1 =	vld [tilespmem:$0x19E70];
	_ =	sdelay $0x4  }
0x1aa: {  	[tilespmem:v0+s3+$0x0] =	vst.idx.add.f32.msk $0xffff, v1  }
0x1ab: {  	v0 =	vld [tilespmem:$0x18E80];
	_ =	sdelay $0x2  }
0x1ac: {  	v1 =	vld [tilespmem:$0x19E80];
	_ =	sdelay $0x4  }
0x1ad: {  	[tilespmem:v0+s3+$0x0] =	vst.idx.add.f32.msk $0xffff, v1  }
0x1ae: {  	v0 =	vld [tilespmem:$0x18E90];
	_ =	sdelay $0x2  }
0x1af: {  	v1 =	vld [tilespmem:$0x19E90];
	_ =	sdelay $0x4  }
0x1b0: {  	[tilespmem:v0+s3+$0x0] =	vst.idx.add.f32.msk $0xffff, v1  }
0x1b1: {  	v0 =	vld [tilespmem:$0x18EA0];
	_ =	sdelay $0x2  }
0x1b2: {  	v1 =	vld [tilespmem:$0x19EA0];
	_ =	sdelay $0x4  }
0x1b3: {  	[tilespmem:v0+s3+$0x0] =	vst.idx.add.f32.msk $0xffff, v1  }
0x1b4: {  	v0 =	vld [tilespmem:$0x18EB0];
	_ =	sdelay $0x2  }
0x1b5: {  	v1 =	vld [tilespmem:$0x19EB0];
	_ =	sdelay $0x4  }
0x1b6: {  	[tilespmem:v0+s3+$0x0] =	vst.idx.add.f32.msk $0xffff, v1  }
0x1b7: {  	v0 =	vld [tilespmem:$0x18EC0];
	_ =	sdelay $0x2  }
0x1b8: {  	v1 =	vld [tilespmem:$0x19EC0];
	_ =	sdelay $0x4  }
0x1b9: {  	[tilespmem:v0+s3+$0x0] =	vst.idx.add.f32.msk $0xffff, v1  }
0x1ba: {  	v0 =	vld [tilespmem:$0x18ED0];
	_ =	sdelay $0x2  }
0x1bb: {  	v1 =	vld [tilespmem:$0x19ED0];
	_ =	sdelay $0x4  }
0x1bc: {  	[tilespmem:v0+s3+$0x0] =	vst.idx.add.f32.msk $0xffff, v1  }
0x1bd: {  	v0 =	vld [tilespmem:$0x18EE0];
	_ =	sdelay $0x2  }
0x1be: {  	v1 =	vld [tilespmem:$0x19EE0];
	_ =	sdelay $0x4  }
0x1bf: {  	[tilespmem:v0+s3+$0x0] =	vst.idx.add.f32.msk $0xffff, v1  }
0x1c0: {  	v0 =	vld [tilespmem:$0x18EF0];
	_ =	sdelay $0x2  }
0x1c1: {  	v1 =	vld [tilespmem:$0x19EF0];
	_ =	sdelay $0x4  }
0x1c2: {  	[tilespmem:v0+s3+$0x0] =	vst.idx.add.f32.msk $0xffff, v1  }
.LBB2_4:
0x1c3: {  	s23 =	sadd.s32 s22, s4  }
0x1c4: {  	s24 =	sadd.s32 $0x14, s23  }
0x1c5: {  	p1 =	sgt.u32 @!p0 s24, $0xC34  }
0x1c6: {  	p1 =	por p1, p0  }
0x1c7: {  	s24 =	sadd.s32 @!p1 $0xFFFFEC00, s21  }
0x1c8: {  	s25 =	simm.s32 @!p1 $0x80;
	s26 =	simm.s32 @!p1 $0x100;
	s28 =	simm.s32 @!p1 $0x18700  }
0x1c9: {  	[tilespmem:s28], [sflag:$0x1] =	stream.strided.gather @!p1 [hbm4b:s24+s25], $0x800, s26, s25, $0x38;
	[tilespmem:$0x1A700] =	vst v63  }
0x1ca: {  	s24 =	sadd.s32 @!p1 $0xFFFFD800, s20;
	s26 =	simm.s32 @!p1 $0x200;
	s28 =	simm.s32 @!p1 $0x19700  }
0x1cb: {  	[tilespmem:s28], [sflag:$0x3] =	stream.strided.gather @!p1 [hbm4b:s24+s25], $0x800, s26, s25, $0x38;
	[tilespmem:$0x1A700] =	vst v63  }
0x1cc: {  	p1 =	sge.u32 @!p0 s22, s10  }
0x1cd: {  	p1 =	por p0, p1  }
.Ltmp5:
0x1ce: {  	_ = 	snop;
	(pc) =	sbr.rel @p1 .LBB2_6-.Ltmp5, $1  }
0x1cf: {  	_ =	sdelay $0x3  }
0x1d0: {  	_ =	swait.ge [sflag:s17], $0x800  }
0x1d1: {  	[sflag:s17] =	ssyncset.done $0x0  }
0x1d2: {  	[sflag:s17] =	ssyncadd.s32 $0xFFFFF800  }
0x1d3: {  	_ =	swait.ge [sflag:s18], $0x800  }
0x1d4: {  	[sflag:s18] =	ssyncset.done $0x0  }
0x1d5: {  	[sflag:s18] =	ssyncadd.s32 $0xFFFFF800  }
0x1d6: {  	v0 =	vld [tilespmem:$0x18F00];
	_ =	sdelay $0x2  }
0x1d7: {  	v1 =	vld [tilespmem:$0x19F00];
	_ =	sdelay $0x4  }
0x1d8: {  	[tilespmem:v0+s3+$0x0] =	vst.idx.add.f32.msk $0xffff, v1  }
0x1d9: {  	v0 =	vld [tilespmem:$0x18F10];
	_ =	sdelay $0x2  }
0x1da: {  	v1 =	vld [tilespmem:$0x19F10];
	_ =	sdelay $0x4  }
0x1db: {  	[tilespmem:v0+s3+$0x0] =	vst.idx.add.f32.msk $0xffff, v1  }
0x1dc: {  	v0 =	vld [tilespmem:$0x18F20];
	_ =	sdelay $0x2  }
0x1dd: {  	v1 =	vld [tilespmem:$0x19F20];
	_ =	sdelay $0x4  }
0x1de: {  	[tilespmem:v0+s3+$0x0] =	vst.idx.add.f32.msk $0xffff, v1  }
0x1df: {  	v0 =	vld [tilespmem:$0x18F30];
	_ =	sdelay $0x2  }
0x1e0: {  	v1 =	vld [tilespmem:$0x19F30];
	_ =	sdelay $0x4  }
0x1e1: {  	[tilespmem:v0+s3+$0x0] =	vst.idx.add.f32.msk $0xffff, v1  }
0x1e2: {  	v0 =	vld [tilespmem:$0x18F40];
	_ =	sdelay $0x2  }
0x1e3: {  	v1 =	vld [tilespmem:$0x19F40];
	_ =	sdelay $0x4  }
0x1e4: {  	[tilespmem:v0+s3+$0x0] =	vst.idx.add.f32.msk $0xffff, v1  }
0x1e5: {  	v0 =	vld [tilespmem:$0x18F50];
	_ =	sdelay $0x2  }
0x1e6: {  	v1 =	vld [tilespmem:$0x19F50];
	_ =	sdelay $0x4  }
0x1e7: {  	[tilespmem:v0+s3+$0x0] =	vst.idx.add.f32.msk $0xffff, v1  }
0x1e8: {  	v0 =	vld [tilespmem:$0x18F60];
	_ =	sdelay $0x2  }
0x1e9: {  	v1 =	vld [tilespmem:$0x19F60];
	_ =	sdelay $0x4  }
0x1ea: {  	[tilespmem:v0+s3+$0x0] =	vst.idx.add.f32.msk $0xffff, v1  }
0x1eb: {  	v0 =	vld [tilespmem:$0x18F70];
	_ =	sdelay $0x2  }
0x1ec: {  	v1 =	vld [tilespmem:$0x19F70];
	_ =	sdelay $0x4  }
0x1ed: {  	[tilespmem:v0+s3+$0x0] =	vst.idx.add.f32.msk $0xffff, v1  }
0x1ee: {  	v0 =	vld [tilespmem:$0x18F80];
	_ =	sdelay $0x2  }
0x1ef: {  	v1 =	vld [tilespmem:$0x19F80];
	_ =	sdelay $0x4  }
0x1f0: {  	[tilespmem:v0+s3+$0x0] =	vst.idx.add.f32.msk $0xffff, v1  }
0x1f1: {  	v0 =	vld [tilespmem:$0x18F90];
	_ =	sdelay $0x2  }
0x1f2: {  	v1 =	vld [tilespmem:$0x19F90];
	_ =	sdelay $0x4  }
0x1f3: {  	[tilespmem:v0+s3+$0x0] =	vst.idx.add.f32.msk $0xffff, v1  }
0x1f4: {  	v0 =	vld [tilespmem:$0x18FA0];
	_ =	sdelay $0x2  }
0x1f5: {  	v1 =	vld [tilespmem:$0x19FA0];
	_ =	sdelay $0x4  }
0x1f6: {  	[tilespmem:v0+s3+$0x0] =	vst.idx.add.f32.msk $0xffff, v1  }
0x1f7: {  	v0 =	vld [tilespmem:$0x18FB0];
	_ =	sdelay $0x2  }
0x1f8: {  	v1 =	vld [tilespmem:$0x19FB0];
	_ =	sdelay $0x4  }
0x1f9: {  	[tilespmem:v0+s3+$0x0] =	vst.idx.add.f32.msk $0xffff, v1  }
0x1fa: {  	v0 =	vld [tilespmem:$0x18FC0];
	_ =	sdelay $0x2  }
0x1fb: {  	v1 =	vld [tilespmem:$0x19FC0];
	_ =	sdelay $0x4  }
0x1fc: {  	[tilespmem:v0+s3+$0x0] =	vst.idx.add.f32.msk $0xffff, v1  }
0x1fd: {  	v0 =	vld [tilespmem:$0x18FD0];
	_ =	sdelay $0x2  }
0x1fe: {  	v1 =	vld [tilespmem:$0x19FD0];
	_ =	sdelay $0x4  }
0x1ff: {  	[tilespmem:v0+s3+$0x0] =	vst.idx.add.f32.msk $0xffff, v1  }
0x200: {  	v0 =	vld [tilespmem:$0x18FE0];
	_ =	sdelay $0x2  }
0x201: {  	v1 =	vld [tilespmem:$0x19FE0];
	_ =	sdelay $0x4  }
0x202: {  	[tilespmem:v0+s3+$0x0] =	vst.idx.add.f32.msk $0xffff, v1  }
0x203: {  	v0 =	vld [tilespmem:$0x18FF0];
	_ =	sdelay $0x2  }
0x204: {  	v1 =	vld [tilespmem:$0x19FF0];
	_ =	sdelay $0x4  }
0x205: {  	[tilespmem:v0+s3+$0x0] =	vst.idx.add.f32.msk $0xffff, v1  }
0x206: {  	v0 =	vld [tilespmem:$0x19000];
	_ =	sdelay $0x2  }
0x207: {  	v1 =	vld [tilespmem:$0x1A000];
	_ =	sdelay $0x4  }
0x208: {  	[tilespmem:v0+s3+$0x0] =	vst.idx.add.f32.msk $0xffff, v1  }
0x209: {  	v0 =	vld [tilespmem:$0x19010];
	_ =	sdelay $0x2  }
0x20a: {  	v1 =	vld [tilespmem:$0x1A010];
	_ =	sdelay $0x4  }
0x20b: {  	[tilespmem:v0+s3+$0x0] =	vst.idx.add.f32.msk $0xffff, v1  }
0x20c: {  	v0 =	vld [tilespmem:$0x19020];
	_ =	sdelay $0x2  }
0x20d: {  	v1 =	vld [tilespmem:$0x1A020];
	_ =	sdelay $0x4  }
0x20e: {  	[tilespmem:v0+s3+$0x0] =	vst.idx.add.f32.msk $0xffff, v1  }
0x20f: {  	v0 =	vld [tilespmem:$0x19030];
	_ =	sdelay $0x2  }
0x210: {  	v1 =	vld [tilespmem:$0x1A030];
	_ =	sdelay $0x4  }
0x211: {  	[tilespmem:v0+s3+$0x0] =	vst.idx.add.f32.msk $0xffff, v1  }
0x212: {  	v0 =	vld [tilespmem:$0x19040];
	_ =	sdelay $0x2  }
0x213: {  	v1 =	vld [tilespmem:$0x1A040];
	_ =	sdelay $0x4  }
0x214: {  	[tilespmem:v0+s3+$0x0] =	vst.idx.add.f32.msk $0xffff, v1  }
0x215: {  	v0 =	vld [tilespmem:$0x19050];
	_ =	sdelay $0x2  }
0x216: {  	v1 =	vld [tilespmem:$0x1A050];
	_ =	sdelay $0x4  }
0x217: {  	[tilespmem:v0+s3+$0x0] =	vst.idx.add.f32.msk $0xffff, v1  }
0x218: {  	v0 =	vld [tilespmem:$0x19060];
	_ =	sdelay $0x2  }
0x219: {  	v1 =	vld [tilespmem:$0x1A060];
	_ =	sdelay $0x4  }
0x21a: {  	[tilespmem:v0+s3+$0x0] =	vst.idx.add.f32.msk $0xffff, v1  }
0x21b: {  	v0 =	vld [tilespmem:$0x19070];
	_ =	sdelay $0x2  }
0x21c: {  	v1 =	vld [tilespmem:$0x1A070];
	_ =	sdelay $0x4  }
0x21d: {  	[tilespmem:v0+s3+$0x0] =	vst.idx.add.f32.msk $0xffff, v1  }
0x21e: {  	v0 =	vld [tilespmem:$0x19080];
	_ =	sdelay $0x2  }
0x21f: {  	v1 =	vld [tilespmem:$0x1A080];
	_ =	sdelay $0x4  }
0x220: {  	[tilespmem:v0+s3+$0x0] =	vst.idx.add.f32.msk $0xffff, v1  }
0x221: {  	v0 =	vld [tilespmem:$0x19090];
	_ =	sdelay $0x2  }
0x222: {  	v1 =	vld [tilespmem:$0x1A090];
	_ =	sdelay $0x4  }
0x223: {  	[tilespmem:v0+s3+$0x0] =	vst.idx.add.f32.msk $0xffff, v1  }
0x224: {  	v0 =	vld [tilespmem:$0x190A0];
	_ =	sdelay $0x2  }
0x225: {  	v1 =	vld [tilespmem:$0x1A0A0];
	_ =	sdelay $0x4  }
0x226: {  	[tilespmem:v0+s3+$0x0] =	vst.idx.add.f32.msk $0xffff, v1  }
0x227: {  	v0 =	vld [tilespmem:$0x190B0];
	_ =	sdelay $0x2  }
0x228: {  	v1 =	vld [tilespmem:$0x1A0B0];
	_ =	sdelay $0x4  }
0x229: {  	[tilespmem:v0+s3+$0x0] =	vst.idx.add.f32.msk $0xffff, v1  }
0x22a: {  	v0 =	vld [tilespmem:$0x190C0];
	_ =	sdelay $0x2  }
0x22b: {  	v1 =	vld [tilespmem:$0x1A0C0];
	_ =	sdelay $0x4  }
0x22c: {  	[tilespmem:v0+s3+$0x0] =	vst.idx.add.f32.msk $0xffff, v1  }
0x22d: {  	v0 =	vld [tilespmem:$0x190D0];
	_ =	sdelay $0x2  }
0x22e: {  	v1 =	vld [tilespmem:$0x1A0D0];
	_ =	sdelay $0x4  }
0x22f: {  	[tilespmem:v0+s3+$0x0] =	vst.idx.add.f32.msk $0xffff, v1  }
0x230: {  	v0 =	vld [tilespmem:$0x190E0];
	_ =	sdelay $0x2  }
0x231: {  	v1 =	vld [tilespmem:$0x1A0E0];
	_ =	sdelay $0x4  }
0x232: {  	[tilespmem:v0+s3+$0x0] =	vst.idx.add.f32.msk $0xffff, v1  }
0x233: {  	v0 =	vld [tilespmem:$0x190F0];
	_ =	sdelay $0x2  }
0x234: {  	v1 =	vld [tilespmem:$0x1A0F0];
	_ =	sdelay $0x4  }
0x235: {  	[tilespmem:v0+s3+$0x0] =	vst.idx.add.f32.msk $0xffff, v1  }
0x236: {  	v0 =	vld [tilespmem:$0x19100];
	_ =	sdelay $0x2  }
0x237: {  	v1 =	vld [tilespmem:$0x1A100];
	_ =	sdelay $0x4  }
0x238: {  	[tilespmem:v0+s3+$0x0] =	vst.idx.add.f32.msk $0xffff, v1  }
0x239: {  	v0 =	vld [tilespmem:$0x19110];
	_ =	sdelay $0x2  }
0x23a: {  	v1 =	vld [tilespmem:$0x1A110];
	_ =	sdelay $0x4  }
0x23b: {  	[tilespmem:v0+s3+$0x0] =	vst.idx.add.f32.msk $0xffff, v1  }
0x23c: {  	v0 =	vld [tilespmem:$0x19120];
	_ =	sdelay $0x2  }
0x23d: {  	v1 =	vld [tilespmem:$0x1A120];
	_ =	sdelay $0x4  }
0x23e: {  	[tilespmem:v0+s3+$0x0] =	vst.idx.add.f32.msk $0xffff, v1  }
0x23f: {  	v0 =	vld [tilespmem:$0x19130];
	_ =	sdelay $0x2  }
0x240: {  	v1 =	vld [tilespmem:$0x1A130];
	_ =	sdelay $0x4  }
0x241: {  	[tilespmem:v0+s3+$0x0] =	vst.idx.add.f32.msk $0xffff, v1  }
0x242: {  	v0 =	vld [tilespmem:$0x19140];
	_ =	sdelay $0x2  }
0x243: {  	v1 =	vld [tilespmem:$0x1A140];
	_ =	sdelay $0x4  }
0x244: {  	[tilespmem:v0+s3+$0x0] =	vst.idx.add.f32.msk $0xffff, v1  }
0x245: {  	v0 =	vld [tilespmem:$0x19150];
	_ =	sdelay $0x2  }
0x246: {  	v1 =	vld [tilespmem:$0x1A150];
	_ =	sdelay $0x4  }
0x247: {  	[tilespmem:v0+s3+$0x0] =	vst.idx.add.f32.msk $0xffff, v1  }
0x248: {  	v0 =	vld [tilespmem:$0x19160];
	_ =	sdelay $0x2  }
0x249: {  	v1 =	vld [tilespmem:$0x1A160];
	_ =	sdelay $0x4  }
0x24a: {  	[tilespmem:v0+s3+$0x0] =	vst.idx.add.f32.msk $0xffff, v1  }
0x24b: {  	v0 =	vld [tilespmem:$0x19170];
	_ =	sdelay $0x2  }
0x24c: {  	v1 =	vld [tilespmem:$0x1A170];
	_ =	sdelay $0x4  }
0x24d: {  	[tilespmem:v0+s3+$0x0] =	vst.idx.add.f32.msk $0xffff, v1  }
0x24e: {  	v0 =	vld [tilespmem:$0x19180];
	_ =	sdelay $0x2  }
0x24f: {  	v1 =	vld [tilespmem:$0x1A180];
	_ =	sdelay $0x4  }
0x250: {  	[tilespmem:v0+s3+$0x0] =	vst.idx.add.f32.msk $0xffff, v1  }
0x251: {  	v0 =	vld [tilespmem:$0x19190];
	_ =	sdelay $0x2  }
0x252: {  	v1 =	vld [tilespmem:$0x1A190];
	_ =	sdelay $0x4  }
0x253: {  	[tilespmem:v0+s3+$0x0] =	vst.idx.add.f32.msk $0xffff, v1  }
0x254: {  	v0 =	vld [tilespmem:$0x191A0];
	_ =	sdelay $0x2  }
0x255: {  	v1 =	vld [tilespmem:$0x1A1A0];
	_ =	sdelay $0x4  }
0x256: {  	[tilespmem:v0+s3+$0x0] =	vst.idx.add.f32.msk $0xffff, v1  }
0x257: {  	v0 =	vld [tilespmem:$0x191B0];
	_ =	sdelay $0x2  }
0x258: {  	v1 =	vld [tilespmem:$0x1A1B0];
	_ =	sdelay $0x4  }
0x259: {  	[tilespmem:v0+s3+$0x0] =	vst.idx.add.f32.msk $0xffff, v1  }
0x25a: {  	v0 =	vld [tilespmem:$0x191C0];
	_ =	sdelay $0x2  }
0x25b: {  	v1 =	vld [tilespmem:$0x1A1C0];
	_ =	sdelay $0x4  }
0x25c: {  	[tilespmem:v0+s3+$0x0] =	vst.idx.add.f32.msk $0xffff, v1  }
0x25d: {  	v0 =	vld [tilespmem:$0x191D0];
	_ =	sdelay $0x2  }
0x25e: {  	v1 =	vld [tilespmem:$0x1A1D0];
	_ =	sdelay $0x4  }
0x25f: {  	[tilespmem:v0+s3+$0x0] =	vst.idx.add.f32.msk $0xffff, v1  }
0x260: {  	v0 =	vld [tilespmem:$0x191E0];
	_ =	sdelay $0x2  }
0x261: {  	v1 =	vld [tilespmem:$0x1A1E0];
	_ =	sdelay $0x4  }
0x262: {  	[tilespmem:v0+s3+$0x0] =	vst.idx.add.f32.msk $0xffff, v1  }
0x263: {  	v0 =	vld [tilespmem:$0x191F0];
	_ =	sdelay $0x2  }
0x264: {  	v1 =	vld [tilespmem:$0x1A1F0];
	_ =	sdelay $0x4  }
0x265: {  	[tilespmem:v0+s3+$0x0] =	vst.idx.add.f32.msk $0xffff, v1  }
0x266: {  	v0 =	vld [tilespmem:$0x19200];
	_ =	sdelay $0x2  }
0x267: {  	v1 =	vld [tilespmem:$0x1A200];
	_ =	sdelay $0x4  }
0x268: {  	[tilespmem:v0+s3+$0x0] =	vst.idx.add.f32.msk $0xffff, v1  }
0x269: {  	v0 =	vld [tilespmem:$0x19210];
	_ =	sdelay $0x2  }
0x26a: {  	v1 =	vld [tilespmem:$0x1A210];
	_ =	sdelay $0x4  }
0x26b: {  	[tilespmem:v0+s3+$0x0] =	vst.idx.add.f32.msk $0xffff, v1  }
0x26c: {  	v0 =	vld [tilespmem:$0x19220];
	_ =	sdelay $0x2  }
0x26d: {  	v1 =	vld [tilespmem:$0x1A220];
	_ =	sdelay $0x4  }
0x26e: {  	[tilespmem:v0+s3+$0x0] =	vst.idx.add.f32.msk $0xffff, v1  }
0x26f: {  	v0 =	vld [tilespmem:$0x19230];
	_ =	sdelay $0x2  }
0x270: {  	v1 =	vld [tilespmem:$0x1A230];
	_ =	sdelay $0x4  }
0x271: {  	[tilespmem:v0+s3+$0x0] =	vst.idx.add.f32.msk $0xffff, v1  }
0x272: {  	v0 =	vld [tilespmem:$0x19240];
	_ =	sdelay $0x2  }
0x273: {  	v1 =	vld [tilespmem:$0x1A240];
	_ =	sdelay $0x4  }
0x274: {  	[tilespmem:v0+s3+$0x0] =	vst.idx.add.f32.msk $0xffff, v1  }
0x275: {  	v0 =	vld [tilespmem:$0x19250];
	_ =	sdelay $0x2  }
0x276: {  	v1 =	vld [tilespmem:$0x1A250];
	_ =	sdelay $0x4  }
0x277: {  	[tilespmem:v0+s3+$0x0] =	vst.idx.add.f32.msk $0xffff, v1  }
0x278: {  	v0 =	vld [tilespmem:$0x19260];
	_ =	sdelay $0x2  }
0x279: {  	v1 =	vld [tilespmem:$0x1A260];
	_ =	sdelay $0x4  }
0x27a: {  	[tilespmem:v0+s3+$0x0] =	vst.idx.add.f32.msk $0xffff, v1  }
0x27b: {  	v0 =	vld [tilespmem:$0x19270];
	_ =	sdelay $0x2  }
0x27c: {  	v1 =	vld [tilespmem:$0x1A270];
	_ =	sdelay $0x4  }
0x27d: {  	[tilespmem:v0+s3+$0x0] =	vst.idx.add.f32.msk $0xffff, v1  }
0x27e: {  	v0 =	vld [tilespmem:$0x19280];
	_ =	sdelay $0x2  }
0x27f: {  	v1 =	vld [tilespmem:$0x1A280];
	_ =	sdelay $0x4  }
0x280: {  	[tilespmem:v0+s3+$0x0] =	vst.idx.add.f32.msk $0xffff, v1  }
0x281: {  	v0 =	vld [tilespmem:$0x19290];
	_ =	sdelay $0x2  }
0x282: {  	v1 =	vld [tilespmem:$0x1A290];
	_ =	sdelay $0x4  }
0x283: {  	[tilespmem:v0+s3+$0x0] =	vst.idx.add.f32.msk $0xffff, v1  }
0x284: {  	v0 =	vld [tilespmem:$0x192A0];
	_ =	sdelay $0x2  }
0x285: {  	v1 =	vld [tilespmem:$0x1A2A0];
	_ =	sdelay $0x4  }
0x286: {  	[tilespmem:v0+s3+$0x0] =	vst.idx.add.f32.msk $0xffff, v1  }
0x287: {  	v0 =	vld [tilespmem:$0x192B0];
	_ =	sdelay $0x2  }
0x288: {  	v1 =	vld [tilespmem:$0x1A2B0];
	_ =	sdelay $0x4  }
0x289: {  	[tilespmem:v0+s3+$0x0] =	vst.idx.add.f32.msk $0xffff, v1  }
0x28a: {  	v0 =	vld [tilespmem:$0x192C0];
	_ =	sdelay $0x2  }
0x28b: {  	v1 =	vld [tilespmem:$0x1A2C0];
	_ =	sdelay $0x4  }
0x28c: {  	[tilespmem:v0+s3+$0x0] =	vst.idx.add.f32.msk $0xffff, v1  }
0x28d: {  	v0 =	vld [tilespmem:$0x192D0];
	_ =	sdelay $0x2  }
0x28e: {  	v1 =	vld [tilespmem:$0x1A2D0];
	_ =	sdelay $0x4  }
0x28f: {  	[tilespmem:v0+s3+$0x0] =	vst.idx.add.f32.msk $0xffff, v1  }
0x290: {  	v0 =	vld [tilespmem:$0x192E0];
	_ =	sdelay $0x2  }
0x291: {  	v1 =	vld [tilespmem:$0x1A2E0];
	_ =	sdelay $0x4  }
0x292: {  	[tilespmem:v0+s3+$0x0] =	vst.idx.add.f32.msk $0xffff, v1  }
0x293: {  	v0 =	vld [tilespmem:$0x192F0];
	_ =	sdelay $0x2  }
0x294: {  	v1 =	vld [tilespmem:$0x1A2F0];
	_ =	sdelay $0x4  }
0x295: {  	[tilespmem:v0+s3+$0x0] =	vst.idx.add.f32.msk $0xffff, v1  }
0x296: {  	v0 =	vld [tilespmem:$0x19300];
	_ =	sdelay $0x2  }
0x297: {  	v1 =	vld [tilespmem:$0x1A300];
	_ =	sdelay $0x4  }
0x298: {  	[tilespmem:v0+s3+$0x0] =	vst.idx.add.f32.msk $0xffff, v1  }
0x299: {  	v0 =	vld [tilespmem:$0x19310];
	_ =	sdelay $0x2  }
0x29a: {  	v1 =	vld [tilespmem:$0x1A310];
	_ =	sdelay $0x4  }
0x29b: {  	[tilespmem:v0+s3+$0x0] =	vst.idx.add.f32.msk $0xffff, v1  }
0x29c: {  	v0 =	vld [tilespmem:$0x19320];
	_ =	sdelay $0x2  }
0x29d: {  	v1 =	vld [tilespmem:$0x1A320];
	_ =	sdelay $0x4  }
0x29e: {  	[tilespmem:v0+s3+$0x0] =	vst.idx.add.f32.msk $0xffff, v1  }
0x29f: {  	v0 =	vld [tilespmem:$0x19330];
	_ =	sdelay $0x2  }
0x2a0: {  	v1 =	vld [tilespmem:$0x1A330];
	_ =	sdelay $0x4  }
0x2a1: {  	[tilespmem:v0+s3+$0x0] =	vst.idx.add.f32.msk $0xffff, v1  }
0x2a2: {  	v0 =	vld [tilespmem:$0x19340];
	_ =	sdelay $0x2  }
0x2a3: {  	v1 =	vld [tilespmem:$0x1A340];
	_ =	sdelay $0x4  }
0x2a4: {  	[tilespmem:v0+s3+$0x0] =	vst.idx.add.f32.msk $0xffff, v1  }
0x2a5: {  	v0 =	vld [tilespmem:$0x19350];
	_ =	sdelay $0x2  }
0x2a6: {  	v1 =	vld [tilespmem:$0x1A350];
	_ =	sdelay $0x4  }
0x2a7: {  	[tilespmem:v0+s3+$0x0] =	vst.idx.add.f32.msk $0xffff, v1  }
0x2a8: {  	v0 =	vld [tilespmem:$0x19360];
	_ =	sdelay $0x2  }
0x2a9: {  	v1 =	vld [tilespmem:$0x1A360];
	_ =	sdelay $0x4  }
0x2aa: {  	[tilespmem:v0+s3+$0x0] =	vst.idx.add.f32.msk $0xffff, v1  }
0x2ab: {  	v0 =	vld [tilespmem:$0x19370];
	_ =	sdelay $0x2  }
0x2ac: {  	v1 =	vld [tilespmem:$0x1A370];
	_ =	sdelay $0x4  }
0x2ad: {  	[tilespmem:v0+s3+$0x0] =	vst.idx.add.f32.msk $0xffff, v1  }
0x2ae: {  	v0 =	vld [tilespmem:$0x19380];
	_ =	sdelay $0x2  }
0x2af: {  	v1 =	vld [tilespmem:$0x1A380];
	_ =	sdelay $0x4  }
0x2b0: {  	[tilespmem:v0+s3+$0x0] =	vst.idx.add.f32.msk $0xffff, v1  }
0x2b1: {  	v0 =	vld [tilespmem:$0x19390];
	_ =	sdelay $0x2  }
0x2b2: {  	v1 =	vld [tilespmem:$0x1A390];
	_ =	sdelay $0x4  }
0x2b3: {  	[tilespmem:v0+s3+$0x0] =	vst.idx.add.f32.msk $0xffff, v1  }
0x2b4: {  	v0 =	vld [tilespmem:$0x193A0];
	_ =	sdelay $0x2  }
0x2b5: {  	v1 =	vld [tilespmem:$0x1A3A0];
	_ =	sdelay $0x4  }
0x2b6: {  	[tilespmem:v0+s3+$0x0] =	vst.idx.add.f32.msk $0xffff, v1  }
0x2b7: {  	v0 =	vld [tilespmem:$0x193B0];
	_ =	sdelay $0x2  }
0x2b8: {  	v1 =	vld [tilespmem:$0x1A3B0];
	_ =	sdelay $0x4  }
0x2b9: {  	[tilespmem:v0+s3+$0x0] =	vst.idx.add.f32.msk $0xffff, v1  }
0x2ba: {  	v0 =	vld [tilespmem:$0x193C0];
	_ =	sdelay $0x2  }
0x2bb: {  	v1 =	vld [tilespmem:$0x1A3C0];
	_ =	sdelay $0x4  }
0x2bc: {  	[tilespmem:v0+s3+$0x0] =	vst.idx.add.f32.msk $0xffff, v1  }
0x2bd: {  	v0 =	vld [tilespmem:$0x193D0];
	_ =	sdelay $0x2  }
0x2be: {  	v1 =	vld [tilespmem:$0x1A3D0];
	_ =	sdelay $0x4  }
0x2bf: {  	[tilespmem:v0+s3+$0x0] =	vst.idx.add.f32.msk $0xffff, v1  }
0x2c0: {  	v0 =	vld [tilespmem:$0x193E0];
	_ =	sdelay $0x2  }
0x2c1: {  	v1 =	vld [tilespmem:$0x1A3E0];
	_ =	sdelay $0x4  }
0x2c2: {  	[tilespmem:v0+s3+$0x0] =	vst.idx.add.f32.msk $0xffff, v1  }
0x2c3: {  	v0 =	vld [tilespmem:$0x193F0];
	_ =	sdelay $0x2  }
0x2c4: {  	v1 =	vld [tilespmem:$0x1A3F0];
	_ =	sdelay $0x4  }
0x2c5: {  	[tilespmem:v0+s3+$0x0] =	vst.idx.add.f32.msk $0xffff, v1  }
0x2c6: {  	v0 =	vld [tilespmem:$0x19400];
	_ =	sdelay $0x2  }
0x2c7: {  	v1 =	vld [tilespmem:$0x1A400];
	_ =	sdelay $0x4  }
0x2c8: {  	[tilespmem:v0+s3+$0x0] =	vst.idx.add.f32.msk $0xffff, v1  }
0x2c9: {  	v0 =	vld [tilespmem:$0x19410];
	_ =	sdelay $0x2  }
0x2ca: {  	v1 =	vld [tilespmem:$0x1A410];
	_ =	sdelay $0x4  }
0x2cb: {  	[tilespmem:v0+s3+$0x0] =	vst.idx.add.f32.msk $0xffff, v1  }
0x2cc: {  	v0 =	vld [tilespmem:$0x19420];
	_ =	sdelay $0x2  }
0x2cd: {  	v1 =	vld [tilespmem:$0x1A420];
	_ =	sdelay $0x4  }
0x2ce: {  	[tilespmem:v0+s3+$0x0] =	vst.idx.add.f32.msk $0xffff, v1  }
0x2cf: {  	v0 =	vld [tilespmem:$0x19430];
	_ =	sdelay $0x2  }
0x2d0: {  	v1 =	vld [tilespmem:$0x1A430];
	_ =	sdelay $0x4  }
0x2d1: {  	[tilespmem:v0+s3+$0x0] =	vst.idx.add.f32.msk $0xffff, v1  }
0x2d2: {  	v0 =	vld [tilespmem:$0x19440];
	_ =	sdelay $0x2  }
0x2d3: {  	v1 =	vld [tilespmem:$0x1A440];
	_ =	sdelay $0x4  }
0x2d4: {  	[tilespmem:v0+s3+$0x0] =	vst.idx.add.f32.msk $0xffff, v1  }
0x2d5: {  	v0 =	vld [tilespmem:$0x19450];
	_ =	sdelay $0x2  }
0x2d6: {  	v1 =	vld [tilespmem:$0x1A450];
	_ =	sdelay $0x4  }
0x2d7: {  	[tilespmem:v0+s3+$0x0] =	vst.idx.add.f32.msk $0xffff, v1  }
0x2d8: {  	v0 =	vld [tilespmem:$0x19460];
	_ =	sdelay $0x2  }
0x2d9: {  	v1 =	vld [tilespmem:$0x1A460];
	_ =	sdelay $0x4  }
0x2da: {  	[tilespmem:v0+s3+$0x0] =	vst.idx.add.f32.msk $0xffff, v1  }
0x2db: {  	v0 =	vld [tilespmem:$0x19470];
	_ =	sdelay $0x2  }
0x2dc: {  	v1 =	vld [tilespmem:$0x1A470];
	_ =	sdelay $0x4  }
0x2dd: {  	[tilespmem:v0+s3+$0x0] =	vst.idx.add.f32.msk $0xffff, v1  }
0x2de: {  	v0 =	vld [tilespmem:$0x19480];
	_ =	sdelay $0x2  }
0x2df: {  	v1 =	vld [tilespmem:$0x1A480];
	_ =	sdelay $0x4  }
0x2e0: {  	[tilespmem:v0+s3+$0x0] =	vst.idx.add.f32.msk $0xffff, v1  }
0x2e1: {  	v0 =	vld [tilespmem:$0x19490];
	_ =	sdelay $0x2  }
0x2e2: {  	v1 =	vld [tilespmem:$0x1A490];
	_ =	sdelay $0x4  }
0x2e3: {  	[tilespmem:v0+s3+$0x0] =	vst.idx.add.f32.msk $0xffff, v1  }
0x2e4: {  	v0 =	vld [tilespmem:$0x194A0];
	_ =	sdelay $0x2  }
0x2e5: {  	v1 =	vld [tilespmem:$0x1A4A0];
	_ =	sdelay $0x4  }
0x2e6: {  	[tilespmem:v0+s3+$0x0] =	vst.idx.add.f32.msk $0xffff, v1  }
0x2e7: {  	v0 =	vld [tilespmem:$0x194B0];
	_ =	sdelay $0x2  }
0x2e8: {  	v1 =	vld [tilespmem:$0x1A4B0];
	_ =	sdelay $0x4  }
0x2e9: {  	[tilespmem:v0+s3+$0x0] =	vst.idx.add.f32.msk $0xffff, v1  }
0x2ea: {  	v0 =	vld [tilespmem:$0x194C0];
	_ =	sdelay $0x2  }
0x2eb: {  	v1 =	vld [tilespmem:$0x1A4C0];
	_ =	sdelay $0x4  }
0x2ec: {  	[tilespmem:v0+s3+$0x0] =	vst.idx.add.f32.msk $0xffff, v1  }
0x2ed: {  	v0 =	vld [tilespmem:$0x194D0];
	_ =	sdelay $0x2  }
0x2ee: {  	v1 =	vld [tilespmem:$0x1A4D0];
	_ =	sdelay $0x4  }
0x2ef: {  	[tilespmem:v0+s3+$0x0] =	vst.idx.add.f32.msk $0xffff, v1  }
0x2f0: {  	v0 =	vld [tilespmem:$0x194E0];
	_ =	sdelay $0x2  }
0x2f1: {  	v1 =	vld [tilespmem:$0x1A4E0];
	_ =	sdelay $0x4  }
0x2f2: {  	[tilespmem:v0+s3+$0x0] =	vst.idx.add.f32.msk $0xffff, v1  }
0x2f3: {  	v0 =	vld [tilespmem:$0x194F0];
	_ =	sdelay $0x2  }
0x2f4: {  	v1 =	vld [tilespmem:$0x1A4F0];
	_ =	sdelay $0x4  }
0x2f5: {  	[tilespmem:v0+s3+$0x0] =	vst.idx.add.f32.msk $0xffff, v1  }
0x2f6: {  	v0 =	vld [tilespmem:$0x19500];
	_ =	sdelay $0x2  }
0x2f7: {  	v1 =	vld [tilespmem:$0x1A500];
	_ =	sdelay $0x4  }
0x2f8: {  	[tilespmem:v0+s3+$0x0] =	vst.idx.add.f32.msk $0xffff, v1  }
0x2f9: {  	v0 =	vld [tilespmem:$0x19510];
	_ =	sdelay $0x2  }
0x2fa: {  	v1 =	vld [tilespmem:$0x1A510];
	_ =	sdelay $0x4  }
0x2fb: {  	[tilespmem:v0+s3+$0x0] =	vst.idx.add.f32.msk $0xffff, v1  }
0x2fc: {  	v0 =	vld [tilespmem:$0x19520];
	_ =	sdelay $0x2  }
0x2fd: {  	v1 =	vld [tilespmem:$0x1A520];
	_ =	sdelay $0x4  }
0x2fe: {  	[tilespmem:v0+s3+$0x0] =	vst.idx.add.f32.msk $0xffff, v1  }
0x2ff: {  	v0 =	vld [tilespmem:$0x19530];
	_ =	sdelay $0x2  }
0x300: {  	v1 =	vld [tilespmem:$0x1A530];
	_ =	sdelay $0x4  }
0x301: {  	[tilespmem:v0+s3+$0x0] =	vst.idx.add.f32.msk $0xffff, v1  }
0x302: {  	v0 =	vld [tilespmem:$0x19540];
	_ =	sdelay $0x2  }
0x303: {  	v1 =	vld [tilespmem:$0x1A540];
	_ =	sdelay $0x4  }
0x304: {  	[tilespmem:v0+s3+$0x0] =	vst.idx.add.f32.msk $0xffff, v1  }
0x305: {  	v0 =	vld [tilespmem:$0x19550];
	_ =	sdelay $0x2  }
0x306: {  	v1 =	vld [tilespmem:$0x1A550];
	_ =	sdelay $0x4  }
0x307: {  	[tilespmem:v0+s3+$0x0] =	vst.idx.add.f32.msk $0xffff, v1  }
0x308: {  	v0 =	vld [tilespmem:$0x19560];
	_ =	sdelay $0x2  }
0x309: {  	v1 =	vld [tilespmem:$0x1A560];
	_ =	sdelay $0x4  }
0x30a: {  	[tilespmem:v0+s3+$0x0] =	vst.idx.add.f32.msk $0xffff, v1  }
0x30b: {  	v0 =	vld [tilespmem:$0x19570];
	_ =	sdelay $0x2  }
0x30c: {  	v1 =	vld [tilespmem:$0x1A570];
	_ =	sdelay $0x4  }
0x30d: {  	[tilespmem:v0+s3+$0x0] =	vst.idx.add.f32.msk $0xffff, v1  }
0x30e: {  	v0 =	vld [tilespmem:$0x19580];
	_ =	sdelay $0x2  }
0x30f: {  	v1 =	vld [tilespmem:$0x1A580];
	_ =	sdelay $0x4  }
0x310: {  	[tilespmem:v0+s3+$0x0] =	vst.idx.add.f32.msk $0xffff, v1  }
0x311: {  	v0 =	vld [tilespmem:$0x19590];
	_ =	sdelay $0x2  }
0x312: {  	v1 =	vld [tilespmem:$0x1A590];
	_ =	sdelay $0x4  }
0x313: {  	[tilespmem:v0+s3+$0x0] =	vst.idx.add.f32.msk $0xffff, v1  }
0x314: {  	v0 =	vld [tilespmem:$0x195A0];
	_ =	sdelay $0x2  }
0x315: {  	v1 =	vld [tilespmem:$0x1A5A0];
	_ =	sdelay $0x4  }
0x316: {  	[tilespmem:v0+s3+$0x0] =	vst.idx.add.f32.msk $0xffff, v1  }
0x317: {  	v0 =	vld [tilespmem:$0x195B0];
	_ =	sdelay $0x2  }
0x318: {  	v1 =	vld [tilespmem:$0x1A5B0];
	_ =	sdelay $0x4  }
0x319: {  	[tilespmem:v0+s3+$0x0] =	vst.idx.add.f32.msk $0xffff, v1  }
0x31a: {  	v0 =	vld [tilespmem:$0x195C0];
	_ =	sdelay $0x2  }
0x31b: {  	v1 =	vld [tilespmem:$0x1A5C0];
	_ =	sdelay $0x4  }
0x31c: {  	[tilespmem:v0+s3+$0x0] =	vst.idx.add.f32.msk $0xffff, v1  }
0x31d: {  	v0 =	vld [tilespmem:$0x195D0];
	_ =	sdelay $0x2  }
0x31e: {  	v1 =	vld [tilespmem:$0x1A5D0];
	_ =	sdelay $0x4  }
0x31f: {  	[tilespmem:v0+s3+$0x0] =	vst.idx.add.f32.msk $0xffff, v1  }
0x320: {  	v0 =	vld [tilespmem:$0x195E0];
	_ =	sdelay $0x2  }
0x321: {  	v1 =	vld [tilespmem:$0x1A5E0];
	_ =	sdelay $0x4  }
0x322: {  	[tilespmem:v0+s3+$0x0] =	vst.idx.add.f32.msk $0xffff, v1  }
0x323: {  	v0 =	vld [tilespmem:$0x195F0];
	_ =	sdelay $0x2  }
0x324: {  	v1 =	vld [tilespmem:$0x1A5F0];
	_ =	sdelay $0x4  }
0x325: {  	[tilespmem:v0+s3+$0x0] =	vst.idx.add.f32.msk $0xffff, v1  }
0x326: {  	v0 =	vld [tilespmem:$0x19600];
	_ =	sdelay $0x2  }
0x327: {  	v1 =	vld [tilespmem:$0x1A600];
	_ =	sdelay $0x4  }
0x328: {  	[tilespmem:v0+s3+$0x0] =	vst.idx.add.f32.msk $0xffff, v1  }
0x329: {  	v0 =	vld [tilespmem:$0x19610];
	_ =	sdelay $0x2  }
0x32a: {  	v1 =	vld [tilespmem:$0x1A610];
	_ =	sdelay $0x4  }
0x32b: {  	[tilespmem:v0+s3+$0x0] =	vst.idx.add.f32.msk $0xffff, v1  }
0x32c: {  	v0 =	vld [tilespmem:$0x19620];
	_ =	sdelay $0x2  }
0x32d: {  	v1 =	vld [tilespmem:$0x1A620];
	_ =	sdelay $0x4  }
0x32e: {  	[tilespmem:v0+s3+$0x0] =	vst.idx.add.f32.msk $0xffff, v1  }
0x32f: {  	v0 =	vld [tilespmem:$0x19630];
	_ =	sdelay $0x2  }
0x330: {  	v1 =	vld [tilespmem:$0x1A630];
	_ =	sdelay $0x4  }
0x331: {  	[tilespmem:v0+s3+$0x0] =	vst.idx.add.f32.msk $0xffff, v1  }
0x332: {  	v0 =	vld [tilespmem:$0x19640];
	_ =	sdelay $0x2  }
0x333: {  	v1 =	vld [tilespmem:$0x1A640];
	_ =	sdelay $0x4  }
0x334: {  	[tilespmem:v0+s3+$0x0] =	vst.idx.add.f32.msk $0xffff, v1  }
0x335: {  	v0 =	vld [tilespmem:$0x19650];
	_ =	sdelay $0x2  }
0x336: {  	v1 =	vld [tilespmem:$0x1A650];
	_ =	sdelay $0x4  }
0x337: {  	[tilespmem:v0+s3+$0x0] =	vst.idx.add.f32.msk $0xffff, v1  }
0x338: {  	v0 =	vld [tilespmem:$0x19660];
	_ =	sdelay $0x2  }
0x339: {  	v1 =	vld [tilespmem:$0x1A660];
	_ =	sdelay $0x4  }
0x33a: {  	[tilespmem:v0+s3+$0x0] =	vst.idx.add.f32.msk $0xffff, v1  }
0x33b: {  	v0 =	vld [tilespmem:$0x19670];
	_ =	sdelay $0x2  }
0x33c: {  	v1 =	vld [tilespmem:$0x1A670];
	_ =	sdelay $0x4  }
0x33d: {  	[tilespmem:v0+s3+$0x0] =	vst.idx.add.f32.msk $0xffff, v1  }
0x33e: {  	v0 =	vld [tilespmem:$0x19680];
	_ =	sdelay $0x2  }
0x33f: {  	v1 =	vld [tilespmem:$0x1A680];
	_ =	sdelay $0x4  }
0x340: {  	[tilespmem:v0+s3+$0x0] =	vst.idx.add.f32.msk $0xffff, v1  }
0x341: {  	v0 =	vld [tilespmem:$0x19690];
	_ =	sdelay $0x2  }
0x342: {  	v1 =	vld [tilespmem:$0x1A690];
	_ =	sdelay $0x4  }
0x343: {  	[tilespmem:v0+s3+$0x0] =	vst.idx.add.f32.msk $0xffff, v1  }
0x344: {  	v0 =	vld [tilespmem:$0x196A0];
	_ =	sdelay $0x2  }
0x345: {  	v1 =	vld [tilespmem:$0x1A6A0];
	_ =	sdelay $0x4  }
0x346: {  	[tilespmem:v0+s3+$0x0] =	vst.idx.add.f32.msk $0xffff, v1  }
0x347: {  	v0 =	vld [tilespmem:$0x196B0];
	_ =	sdelay $0x2  }
0x348: {  	v1 =	vld [tilespmem:$0x1A6B0];
	_ =	sdelay $0x4  }
0x349: {  	[tilespmem:v0+s3+$0x0] =	vst.idx.add.f32.msk $0xffff, v1  }
0x34a: {  	v0 =	vld [tilespmem:$0x196C0];
	_ =	sdelay $0x2  }
0x34b: {  	v1 =	vld [tilespmem:$0x1A6C0];
	_ =	sdelay $0x4  }
0x34c: {  	[tilespmem:v0+s3+$0x0] =	vst.idx.add.f32.msk $0xffff, v1  }
0x34d: {  	v0 =	vld [tilespmem:$0x196D0];
	_ =	sdelay $0x2  }
0x34e: {  	v1 =	vld [tilespmem:$0x1A6D0];
	_ =	sdelay $0x4  }
0x34f: {  	[tilespmem:v0+s3+$0x0] =	vst.idx.add.f32.msk $0xffff, v1  }
0x350: {  	v0 =	vld [tilespmem:$0x196E0];
	_ =	sdelay $0x2  }
0x351: {  	v1 =	vld [tilespmem:$0x1A6E0];
	_ =	sdelay $0x4  }
0x352: {  	[tilespmem:v0+s3+$0x0] =	vst.idx.add.f32.msk $0xffff, v1  }
0x353: {  	v0 =	vld [tilespmem:$0x196F0];
	_ =	sdelay $0x2  }
0x354: {  	v1 =	vld [tilespmem:$0x1A6F0]  }
.Ltmp6:
0x355: {  	_ = 	snop;
	(pc) =	sbr.rel .LBB2_6-.Ltmp6, $2  }
0x356: {  	_ =	sdelay $0x2  }
0x357: {  	[tilespmem:v0+s3+$0x0] =	vst.idx.add.f32.msk $0xffff, v1  }
.LBB2_8:
0x358: {  	_ =	sfence.sel $0x180000  }
0x359: {  	[bflag:$0x0] =	sbarrier.arrive $0xFFFF  }
0x35a: {  	p0 =	sne.s32 s1, $0x0;
	_ =	strace $0x90000047  }
0x35b: {  	s0 =	sadd.s32 @!p0 $0x100000, s0;
	[bflag:$0x2] =	sbarrier.arrive $0xFFFF  }
0x35c: {  	[sflag:s0] =	ssyncadd.tile.s32 @!p0 $0x1;
	_ =	shalt  }
.Lfunc_end2:
_tile_overlayer_lowered:
.L_overlay_start_2:
0x35d: {  	(tag) =	ssettag $0x2  }
0x35e: {  	s0 =	rddreg [dreg:$0x0];
	s2 =	stileid.u32  }
0x35f: {  	s1 =	rddreg [dreg:$0x1];
	p0 =	sne.s32 s2, $0x0  }
0x360: {  	s3 =	rddreg [dreg:$0x2];
	[bflag:$0x3] =	sbarrier.arrive $0xFFFF;
	s2 =	simm.s32 @!p0 $0x1C05  }
0x361: {  	[timem:s3], [sflag:s2] =	dma.local @!p0 [hbm:s0], s1  }
0x362: {  	s0 =	simm.s32 @!p0 $0x5  }
0x363: {  	_ =	swait.ge @!p0 [sflag:s0], s1  }
0x364: {  	s1 =	ssub.s32 @!p0 $0x0, s1;
	[sflag:s0] =	ssyncset.done @!p0 $0x0  }
0x365: {  	[sflag:s0] =	ssyncadd.s32 @!p0 s1  }
0x366: {  	[bflag:$0x3] =	sbarrier.arrive $0xFFFF  }
0x367: {  	_ =	shalt  }

</sc_bundles>
